<compile_context>
chip_gen: v7x
topology: tpu7x:2x2x1
jax: 0.10.2.dev20260603
libtpu: 0.0.44.dev20260713+nightly
codegen_flags: <defaults>
</compile_context>

<pallas_src>
import functools

import jax
import jax.numpy as jnp
from jax import lax
from jax.experimental import pallas as pl
from jax.experimental.pallas import tpu as pltpu
from jax.experimental.pallas import tpu_sc as plsc

NC = 2
NS = 16
NW = NC * NS
LANES = 16
K = 128
NB = 2


def _rpt(n):
    return -(-(-(-n // NS)) // 8) * 8


def _sc_agg(n, nch, d):
    assert nch % (2 * NB) == 0
    rpt = n // NS
    assert rpt * NS == n and rpt % 8 == 0
    mesh = plsc.VectorSubcoreMesh(core_axis_name="c", subcore_axis_name="s", num_cores=NC, num_subcores=NS)

    def body(src_hbm, dst_hbm, y_hbm, out_hbm, sidx, didx, rows, gsems, ssems,
             isems, acc_sh):
        c = lax.axis_index("c")
        s = lax.axis_index("s")
        wid = c * NS + s
        row0 = s * rpt

        def idx_issue(ch, sl):
            pltpu.async_copy(src_hbm.at[wid, ch], sidx[sl], isems[sl])
            pltpu.async_copy(dst_hbm.at[wid, ch], didx[sl], isems[sl])

        def idx_wait(ch, sl):
            pltpu.make_async_copy(src_hbm.at[wid, ch], sidx[sl], isems[sl]).wait()
            pltpu.make_async_copy(dst_hbm.at[wid, ch], didx[sl], isems[sl]).wait()

        def gather_issue(sl, b):
            pltpu.async_copy(y_hbm.at[sidx[sl]], rows[b], gsems[b])

        def gather_wait(sl, b):
            pltpu.make_async_copy(y_hbm.at[sidx[sl]], rows[b], gsems[b]).wait()

        def scat_issue(sl, b):
            pltpu.async_copy(rows[b], acc_sh.at[didx[sl]], ssems[b], add=True,
                             priority=1)

        def scat_wait(sl, b):
            pltpu.make_async_copy(rows[b], acc_sh.at[didx[sl]], ssems[b]).wait()

        for u in range(2 * NB):
            idx_issue(u, u)
        pltpu.sync_copy(y_hbm.at[pl.ds(row0, rpt)], acc_sh.at[pl.ds(row0, rpt)])
        plsc.subcore_barrier()
        for b in range(NB):
            idx_wait(b, b)
            gather_issue(b, b)

        @pl.loop(0, nch, step=2 * NB)
        def _(i):
            for h in range(2):
                for b in range(NB):
                    sl = h * NB + b
                    gather_wait(sl, b)
                    scat_issue(sl, b)
                for b in range(NB):
                    sl = h * NB + b
                    nsl = (1 - h) * NB + b
                    scat_wait(sl, b)
                    refill = i + h * NB + b + 2 * NB
                    nxt = i + h * NB + b + NB

                    @pl.when(refill < nch)
                    def _():
                        idx_issue(refill, sl)

                    @pl.when(nxt < nch)
                    def _():
                        idx_wait(nxt, nsl)
                        gather_issue(nsl, b)

        plsc.subcore_barrier()
        pltpu.sync_copy(acc_sh.at[pl.ds(row0, rpt)], out_hbm.at[c, pl.ds(row0, rpt)])

    return pl.kernel(
        body,
        out_type=jax.ShapeDtypeStruct((NC, n, d), jnp.float32),
        mesh=mesh,
        scratch_types=[
            [pltpu.VMEM((K,), jnp.int32) for _ in range(2 * NB)],
            [pltpu.VMEM((K,), jnp.int32) for _ in range(2 * NB)],
            [pltpu.VMEM((K, d), jnp.float32) for _ in range(NB)],
            [pltpu.SemaphoreType.DMA for _ in range(NB)],
            [pltpu.SemaphoreType.DMA for _ in range(NB)],
            [pltpu.SemaphoreType.DMA for _ in range(2 * NB)],
            pltpu.VMEM_SHARED((n, d), jnp.float32),
        ],
    )


def _sc_deg(n, nch):
    ND = 4
    assert nch % ND == 0
    rpt = n // NS
    assert rpt * NS == n and rpt % 8 == 0
    mesh = plsc.VectorSubcoreMesh(core_axis_name="c", subcore_axis_name="s", num_cores=NC, num_subcores=NS)

    def body(dst_hbm, ones_hbm, out_hbm, didx, ones_v, ssems, isems, acc_sh):
        c = lax.axis_index("c")
        s = lax.axis_index("s")
        wid = c * NS + s
        row0 = s * rpt

        @pl.loop(0, K)
        def _(i):
            ones_v[i, :] = jnp.ones((LANES,), jnp.float32)

        def idx_issue(ch, sl):
            pltpu.async_copy(dst_hbm.at[wid, ch], didx[sl], isems[sl])

        def idx_wait(ch, sl):
            pltpu.make_async_copy(dst_hbm.at[wid, ch], didx[sl], isems[sl]).wait()

        for u in range(ND):
            idx_issue(u, u)
        pltpu.sync_copy(ones_hbm.at[pl.ds(row0, rpt)], acc_sh.at[pl.ds(row0, rpt)])
        plsc.subcore_barrier()

        @pl.loop(0, nch, step=ND)
        def _(i):
            for b in range(ND):
                idx_wait(i + b, b)
                pltpu.async_copy(ones_v, acc_sh.at[didx[b]], ssems[b], add=True)
            for b in range(ND):
                pltpu.make_async_copy(ones_v, acc_sh.at[didx[b]], ssems[b]).wait()

                @pl.when(i + ND + b < nch)
                def _():
                    idx_issue(i + ND + b, b)

        plsc.subcore_barrier()
        pltpu.sync_copy(acc_sh.at[pl.ds(row0, rpt)], out_hbm.at[c, pl.ds(row0, rpt)])

    return pl.kernel(
        body,
        out_type=jax.ShapeDtypeStruct((NC, n, LANES), jnp.float32),
        mesh=mesh,
        scratch_types=[
            [pltpu.VMEM((K,), jnp.int32) for _ in range(ND)],
            pltpu.VMEM((K, LANES), jnp.float32),
            [pltpu.SemaphoreType.DMA for _ in range(ND)],
            [pltpu.SemaphoreType.DMA for _ in range(ND)],
            pltpu.VMEM_SHARED((n, LANES), jnp.float32),
        ],
    )


BN = 2000


def _dinv_blk(deg_ref):
    d = deg_ref[0, :, 0] + deg_ref[1, :, 0] - 1.0
    return lax.rsqrt(d)[:, None]


def _tc_matmul(x, w, npad):
    n, f = x.shape
    h = w.shape[1]

    def body(x_ref, w_ref, y_ref):
        y_ref[...] = jnp.dot(x_ref[...], w_ref[...],
                             preferred_element_type=jnp.float32)

    return pl.pallas_call(
        body,
        grid=(n // BN,),
        in_specs=[
            pl.BlockSpec((BN, f), lambda i: (i, 0)),
            pl.BlockSpec((f, h), lambda i: (0, 0)),
        ],
        out_specs=pl.BlockSpec((BN, h), lambda i: (i, 0)),
        out_shape=jax.ShapeDtypeStruct((npad, h), jnp.float32),
    )(x, w)


def _tc_scale(degp, xw, n):
    npad, h = xw.shape

    def body(deg_ref, xw_ref, y_ref):
        y_ref[...] = _dinv_blk(deg_ref) * xw_ref[...]

    return pl.pallas_call(
        body,
        grid=(n // BN,),
        in_specs=[
            pl.BlockSpec((NC, BN, LANES), lambda i: (0, i, 0)),
            pl.BlockSpec((BN, h), lambda i: (i, 0)),
        ],
        out_specs=pl.BlockSpec((BN, h), lambda i: (i, 0)),
        out_shape=jax.ShapeDtypeStruct((npad, h), jnp.float32),
    )(degp, xw)


def _tc_mid(degp, p, y, b, w, n):
    npad, h = y.shape
    h2 = w.shape[1]

    def body(deg_ref, p_ref, y_ref, b_ref, w_ref, out_ref):
        dinv = _dinv_blk(deg_ref)
        pre = dinv * (p_ref[0] + p_ref[1] - y_ref[...]) + b_ref[...]
        act = jnp.maximum(pre, 0.0)
        out_ref[...] = dinv * jnp.dot(
            act, w_ref[...], preferred_element_type=jnp.float32)

    return pl.pallas_call(
        body,
        grid=(n // BN,),
        in_specs=[
            pl.BlockSpec((NC, BN, LANES), lambda i: (0, i, 0)),
            pl.BlockSpec((NC, BN, h), lambda i: (0, i, 0)),
            pl.BlockSpec((BN, h), lambda i: (i, 0)),
            pl.BlockSpec((1, h), lambda i: (0, 0)),
            pl.BlockSpec((h, h2), lambda i: (0, 0)),
        ],
        out_specs=pl.BlockSpec((BN, h2), lambda i: (i, 0)),
        out_shape=jax.ShapeDtypeStruct((npad, h2), jnp.float32),
    )(degp, p, y, b, w)


def _tc_final(degp, q, y, b, wc, bc, n):
    npad, h = y.shape
    ncls = wc.shape[1]

    def body(deg_ref, q_ref, y_ref, b_ref, wc_ref, bc_ref, out_ref):
        dinv = _dinv_blk(deg_ref)
        pre = dinv * (q_ref[0] + q_ref[1] - y_ref[...]) + b_ref[...]
        act = jnp.maximum(pre, 0.0)
        logits = jnp.dot(act, wc_ref[...],
                         preferred_element_type=jnp.float32) + bc_ref[...]
        m = jnp.max(logits, axis=1, keepdims=True)
        lse = jnp.log(jnp.sum(jnp.exp(logits - m), axis=1, keepdims=True)) + m
        out_ref[...] = logits - lse

    return pl.pallas_call(
        body,
        grid=(n // BN,),
        in_specs=[
            pl.BlockSpec((NC, BN, LANES), lambda i: (0, i, 0)),
            pl.BlockSpec((NC, BN, h), lambda i: (0, i, 0)),
            pl.BlockSpec((BN, h), lambda i: (i, 0)),
            pl.BlockSpec((1, h), lambda i: (0, 0)),
            pl.BlockSpec((h, ncls), lambda i: (0, 0)),
            pl.BlockSpec((1, ncls), lambda i: (0, 0)),
        ],
        out_specs=pl.BlockSpec((BN, ncls), lambda i: (i, 0)),
        out_shape=jax.ShapeDtypeStruct((n, ncls), jnp.float32),
    )(degp, q, y, b, wc, bc)


def kernel(x, edge_idx, W1, b1, W2, b2, Wc, bc):
    n, f = x.shape
    e = edge_idx.shape[1]
    npad = _rpt(n) * NS
    src = edge_idx[0].astype(jnp.int32)
    dst = edge_idx[1].astype(jnp.int32)
    ones = jnp.ones((npad, LANES), jnp.float32)

    epw = e // NW
    epw_pad = -(-epw // (K * 2 * NB)) * (K * 2 * NB)
    nch = epw_pad // K
    padw = epw_pad - epw
    pad_rows = n + jnp.arange(NW * padw, dtype=jnp.int32).reshape(NW, padw) % (npad - n)
    src2 = jnp.concatenate([src.reshape(NW, epw), pad_rows], axis=1).reshape(NW, nch, K)
    dst2 = jnp.concatenate([dst.reshape(NW, epw), pad_rows], axis=1).reshape(NW, nch, K)

    degp = _sc_deg(npad, nch)(dst2, ones)
    xw1 = _tc_matmul(x, W1, npad)
    y1 = _tc_scale(degp, xw1, n)
    p = _sc_agg(npad, nch, W1.shape[1])(src2, dst2, y1)
    y2 = _tc_mid(degp, p, y1, b1.reshape(1, -1), W2, n)
    q = _sc_agg(npad, nch, W2.shape[1])(src2, dst2, y2)
    return _tc_final(degp, q, y2, b2.reshape(1, -1), Wc, bc.reshape(1, -1), n)

# --- scband reference (transcript-rebuilt; emitter-appended) ---
"""Pipeline reference for scband-gcn2-3418793968077 (READ-ONLY COPY).

The authoritative reference and input builder live on the scoring server;
editing this copy changes nothing except your own understanding.
"""

import jax, jax.numpy as jnp
import numpy as np

N_NODES = 10000
N_EDGES = 320000
NFEAT = 128
NHID = 128
NCLASS = 40


def gcn_conv(x, src, dst, W, b, n_nodes):
    # PyG GCNConv: add self-loops, symmetric normalization, sum aggregation
    loop = jnp.arange(n_nodes, dtype=src.dtype)
    src_sl = jnp.concatenate([src, loop])
    dst_sl = jnp.concatenate([dst, loop])
    xw = x @ W
    deg = jnp.zeros((n_nodes,), dtype=x.dtype).at[dst_sl].add(1.0)
    dinv = jnp.where(deg > 0, 1.0 / jnp.sqrt(deg), 0.0)
    norm = dinv[src_sl] * dinv[dst_sl]
    msg = xw[src_sl] * norm[:, None]
    out = jnp.zeros((n_nodes, W.shape[1]), dtype=x.dtype).at[dst_sl].add(msg)
    return out + b


def setup_inputs(seed: int = 0) -> dict:
    key = jax.random.key(seed)
    k = jax.random.split(key, 8)
    x = jax.random.normal(k[0], (N_NODES, NFEAT), dtype=jnp.float32)
    edge_idx = jax.random.randint(k[1], (2, N_EDGES), 0, N_NODES, dtype=jnp.int64)
    s1 = 1.0 / np.sqrt(NFEAT)
    s2 = 1.0 / np.sqrt(NHID)
    W1 = jax.random.uniform(k[2], (NFEAT, NHID), dtype=jnp.float32, minval=-s1, maxval=s1)
    b1 = jnp.zeros((NHID,), dtype=jnp.float32)
    W2 = jax.random.uniform(k[3], (NHID, NHID), dtype=jnp.float32, minval=-s2, maxval=s2)
    b2 = jnp.zeros((NHID,), dtype=jnp.float32)
    Wc = jax.random.uniform(k[4], (NHID, NCLASS), dtype=jnp.float32, minval=-s2, maxval=s2)
    bc = jax.random.uniform(k[5], (NCLASS,), dtype=jnp.float32, minval=-s2, maxval=s2)
    return {"x": x, "edge_idx": edge_idx, "W1": W1, "b1": b1, "W2": W2, "b2": b2, "Wc": Wc, "bc": bc}


def reference(x, edge_idx, W1, b1, W2, b2, Wc, bc):
    n_nodes = x.shape[0]
    src, dst = edge_idx[0], edge_idx[1]
    h = gcn_conv(x, src, dst, W1, b1, n_nodes)
    h = jax.nn.relu(h)
    # dropout is identity in eval mode
    h = gcn_conv(h, src, dst, W2, b2, n_nodes)
    h = jax.nn.relu(h)
    logits = h @ Wc + bc
    return jax.nn.log_softmax(logits, axis=1)

if __name__ == "__main__":
    import jax
    _d = setup_inputs()
    print(jax.jit(kernel)(*tuple(_d.values())))

</pallas_src>

<mosaic_0001>
#map = affine_map<(d0, d1) -> (0, 0, 0)>
#map1 = affine_map<(d0, d1) -> (0, 0)>
module attributes {stable_mosaic.version = 14 : i64} {
  func.func @body(%arg0: i32, %arg1: i32, %arg2: memref<32x80x128xi32, #tpu.memory_space<hbm>>, %arg3: memref<10112x16xf32, #tpu.memory_space<hbm>>, %arg4: memref<2x10112x16xf32, #tpu.memory_space<hbm>>, %arg5: memref<128xi32, #tpu.memory_space<vmem>>, %arg6: memref<128xi32, #tpu.memory_space<vmem>>, %arg7: memref<128xi32, #tpu.memory_space<vmem>>, %arg8: memref<128xi32, #tpu.memory_space<vmem>>, %arg9: memref<128x16xf32, #tpu.memory_space<vmem>>, %arg10: memref<!tpu.dma_semaphore, #tpu.memory_space<semaphore_mem>>, %arg11: memref<!tpu.dma_semaphore, #tpu.memory_space<semaphore_mem>>, %arg12: memref<!tpu.dma_semaphore, #tpu.memory_space<semaphore_mem>>, %arg13: memref<!tpu.dma_semaphore, #tpu.memory_space<semaphore_mem>>, %arg14: memref<!tpu.dma_semaphore, #tpu.memory_space<semaphore_mem>>, %arg15: memref<!tpu.dma_semaphore, #tpu.memory_space<semaphore_mem>>, %arg16: memref<!tpu.dma_semaphore, #tpu.memory_space<semaphore_mem>>, %arg17: memref<!tpu.dma_semaphore, #tpu.memory_space<semaphore_mem>>, %arg18: memref<10112x16xf32, #tpu.memory_space<vmem_shared>>) attributes {dimension_semantics = [#tpu.dimension_semantics<core_parallel>, #tpu.dimension_semantics<subcore_parallel>], iteration_bounds = array<i64: 2, 16>, scalar_prefetch = 0 : i64, scratch_operands = 14 : i64, tpu.core_type = #tpu.core_type<sc_vector_subcore>, window_params = [{transform_indices = #map}, {transform_indices = #map1}, {transform_indices = #map}]} {
    %mul3A = arith.constant 16 : i32
    %mul3A_0 = arith.muli %arg0, %mul3A : i32
    %add3A = arith.addi %mul3A_0, %arg1 : i32
    %mul3A_1 = arith.constant 632 : i32
    %mul3A_2 = arith.muli %arg1, %mul3A_1 : i32
    %scan3A = arith.constant 0 : i32
    %scan3A_3 = arith.constant 128 : i32
    %scan3A_4 = arith.addi %scan3A, %scan3A_3 : i32
    %scan3A_5 = arith.constant 1 : i32
    scf.for %scan3A_40 = %scan3A to %scan3A_4 step %scan3A_5  : i32 {
      %mul3A_41 = arith.constant 1 : i32
      %mul3A_42 = arith.muli %scan3A_40, %mul3A_41 : i32
      %add3A_43 = arith.constant 0 : i32
      %add3A_44 = arith.addi %add3A_43, %mul3A_42 : i32
      %broadcast_in_dim3A = arith.constant 1.000000e+00 : f32
      %broadcast_in_dim3A_45 = vector.broadcast %broadcast_in_dim3A : f32 to vector<16xf32>
      %swap3A = arith.index_cast %add3A_44 : i32 to index
      %swap3A_46 = arith.constant 0 : index
      %swap3A_47 = tpu.vector_load %arg9[%swap3A, %swap3A_46] {strides = array<i32>} : memref<128x16xf32, #tpu.memory_space<vmem>>, vector<1x16xf32>,
      %swap3A_48 = vector.shape_cast %swap3A_47 : vector<1x16xf32> to vector<16xf32>
      %swap3A_49 = vector.shape_cast %broadcast_in_dim3A_45 : vector<16xf32> to vector<1x16xf32>
      tpu.vector_store %arg9[%swap3A, %swap3A_46], %swap3A_49 {strides = array<i32>} : memref<128x16xf32, #tpu.memory_space<vmem>>, vector<1x16xf32>,
    }
    %scan3A_6 = arith.constant 128 : i32
    %dma_start3A = arith.constant 0 : i32
    %dma_start3A_7 = arith.constant 0 : i32
    %dma_start3A_8 = tpu.memref_slice %arg2[%add3A, %dma_start3A, %dma_start3A_7] : memref<32x80x128xi32, #tpu.memory_space<hbm>> -> memref<1x1x128xi32, #tpu.memory_space<hbm>>
    %dma_start3A_9 = tpu.memref_squeeze %dma_start3A_8 : memref<1x1x128xi32, #tpu.memory_space<hbm>> -> memref<128xi32, #tpu.memory_space<hbm>>
    %dma_start3A_10 = arith.constant 0 : i32
    %dma_start3A_11 = tpu.memref_slice %arg2[%add3A, %dma_start3A, %dma_start3A_10] : memref<32x80x128xi32, #tpu.memory_space<hbm>> -> memref<1x1x128xi32, #tpu.memory_space<hbm>>
    %dma_start3A_12 = tpu.memref_squeeze %dma_start3A_11 : memref<1x1x128xi32, #tpu.memory_space<hbm>> -> memref<128xi32, #tpu.memory_space<hbm>>
    tpu.enqueue_dma source(%dma_start3A_12 : memref<128xi32, #tpu.memory_space<hbm>>) target(%arg5 : memref<128xi32, #tpu.memory_space<vmem>>) target_semaphore(%arg14 : memref<!tpu.dma_semaphore, #tpu.memory_space<semaphore_mem>>)
    %dma_start3A_13 = arith.constant 1 : i32
    %dma_start3A_14 = arith.constant 0 : i32
    %dma_start3A_15 = tpu.memref_slice %arg2[%add3A, %dma_start3A_13, %dma_start3A_14] : memref<32x80x128xi32, #tpu.memory_space<hbm>> -> memref<1x1x128xi32, #tpu.memory_space<hbm>>
    %dma_start3A_16 = tpu.memref_squeeze %dma_start3A_15 : memref<1x1x128xi32, #tpu.memory_space<hbm>> -> memref<128xi32, #tpu.memory_space<hbm>>
    %dma_start3A_17 = arith.constant 0 : i32
    %dma_start3A_18 = tpu.memref_slice %arg2[%add3A, %dma_start3A_13, %dma_start3A_17] : memref<32x80x128xi32, #tpu.memory_space<hbm>> -> memref<1x1x128xi32, #tpu.memory_space<hbm>>
    %dma_start3A_19 = tpu.memref_squeeze %dma_start3A_18 : memref<1x1x128xi32, #tpu.memory_space<hbm>> -> memref<128xi32, #tpu.memory_space<hbm>>
    tpu.enqueue_dma source(%dma_start3A_19 : memref<128xi32, #tpu.memory_space<hbm>>) target(%arg6 : memref<128xi32, #tpu.memory_space<vmem>>) target_semaphore(%arg15 : memref<!tpu.dma_semaphore, #tpu.memory_space<semaphore_mem>>)
    %dma_start3A_20 = arith.constant 2 : i32
    %dma_start3A_21 = arith.constant 0 : i32
    %dma_start3A_22 = tpu.memref_slice %arg2[%add3A, %dma_start3A_20, %dma_start3A_21] : memref<32x80x128xi32, #tpu.memory_space<hbm>> -> memref<1x1x128xi32, #tpu.memory_space<hbm>>
    %dma_start3A_23 = tpu.memref_squeeze %dma_start3A_22 : memref<1x1x128xi32, #tpu.memory_space<hbm>> -> memref<128xi32, #tpu.memory_space<hbm>>
    %dma_start3A_24 = arith.constant 0 : i32
    %dma_start3A_25 = tpu.memref_slice %arg2[%add3A, %dma_start3A_20, %dma_start3A_24] : memref<32x80x128xi32, #tpu.memory_space<hbm>> -> memref<1x1x128xi32, #tpu.memory_space<hbm>>
    %dma_start3A_26 = tpu.memref_squeeze %dma_start3A_25 : memref<1x1x128xi32, #tpu.memory_space<hbm>> -> memref<128xi32, #tpu.memory_space<hbm>>
    tpu.enqueue_dma source(%dma_start3A_26 : memref<128xi32, #tpu.memory_space<hbm>>) target(%arg7 : memref<128xi32, #tpu.memory_space<vmem>>) target_semaphore(%arg16 : memref<!tpu.dma_semaphore, #tpu.memory_space<semaphore_mem>>)
    %dma_start3A_27 = arith.constant 3 : i32
    %dma_start3A_28 = arith.constant 0 : i32
    %dma_start3A_29 = tpu.memref_slice %arg2[%add3A, %dma_start3A_27, %dma_start3A_28] : memref<32x80x128xi32, #tpu.memory_space<hbm>> -> memref<1x1x128xi32, #tpu.memory_space<hbm>>
    %dma_start3A_30 = tpu.memref_squeeze %dma_start3A_29 : memref<1x1x128xi32, #tpu.memory_space<hbm>> -> memref<128xi32, #tpu.memory_space<hbm>>
    %dma_start3A_31 = arith.constant 0 : i32
    %dma_start3A_32 = tpu.memref_slice %arg2[%add3A, %dma_start3A_27, %dma_start3A_31] : memref<32x80x128xi32, #tpu.memory_space<hbm>> -> memref<1x1x128xi32, #tpu.memory_space<hbm>>
    %dma_start3A_33 = tpu.memref_squeeze %dma_start3A_32 : memref<1x1x128xi32, #tpu.memory_space<hbm>> -> memref<128xi32, #tpu.memory_space<hbm>>
    tpu.enqueue_dma source(%dma_start3A_33 : memref<128xi32, #tpu.memory_space<hbm>>) target(%arg8 : memref<128xi32, #tpu.memory_space<vmem>>) target_semaphore(%arg17 : memref<!tpu.dma_semaphore, #tpu.memory_space<semaphore_mem>>)
    "tpu.region"() ({
      %run_scoped3A = tpu.sem_alloc : memref<!tpu.dma_semaphore, #tpu.memory_space<semaphore_mem>>
      %dma_start3A_40 = arith.constant 0 : i32
      %dma_start3A_41 = tpu.memref_slice %arg18[%mul3A_2, %dma_start3A_40] : memref<10112x16xf32, #tpu.memory_space<vmem_shared>> -> memref<632x16xf32, #tpu.memory_space<vmem_shared>>
      %dma_start3A_42 = arith.constant 0 : i32
      %dma_start3A_43 = tpu.memref_slice %arg3[%mul3A_2, %dma_start3A_42] : memref<10112x16xf32, #tpu.memory_space<hbm>> -> memref<632x16xf32, #tpu.memory_space<hbm>>
      tpu.enqueue_dma source(%dma_start3A_43 : memref<632x16xf32, #tpu.memory_space<hbm>>) target(%dma_start3A_41 : memref<632x16xf32, #tpu.memory_space<vmem_shared>>) target_semaphore(%run_scoped3A : memref<!tpu.dma_semaphore, #tpu.memory_space<semaphore_mem>>)
      %dma_wait3A = arith.constant 0 : i32
      %dma_wait3A_44 = tpu.memref_slice %arg18[%mul3A_2, %dma_wait3A] : memref<10112x16xf32, #tpu.memory_space<vmem_shared>> -> memref<632x16xf32, #tpu.memory_space<vmem_shared>>
      %dma_wait3A_45 = arith.constant 0 : i32
      %dma_wait3A_46 = tpu.memref_slice %arg3[%mul3A_2, %dma_wait3A_45] : memref<10112x16xf32, #tpu.memory_space<hbm>> -> memref<632x16xf32, #tpu.memory_space<hbm>>
      tpu.wait_dma2 semaphore(%run_scoped3A : memref<!tpu.dma_semaphore, #tpu.memory_space<semaphore_mem>>) src(%dma_wait3A_46 : memref<632x16xf32, #tpu.memory_space<hbm>>) dst(%dma_wait3A_44 : memref<632x16xf32, #tpu.memory_space<vmem_shared>>)
      tpu.yield
    }) : () -> ()
    %barrier3A = arith.constant 0 : index
    tpu.barrier barrier_id(%barrier3A)
    %scan3A_34 = arith.constant 0 : i32
    %scan3A_35 = arith.constant 20 : i32
    %scan3A_36 = arith.addi %scan3A_34, %scan3A_35 : i32
    %scan3A_37 = arith.constant 1 : i32
    scf.for %scan3A_40 = %scan3A_34 to %scan3A_36 step %scan3A_37  : i32 {
      %mul3A_41 = arith.constant 4 : i32
      %mul3A_42 = arith.muli %scan3A_40, %mul3A_41 : i32
      %add3A_43 = arith.constant 0 : i32
      %add3A_44 = arith.addi %add3A_43, %mul3A_42 : i32
      %add3A_45 = arith.constant 0 : i32
      %add3A_46 = arith.addi %add3A_44, %add3A_45 : i32
      %dma_wait3A = arith.constant 0 : i32
      %dma_wait3A_47 = tpu.memref_slice %arg2[%add3A, %add3A_46, %dma_wait3A] : memref<32x80x128xi32, #tpu.memory_space<hbm>> -> memref<1x1x128xi32, #tpu.memory_space<hbm>>
      %dma_wait3A_48 = tpu.memref_squeeze %dma_wait3A_47 : memref<1x1x128xi32, #tpu.memory_space<hbm>> -> memref<128xi32, #tpu.memory_space<hbm>>
      %dma_wait3A_49 = arith.constant 0 : i32
      %dma_wait3A_50 = tpu.memref_slice %arg2[%add3A, %add3A_46, %dma_wait3A_49] : memref<32x80x128xi32, #tpu.memory_space<hbm>> -> memref<1x1x128xi32, #tpu.memory_space<hbm>>
      %dma_wait3A_51 = tpu.memref_squeeze %dma_wait3A_50 : memref<1x1x128xi32, #tpu.memory_space<hbm>> -> memref<128xi32, #tpu.memory_space<hbm>>
      tpu.wait_dma2 semaphore(%arg14 : memref<!tpu.dma_semaphore, #tpu.memory_space<semaphore_mem>>) src(%dma_wait3A_51 : memref<128xi32, #tpu.memory_space<hbm>>) dst(%arg5 : memref<128xi32, #tpu.memory_space<vmem>>)
      %dma_start3A_52 = arith.constant 0 : i32
      %dma_start3A_53 = arith.constant 0 : i32
      %dma_start3A_54 = tpu.memref_slice %arg18[%dma_start3A_52, %dma_start3A_53] : memref<10112x16xf32, #tpu.memory_space<vmem_shared>> -> memref<10112x16xf32, #tpu.memory_space<vmem_shared>>
      tpu.enqueue_indirect_dma source(%arg9 : memref<128x16xf32, #tpu.memory_space<vmem>>) target(%dma_start3A_54 : memref<10112x16xf32, #tpu.memory_space<vmem_shared>>) offsets(%arg5 : memref<128xi32, #tpu.memory_space<vmem>>) semaphore(%arg10 : memref<!tpu.dma_semaphore, #tpu.memory_space<semaphore_mem>>) {add = true}
      %add3A_55 = arith.constant 1 : i32
      %add3A_56 = arith.addi %add3A_44, %add3A_55 : i32
      %dma_wait3A_57 = arith.constant 0 : i32
      %dma_wait3A_58 = tpu.memref_slice %arg2[%add3A, %add3A_56, %dma_wait3A_57] : memref<32x80x128xi32, #tpu.memory_space<hbm>> -> memref<1x1x128xi32, #tpu.memory_space<hbm>>
      %dma_wait3A_59 = tpu.memref_squeeze %dma_wait3A_58 : memref<1x1x128xi32, #tpu.memory_space<hbm>> -> memref<128xi32, #tpu.memory_space<hbm>>
      %dma_wait3A_60 = arith.constant 0 : i32
      %dma_wait3A_61 = tpu.memref_slice %arg2[%add3A, %add3A_56, %dma_wait3A_60] : memref<32x80x128xi32, #tpu.memory_space<hbm>> -> memref<1x1x128xi32, #tpu.memory_space<hbm>>
      %dma_wait3A_62 = tpu.memref_squeeze %dma_wait3A_61 : memref<1x1x128xi32, #tpu.memory_space<hbm>> -> memref<128xi32, #tpu.memory_space<hbm>>
      tpu.wait_dma2 semaphore(%arg15 : memref<!tpu.dma_semaphore, #tpu.memory_space<semaphore_mem>>) src(%dma_wait3A_62 : memref<128xi32, #tpu.memory_space<hbm>>) dst(%arg6 : memref<128xi32, #tpu.memory_space<vmem>>)
      %dma_start3A_63 = arith.constant 0 : i32
      %dma_start3A_64 = arith.constant 0 : i32
      %dma_start3A_65 = tpu.memref_slice %arg18[%dma_start3A_63, %dma_start3A_64] : memref<10112x16xf32, #tpu.memory_space<vmem_shared>> -> memref<10112x16xf32, #tpu.memory_space<vmem_shared>>
      tpu.enqueue_indirect_dma source(%arg9 : memref<128x16xf32, #tpu.memory_space<vmem>>) target(%dma_start3A_65 : memref<10112x16xf32, #tpu.memory_space<vmem_shared>>) offsets(%arg6 : memref<128xi32, #tpu.memory_space<vmem>>) semaphore(%arg11 : memref<!tpu.dma_semaphore, #tpu.memory_space<semaphore_mem>>) {add = true}
      %add3A_66 = arith.constant 2 : i32
      %add3A_67 = arith.addi %add3A_44, %add3A_66 : i32
      %dma_wait3A_68 = arith.constant 0 : i32
      %dma_wait3A_69 = tpu.memref_slice %arg2[%add3A, %add3A_67, %dma_wait3A_68] : memref<32x80x128xi32, #tpu.memory_space<hbm>> -> memref<1x1x128xi32, #tpu.memory_space<hbm>>
      %dma_wait3A_70 = tpu.memref_squeeze %dma_wait3A_69 : memref<1x1x128xi32, #tpu.memory_space<hbm>> -> memref<128xi32, #tpu.memory_space<hbm>>
      %dma_wait3A_71 = arith.constant 0 : i32
      %dma_wait3A_72 = tpu.memref_slice %arg2[%add3A, %add3A_67, %dma_wait3A_71] : memref<32x80x128xi32, #tpu.memory_space<hbm>> -> memref<1x1x128xi32, #tpu.memory_space<hbm>>
      %dma_wait3A_73 = tpu.memref_squeeze %dma_wait3A_72 : memref<1x1x128xi32, #tpu.memory_space<hbm>> -> memref<128xi32, #tpu.memory_space<hbm>>
      tpu.wait_dma2 semaphore(%arg16 : memref<!tpu.dma_semaphore, #tpu.memory_space<semaphore_mem>>) src(%dma_wait3A_73 : memref<128xi32, #tpu.memory_space<hbm>>) dst(%arg7 : memref<128xi32, #tpu.memory_space<vmem>>)
      %dma_start3A_74 = arith.constant 0 : i32
      %dma_start3A_75 = arith.constant 0 : i32
      %dma_start3A_76 = tpu.memref_slice %arg18[%dma_start3A_74, %dma_start3A_75] : memref<10112x16xf32, #tpu.memory_space<vmem_shared>> -> memref<10112x16xf32, #tpu.memory_space<vmem_shared>>
      tpu.enqueue_indirect_dma source(%arg9 : memref<128x16xf32, #tpu.memory_space<vmem>>) target(%dma_start3A_76 : memref<10112x16xf32, #tpu.memory_space<vmem_shared>>) offsets(%arg7 : memref<128xi32, #tpu.memory_space<vmem>>) semaphore(%arg12 : memref<!tpu.dma_semaphore, #tpu.memory_space<semaphore_mem>>) {add = true}
      %add3A_77 = arith.constant 3 : i32
      %add3A_78 = arith.addi %add3A_44, %add3A_77 : i32
      %dma_wait3A_79 = arith.constant 0 : i32
      %dma_wait3A_80 = tpu.memref_slice %arg2[%add3A, %add3A_78, %dma_wait3A_79] : memref<32x80x128xi32, #tpu.memory_space<hbm>> -> memref<1x1x128xi32, #tpu.memory_space<hbm>>
      %dma_wait3A_81 = tpu.memref_squeeze %dma_wait3A_80 : memref<1x1x128xi32, #tpu.memory_space<hbm>> -> memref<128xi32, #tpu.memory_space<hbm>>
      %dma_wait3A_82 = arith.constant 0 : i32
      %dma_wait3A_83 = tpu.memref_slice %arg2[%add3A, %add3A_78, %dma_wait3A_82] : memref<32x80x128xi32, #tpu.memory_space<hbm>> -> memref<1x1x128xi32, #tpu.memory_space<hbm>>
      %dma_wait3A_84 = tpu.memref_squeeze %dma_wait3A_83 : memref<1x1x128xi32, #tpu.memory_space<hbm>> -> memref<128xi32, #tpu.memory_space<hbm>>
      tpu.wait_dma2 semaphore(%arg17 : memref<!tpu.dma_semaphore, #tpu.memory_space<semaphore_mem>>) src(%dma_wait3A_84 : memref<128xi32, #tpu.memory_space<hbm>>) dst(%arg8 : memref<128xi32, #tpu.memory_space<vmem>>)
      %dma_start3A_85 = arith.constant 0 : i32
      %dma_start3A_86 = arith.constant 0 : i32
      %dma_start3A_87 = tpu.memref_slice %arg18[%dma_start3A_85, %dma_start3A_86] : memref<10112x16xf32, #tpu.memory_space<vmem_shared>> -> memref<10112x16xf32, #tpu.memory_space<vmem_shared>>
      tpu.enqueue_indirect_dma source(%arg9 : memref<128x16xf32, #tpu.memory_space<vmem>>) target(%dma_start3A_87 : memref<10112x16xf32, #tpu.memory_space<vmem_shared>>) offsets(%arg8 : memref<128xi32, #tpu.memory_space<vmem>>) semaphore(%arg13 : memref<!tpu.dma_semaphore, #tpu.memory_space<semaphore_mem>>) {add = true}
      %dma_wait3A_88 = arith.constant 0 : i32
      %dma_wait3A_89 = arith.constant 0 : i32
      %dma_wait3A_90 = tpu.memref_slice %arg18[%dma_wait3A_88, %dma_wait3A_89] : memref<10112x16xf32, #tpu.memory_space<vmem_shared>> -> memref<10112x16xf32, #tpu.memory_space<vmem_shared>>
      tpu.wait_indirect_dma semaphore(%arg10 : memref<!tpu.dma_semaphore, #tpu.memory_space<semaphore_mem>>) src(%arg9 : memref<128x16xf32, #tpu.memory_space<vmem>>) dst(%dma_wait3A_90 : memref<10112x16xf32, #tpu.memory_space<vmem_shared>>)
      %add3A_91 = arith.constant 4 : i32
      %add3A_92 = arith.addi %add3A_44, %add3A_91 : i32
      %add3A_93 = arith.constant 0 : i32
      %add3A_94 = arith.addi %add3A_92, %add3A_93 : i32
      %lt3A = arith.constant 80 : i32
      %lt3A_95 = arith.cmpi slt, %add3A_94, %lt3A : i32
      %convert_element_type3A = arith.extui %lt3A_95 : i1 to i32
      %cond3A = arith.constant 0 : i32
      %cond3A_96 = arith.cmpi ne, %convert_element_type3A, %cond3A : i32
      scf.if %cond3A_96 {
        %add3A_133 = arith.constant 4 : i32
        %add3A_134 = arith.addi %add3A_44, %add3A_133 : i32
        %add3A_135 = arith.constant 0 : i32
        %add3A_136 = arith.addi %add3A_134, %add3A_135 : i32
        %dma_start3A_137 = arith.constant 0 : i32
        %dma_start3A_138 = tpu.memref_slice %arg2[%add3A, %add3A_136, %dma_start3A_137] : memref<32x80x128xi32, #tpu.memory_space<hbm>> -> memref<1x1x128xi32, #tpu.memory_space<hbm>>
        %dma_start3A_139 = tpu.memref_squeeze %dma_start3A_138 : memref<1x1x128xi32, #tpu.memory_space<hbm>> -> memref<128xi32, #tpu.memory_space<hbm>>
        %dma_start3A_140 = arith.constant 0 : i32
        %dma_start3A_141 = tpu.memref_slice %arg2[%add3A, %add3A_136, %dma_start3A_140] : memref<32x80x128xi32, #tpu.memory_space<hbm>> -> memref<1x1x128xi32, #tpu.memory_space<hbm>>
        %dma_start3A_142 = tpu.memref_squeeze %dma_start3A_141 : memref<1x1x128xi32, #tpu.memory_space<hbm>> -> memref<128xi32, #tpu.memory_space<hbm>>
        tpu.enqueue_dma source(%dma_start3A_142 : memref<128xi32, #tpu.memory_space<hbm>>) target(%arg5 : memref<128xi32, #tpu.memory_space<vmem>>) target_semaphore(%arg14 : memref<!tpu.dma_semaphore, #tpu.memory_space<semaphore_mem>>)
      } else {
      }
      %dma_wait3A_97 = arith.constant 0 : i32
      %dma_wait3A_98 = arith.constant 0 : i32
      %dma_wait3A_99 = tpu.memref_slice %arg18[%dma_wait3A_97, %dma_wait3A_98] : memref<10112x16xf32, #tpu.memory_space<vmem_shared>> -> memref<10112x16xf32, #tpu.memory_space<vmem_shared>>
      tpu.wait_indirect_dma semaphore(%arg11 : memref<!tpu.dma_semaphore, #tpu.memory_space<semaphore_mem>>) src(%arg9 : memref<128x16xf32, #tpu.memory_space<vmem>>) dst(%dma_wait3A_99 : memref<10112x16xf32, #tpu.memory_space<vmem_shared>>)
      %add3A_100 = arith.constant 4 : i32
      %add3A_101 = arith.addi %add3A_44, %add3A_100 : i32
      %add3A_102 = arith.constant 1 : i32
      %add3A_103 = arith.addi %add3A_101, %add3A_102 : i32
      %lt3A_104 = arith.constant 80 : i32
      %lt3A_105 = arith.cmpi slt, %add3A_103, %lt3A_104 : i32
      %convert_element_type3A_106 = arith.extui %lt3A_105 : i1 to i32
      %cond3A_107 = arith.constant 0 : i32
      %cond3A_108 = arith.cmpi ne, %convert_element_type3A_106, %cond3A_107 : i32
      scf.if %cond3A_108 {
        %add3A_133 = arith.constant 4 : i32
        %add3A_134 = arith.addi %add3A_44, %add3A_133 : i32
        %add3A_135 = arith.constant 1 : i32
        %add3A_136 = arith.addi %add3A_134, %add3A_135 : i32
        %dma_start3A_137 = arith.constant 0 : i32
        %dma_start3A_138 = tpu.memref_slice %arg2[%add3A, %add3A_136, %dma_start3A_137] : memref<32x80x128xi32, #tpu.memory_space<hbm>> -> memref<1x1x128xi32, #tpu.memory_space<hbm>>
        %dma_start3A_139 = tpu.memref_squeeze %dma_start3A_138 : memref<1x1x128xi32, #tpu.memory_space<hbm>> -> memref<128xi32, #tpu.memory_space<hbm>>
        %dma_start3A_140 = arith.constant 0 : i32
        %dma_start3A_141 = tpu.memref_slice %arg2[%add3A, %add3A_136, %dma_start3A_140] : memref<32x80x128xi32, #tpu.memory_space<hbm>> -> memref<1x1x128xi32, #tpu.memory_space<hbm>>
        %dma_start3A_142 = tpu.memref_squeeze %dma_start3A_141 : memref<1x1x128xi32, #tpu.memory_space<hbm>> -> memref<128xi32, #tpu.memory_space<hbm>>
        tpu.enqueue_dma source(%dma_start3A_142 : memref<128xi32, #tpu.memory_space<hbm>>) target(%arg6 : memref<128xi32, #tpu.memory_space<vmem>>) target_semaphore(%arg15 : memref<!tpu.dma_semaphore, #tpu.memory_space<semaphore_mem>>)
      } else {
      }
      %dma_wait3A_109 = arith.constant 0 : i32
      %dma_wait3A_110 = arith.constant 0 : i32
      %dma_wait3A_111 = tpu.memref_slice %arg18[%dma_wait3A_109, %dma_wait3A_110] : memref<10112x16xf32, #tpu.memory_space<vmem_shared>> -> memref<10112x16xf32, #tpu.memory_space<vmem_shared>>
      tpu.wait_indirect_dma semaphore(%arg12 : memref<!tpu.dma_semaphore, #tpu.memory_space<semaphore_mem>>) src(%arg9 : memref<128x16xf32, #tpu.memory_space<vmem>>) dst(%dma_wait3A_111 : memref<10112x16xf32, #tpu.memory_space<vmem_shared>>)
      %add3A_112 = arith.constant 4 : i32
      %add3A_113 = arith.addi %add3A_44, %add3A_112 : i32
      %add3A_114 = arith.constant 2 : i32
      %add3A_115 = arith.addi %add3A_113, %add3A_114 : i32
      %lt3A_116 = arith.constant 80 : i32
      %lt3A_117 = arith.cmpi slt, %add3A_115, %lt3A_116 : i32
      %convert_element_type3A_118 = arith.extui %lt3A_117 : i1 to i32
      %cond3A_119 = arith.constant 0 : i32
      %cond3A_120 = arith.cmpi ne, %convert_element_type3A_118, %cond3A_119 : i32
      scf.if %cond3A_120 {
        %add3A_133 = arith.constant 4 : i32
        %add3A_134 = arith.addi %add3A_44, %add3A_133 : i32
        %add3A_135 = arith.constant 2 : i32
        %add3A_136 = arith.addi %add3A_134, %add3A_135 : i32
        %dma_start3A_137 = arith.constant 0 : i32
        %dma_start3A_138 = tpu.memref_slice %arg2[%add3A, %add3A_136, %dma_start3A_137] : memref<32x80x128xi32, #tpu.memory_space<hbm>> -> memref<1x1x128xi32, #tpu.memory_space<hbm>>
        %dma_start3A_139 = tpu.memref_squeeze %dma_start3A_138 : memref<1x1x128xi32, #tpu.memory_space<hbm>> -> memref<128xi32, #tpu.memory_space<hbm>>
        %dma_start3A_140 = arith.constant 0 : i32
        %dma_start3A_141 = tpu.memref_slice %arg2[%add3A, %add3A_136, %dma_start3A_140] : memref<32x80x128xi32, #tpu.memory_space<hbm>> -> memref<1x1x128xi32, #tpu.memory_space<hbm>>
        %dma_start3A_142 = tpu.memref_squeeze %dma_start3A_141 : memref<1x1x128xi32, #tpu.memory_space<hbm>> -> memref<128xi32, #tpu.memory_space<hbm>>
        tpu.enqueue_dma source(%dma_start3A_142 : memref<128xi32, #tpu.memory_space<hbm>>) target(%arg7 : memref<128xi32, #tpu.memory_space<vmem>>) target_semaphore(%arg16 : memref<!tpu.dma_semaphore, #tpu.memory_space<semaphore_mem>>)
      } else {
      }
      %dma_wait3A_121 = arith.constant 0 : i32
      %dma_wait3A_122 = arith.constant 0 : i32
      %dma_wait3A_123 = tpu.memref_slice %arg18[%dma_wait3A_121, %dma_wait3A_122] : memref<10112x16xf32, #tpu.memory_space<vmem_shared>> -> memref<10112x16xf32, #tpu.memory_space<vmem_shared>>
      tpu.wait_indirect_dma semaphore(%arg13 : memref<!tpu.dma_semaphore, #tpu.memory_space<semaphore_mem>>) src(%arg9 : memref<128x16xf32, #tpu.memory_space<vmem>>) dst(%dma_wait3A_123 : memref<10112x16xf32, #tpu.memory_space<vmem_shared>>)
      %add3A_124 = arith.constant 4 : i32
      %add3A_125 = arith.addi %add3A_44, %add3A_124 : i32
      %add3A_126 = arith.constant 3 : i32
      %add3A_127 = arith.addi %add3A_125, %add3A_126 : i32
      %lt3A_128 = arith.constant 80 : i32
      %lt3A_129 = arith.cmpi slt, %add3A_127, %lt3A_128 : i32
      %convert_element_type3A_130 = arith.extui %lt3A_129 : i1 to i32
      %cond3A_131 = arith.constant 0 : i32
      %cond3A_132 = arith.cmpi ne, %convert_element_type3A_130, %cond3A_131 : i32
      scf.if %cond3A_132 {
        %add3A_133 = arith.constant 4 : i32
        %add3A_134 = arith.addi %add3A_44, %add3A_133 : i32
        %add3A_135 = arith.constant 3 : i32
        %add3A_136 = arith.addi %add3A_134, %add3A_135 : i32
        %dma_start3A_137 = arith.constant 0 : i32
        %dma_start3A_138 = tpu.memref_slice %arg2[%add3A, %add3A_136, %dma_start3A_137] : memref<32x80x128xi32, #tpu.memory_space<hbm>> -> memref<1x1x128xi32, #tpu.memory_space<hbm>>
        %dma_start3A_139 = tpu.memref_squeeze %dma_start3A_138 : memref<1x1x128xi32, #tpu.memory_space<hbm>> -> memref<128xi32, #tpu.memory_space<hbm>>
        %dma_start3A_140 = arith.constant 0 : i32
        %dma_start3A_141 = tpu.memref_slice %arg2[%add3A, %add3A_136, %dma_start3A_140] : memref<32x80x128xi32, #tpu.memory_space<hbm>> -> memref<1x1x128xi32, #tpu.memory_space<hbm>>
        %dma_start3A_142 = tpu.memref_squeeze %dma_start3A_141 : memref<1x1x128xi32, #tpu.memory_space<hbm>> -> memref<128xi32, #tpu.memory_space<hbm>>
        tpu.enqueue_dma source(%dma_start3A_142 : memref<128xi32, #tpu.memory_space<hbm>>) target(%arg8 : memref<128xi32, #tpu.memory_space<vmem>>) target_semaphore(%arg17 : memref<!tpu.dma_semaphore, #tpu.memory_space<semaphore_mem>>)
      } else {
      }
    }
    %scan3A_38 = arith.constant 20 : i32
    %barrier3A_39 = arith.constant 0 : index
    tpu.barrier barrier_id(%barrier3A_39)
    "tpu.region"() ({
      %run_scoped3A = tpu.sem_alloc : memref<!tpu.dma_semaphore, #tpu.memory_space<semaphore_mem>>
      %dma_start3A_40 = arith.constant 0 : i32
      %dma_start3A_41 = tpu.memref_slice %arg4[%arg0, %mul3A_2, %dma_start3A_40] : memref<2x10112x16xf32, #tpu.memory_space<hbm>> -> memref<1x632x16xf32, #tpu.memory_space<hbm>>
      %dma_start3A_42 = tpu.memref_squeeze %dma_start3A_41 : memref<1x632x16xf32, #tpu.memory_space<hbm>> -> memref<632x16xf32, #tpu.memory_space<hbm>>
      %dma_start3A_43 = arith.constant 0 : i32
      %dma_start3A_44 = tpu.memref_slice %arg18[%mul3A_2, %dma_start3A_43] : memref<10112x16xf32, #tpu.memory_space<vmem_shared>> -> memref<632x16xf32, #tpu.memory_space<vmem_shared>>
      tpu.enqueue_dma source(%dma_start3A_44 : memref<632x16xf32, #tpu.memory_space<vmem_shared>>) target(%dma_start3A_42 : memref<632x16xf32, #tpu.memory_space<hbm>>) target_semaphore(%run_scoped3A : memref<!tpu.dma_semaphore, #tpu.memory_space<semaphore_mem>>)
      %dma_wait3A = arith.constant 0 : i32
      %dma_wait3A_45 = tpu.memref_slice %arg4[%arg0, %mul3A_2, %dma_wait3A] : memref<2x10112x16xf32, #tpu.memory_space<hbm>> -> memref<1x632x16xf32, #tpu.memory_space<hbm>>
      %dma_wait3A_46 = tpu.memref_squeeze %dma_wait3A_45 : memref<1x632x16xf32, #tpu.memory_space<hbm>> -> memref<632x16xf32, #tpu.memory_space<hbm>>
      %dma_wait3A_47 = arith.constant 0 : i32
      %dma_wait3A_48 = tpu.memref_slice %arg18[%mul3A_2, %dma_wait3A_47] : memref<10112x16xf32, #tpu.memory_space<vmem_shared>> -> memref<632x16xf32, #tpu.memory_space<vmem_shared>>
      tpu.wait_dma2 semaphore(%run_scoped3A : memref<!tpu.dma_semaphore, #tpu.memory_space<semaphore_mem>>) src(%dma_wait3A_48 : memref<632x16xf32, #tpu.memory_space<vmem_shared>>) dst(%dma_wait3A_46 : memref<632x16xf32, #tpu.memory_space<hbm>>)
      tpu.yield
    }) : () -> ()
    return
  }
}

#map = affine_map<(d0, d1) -> (0, 0, 0)>
#map1 = affine_map<(d0, d1) -> (0, 0)>
module attributes {stable_mosaic.version = 14 : i64} {
  func.func @body(%arg0: i32, %arg1: i32, %arg2: memref<32x80x128xi32, #tpu.memory_space<hbm>>, %arg3: memref<32x80x128xi32, #tpu.memory_space<hbm>>, %arg4: memref<10112x128xf32, #tpu.memory_space<hbm>>, %arg5: memref<2x10112x128xf32, #tpu.memory_space<hbm>>, %arg6: memref<128xi32, #tpu.memory_space<vmem>>, %arg7: memref<128xi32, #tpu.memory_space<vmem>>, %arg8: memref<128xi32, #tpu.memory_space<vmem>>, %arg9: memref<128xi32, #tpu.memory_space<vmem>>, %arg10: memref<128xi32, #tpu.memory_space<vmem>>, %arg11: memref<128xi32, #tpu.memory_space<vmem>>, %arg12: memref<128xi32, #tpu.memory_space<vmem>>, %arg13: memref<128xi32, #tpu.memory_space<vmem>>, %arg14: memref<128x128xf32, #tpu.memory_space<vmem>>, %arg15: memref<128x128xf32, #tpu.memory_space<vmem>>, %arg16: memref<!tpu.dma_semaphore, #tpu.memory_space<semaphore_mem>>, %arg17: memref<!tpu.dma_semaphore, #tpu.memory_space<semaphore_mem>>, %arg18: memref<!tpu.dma_semaphore, #tpu.memory_space<semaphore_mem>>, %arg19: memref<!tpu.dma_semaphore, #tpu.memory_space<semaphore_mem>>, %arg20: memref<!tpu.dma_semaphore, #tpu.memory_space<semaphore_mem>>, %arg21: memref<!tpu.dma_semaphore, #tpu.memory_space<semaphore_mem>>, %arg22: memref<!tpu.dma_semaphore, #tpu.memory_space<semaphore_mem>>, %arg23: memref<!tpu.dma_semaphore, #tpu.memory_space<semaphore_mem>>, %arg24: memref<10112x128xf32, #tpu.memory_space<vmem_shared>>) attributes {dimension_semantics = [#tpu.dimension_semantics<core_parallel>, #tpu.dimension_semantics<subcore_parallel>], iteration_bounds = array<i64: 2, 16>, scalar_prefetch = 0 : i64, scratch_operands = 19 : i64, tpu.core_type = #tpu.core_type<sc_vector_subcore>, window_params = [{transform_indices = #map}, {transform_indices = #map}, {transform_indices = #map1}, {transform_indices = #map}]} {
    %mul3A = arith.constant 16 : i32
    %mul3A_0 = arith.muli %arg0, %mul3A : i32
    %add3A = arith.addi %mul3A_0, %arg1 : i32
    %mul3A_1 = arith.constant 632 : i32
    %mul3A_2 = arith.muli %arg1, %mul3A_1 : i32
    %dma_start3A = arith.constant 0 : i32
    %dma_start3A_3 = arith.constant 0 : i32
    %dma_start3A_4 = tpu.memref_slice %arg2[%add3A, %dma_start3A, %dma_start3A_3] : memref<32x80x128xi32, #tpu.memory_space<hbm>> -> memref<1x1x128xi32, #tpu.memory_space<hbm>>
    %dma_start3A_5 = tpu.memref_squeeze %dma_start3A_4 : memref<1x1x128xi32, #tpu.memory_space<hbm>> -> memref<128xi32, #tpu.memory_space<hbm>>
    %dma_start3A_6 = arith.constant 0 : i32
    %dma_start3A_7 = tpu.memref_slice %arg2[%add3A, %dma_start3A, %dma_start3A_6] : memref<32x80x128xi32, #tpu.memory_space<hbm>> -> memref<1x1x128xi32, #tpu.memory_space<hbm>>
    %dma_start3A_8 = tpu.memref_squeeze %dma_start3A_7 : memref<1x1x128xi32, #tpu.memory_space<hbm>> -> memref<128xi32, #tpu.memory_space<hbm>>
    tpu.enqueue_dma source(%dma_start3A_8 : memref<128xi32, #tpu.memory_space<hbm>>) target(%arg6 : memref<128xi32, #tpu.memory_space<vmem>>) target_semaphore(%arg20 : memref<!tpu.dma_semaphore, #tpu.memory_space<semaphore_mem>>)
    %dma_start3A_9 = arith.constant 0 : i32
    %dma_start3A_10 = arith.constant 0 : i32
    %dma_start3A_11 = tpu.memref_slice %arg3[%add3A, %dma_start3A_9, %dma_start3A_10] : memref<32x80x128xi32, #tpu.memory_space<hbm>> -> memref<1x1x128xi32, #tpu.memory_space<hbm>>
    %dma_start3A_12 = tpu.memref_squeeze %dma_start3A_11 : memref<1x1x128xi32, #tpu.memory_space<hbm>> -> memref<128xi32, #tpu.memory_space<hbm>>
    %dma_start3A_13 = arith.constant 0 : i32
    %dma_start3A_14 = tpu.memref_slice %arg3[%add3A, %dma_start3A_9, %dma_start3A_13] : memref<32x80x128xi32, #tpu.memory_space<hbm>> -> memref<1x1x128xi32, #tpu.memory_space<hbm>>
    %dma_start3A_15 = tpu.memref_squeeze %dma_start3A_14 : memref<1x1x128xi32, #tpu.memory_space<hbm>> -> memref<128xi32, #tpu.memory_space<hbm>>
    tpu.enqueue_dma source(%dma_start3A_15 : memref<128xi32, #tpu.memory_space<hbm>>) target(%arg10 : memref<128xi32, #tpu.memory_space<vmem>>) target_semaphore(%arg20 : memref<!tpu.dma_semaphore, #tpu.memory_space<semaphore_mem>>)
    %dma_start3A_16 = arith.constant 1 : i32
    %dma_start3A_17 = arith.constant 0 : i32
    %dma_start3A_18 = tpu.memref_slice %arg2[%add3A, %dma_start3A_16, %dma_start3A_17] : memref<32x80x128xi32, #tpu.memory_space<hbm>> -> memref<1x1x128xi32, #tpu.memory_space<hbm>>
    %dma_start3A_19 = tpu.memref_squeeze %dma_start3A_18 : memref<1x1x128xi32, #tpu.memory_space<hbm>> -> memref<128xi32, #tpu.memory_space<hbm>>
    %dma_start3A_20 = arith.constant 0 : i32
    %dma_start3A_21 = tpu.memref_slice %arg2[%add3A, %dma_start3A_16, %dma_start3A_20] : memref<32x80x128xi32, #tpu.memory_space<hbm>> -> memref<1x1x128xi32, #tpu.memory_space<hbm>>
    %dma_start3A_22 = tpu.memref_squeeze %dma_start3A_21 : memref<1x1x128xi32, #tpu.memory_space<hbm>> -> memref<128xi32, #tpu.memory_space<hbm>>
    tpu.enqueue_dma source(%dma_start3A_22 : memref<128xi32, #tpu.memory_space<hbm>>) target(%arg7 : memref<128xi32, #tpu.memory_space<vmem>>) target_semaphore(%arg21 : memref<!tpu.dma_semaphore, #tpu.memory_space<semaphore_mem>>)
    %dma_start3A_23 = arith.constant 1 : i32
    %dma_start3A_24 = arith.constant 0 : i32
    %dma_start3A_25 = tpu.memref_slice %arg3[%add3A, %dma_start3A_23, %dma_start3A_24] : memref<32x80x128xi32, #tpu.memory_space<hbm>> -> memref<1x1x128xi32, #tpu.memory_space<hbm>>
    %dma_start3A_26 = tpu.memref_squeeze %dma_start3A_25 : memref<1x1x128xi32, #tpu.memory_space<hbm>> -> memref<128xi32, #tpu.memory_space<hbm>>
    %dma_start3A_27 = arith.constant 0 : i32
    %dma_start3A_28 = tpu.memref_slice %arg3[%add3A, %dma_start3A_23, %dma_start3A_27] : memref<32x80x128xi32, #tpu.memory_space<hbm>> -> memref<1x1x128xi32, #tpu.memory_space<hbm>>
    %dma_start3A_29 = tpu.memref_squeeze %dma_start3A_28 : memref<1x1x128xi32, #tpu.memory_space<hbm>> -> memref<128xi32, #tpu.memory_space<hbm>>
    tpu.enqueue_dma source(%dma_start3A_29 : memref<128xi32, #tpu.memory_space<hbm>>) target(%arg11 : memref<128xi32, #tpu.memory_space<vmem>>) target_semaphore(%arg21 : memref<!tpu.dma_semaphore, #tpu.memory_space<semaphore_mem>>)
    %dma_start3A_30 = arith.constant 2 : i32
    %dma_start3A_31 = arith.constant 0 : i32
    %dma_start3A_32 = tpu.memref_slice %arg2[%add3A, %dma_start3A_30, %dma_start3A_31] : memref<32x80x128xi32, #tpu.memory_space<hbm>> -> memref<1x1x128xi32, #tpu.memory_space<hbm>>
    %dma_start3A_33 = tpu.memref_squeeze %dma_start3A_32 : memref<1x1x128xi32, #tpu.memory_space<hbm>> -> memref<128xi32, #tpu.memory_space<hbm>>
    %dma_start3A_34 = arith.constant 0 : i32
    %dma_start3A_35 = tpu.memref_slice %arg2[%add3A, %dma_start3A_30, %dma_start3A_34] : memref<32x80x128xi32, #tpu.memory_space<hbm>> -> memref<1x1x128xi32, #tpu.memory_space<hbm>>
    %dma_start3A_36 = tpu.memref_squeeze %dma_start3A_35 : memref<1x1x128xi32, #tpu.memory_space<hbm>> -> memref<128xi32, #tpu.memory_space<hbm>>
    tpu.enqueue_dma source(%dma_start3A_36 : memref<128xi32, #tpu.memory_space<hbm>>) target(%arg8 : memref<128xi32, #tpu.memory_space<vmem>>) target_semaphore(%arg22 : memref<!tpu.dma_semaphore, #tpu.memory_space<semaphore_mem>>)
    %dma_start3A_37 = arith.constant 2 : i32
    %dma_start3A_38 = arith.constant 0 : i32
    %dma_start3A_39 = tpu.memref_slice %arg3[%add3A, %dma_start3A_37, %dma_start3A_38] : memref<32x80x128xi32, #tpu.memory_space<hbm>> -> memref<1x1x128xi32, #tpu.memory_space<hbm>>
    %dma_start3A_40 = tpu.memref_squeeze %dma_start3A_39 : memref<1x1x128xi32, #tpu.memory_space<hbm>> -> memref<128xi32, #tpu.memory_space<hbm>>
    %dma_start3A_41 = arith.constant 0 : i32
    %dma_start3A_42 = tpu.memref_slice %arg3[%add3A, %dma_start3A_37, %dma_start3A_41] : memref<32x80x128xi32, #tpu.memory_space<hbm>> -> memref<1x1x128xi32, #tpu.memory_space<hbm>>
    %dma_start3A_43 = tpu.memref_squeeze %dma_start3A_42 : memref<1x1x128xi32, #tpu.memory_space<hbm>> -> memref<128xi32, #tpu.memory_space<hbm>>
    tpu.enqueue_dma source(%dma_start3A_43 : memref<128xi32, #tpu.memory_space<hbm>>) target(%arg12 : memref<128xi32, #tpu.memory_space<vmem>>) target_semaphore(%arg22 : memref<!tpu.dma_semaphore, #tpu.memory_space<semaphore_mem>>)
    %dma_start3A_44 = arith.constant 3 : i32
    %dma_start3A_45 = arith.constant 0 : i32
    %dma_start3A_46 = tpu.memref_slice %arg2[%add3A, %dma_start3A_44, %dma_start3A_45] : memref<32x80x128xi32, #tpu.memory_space<hbm>> -> memref<1x1x128xi32, #tpu.memory_space<hbm>>
    %dma_start3A_47 = tpu.memref_squeeze %dma_start3A_46 : memref<1x1x128xi32, #tpu.memory_space<hbm>> -> memref<128xi32, #tpu.memory_space<hbm>>
    %dma_start3A_48 = arith.constant 0 : i32
    %dma_start3A_49 = tpu.memref_slice %arg2[%add3A, %dma_start3A_44, %dma_start3A_48] : memref<32x80x128xi32, #tpu.memory_space<hbm>> -> memref<1x1x128xi32, #tpu.memory_space<hbm>>
    %dma_start3A_50 = tpu.memref_squeeze %dma_start3A_49 : memref<1x1x128xi32, #tpu.memory_space<hbm>> -> memref<128xi32, #tpu.memory_space<hbm>>
    tpu.enqueue_dma source(%dma_start3A_50 : memref<128xi32, #tpu.memory_space<hbm>>) target(%arg9 : memref<128xi32, #tpu.memory_space<vmem>>) target_semaphore(%arg23 : memref<!tpu.dma_semaphore, #tpu.memory_space<semaphore_mem>>)
    %dma_start3A_51 = arith.constant 3 : i32
    %dma_start3A_52 = arith.constant 0 : i32
    %dma_start3A_53 = tpu.memref_slice %arg3[%add3A, %dma_start3A_51, %dma_start3A_52] : memref<32x80x128xi32, #tpu.memory_space<hbm>> -> memref<1x1x128xi32, #tpu.memory_space<hbm>>
    %dma_start3A_54 = tpu.memref_squeeze %dma_start3A_53 : memref<1x1x128xi32, #tpu.memory_space<hbm>> -> memref<128xi32, #tpu.memory_space<hbm>>
    %dma_start3A_55 = arith.constant 0 : i32
    %dma_start3A_56 = tpu.memref_slice %arg3[%add3A, %dma_start3A_51, %dma_start3A_55] : memref<32x80x128xi32, #tpu.memory_space<hbm>> -> memref<1x1x128xi32, #tpu.memory_space<hbm>>
    %dma_start3A_57 = tpu.memref_squeeze %dma_start3A_56 : memref<1x1x128xi32, #tpu.memory_space<hbm>> -> memref<128xi32, #tpu.memory_space<hbm>>
    tpu.enqueue_dma source(%dma_start3A_57 : memref<128xi32, #tpu.memory_space<hbm>>) target(%arg13 : memref<128xi32, #tpu.memory_space<vmem>>) target_semaphore(%arg23 : memref<!tpu.dma_semaphore, #tpu.memory_space<semaphore_mem>>)
    "tpu.region"() ({
      %run_scoped3A = tpu.sem_alloc : memref<!tpu.dma_semaphore, #tpu.memory_space<semaphore_mem>>
      %dma_start3A_96 = arith.constant 0 : i32
      %dma_start3A_97 = tpu.memref_slice %arg24[%mul3A_2, %dma_start3A_96] : memref<10112x128xf32, #tpu.memory_space<vmem_shared>> -> memref<632x128xf32, #tpu.memory_space<vmem_shared>>
      %dma_start3A_98 = arith.constant 0 : i32
      %dma_start3A_99 = tpu.memref_slice %arg4[%mul3A_2, %dma_start3A_98] : memref<10112x128xf32, #tpu.memory_space<hbm>> -> memref<632x128xf32, #tpu.memory_space<hbm>>
      tpu.enqueue_dma source(%dma_start3A_99 : memref<632x128xf32, #tpu.memory_space<hbm>>) target(%dma_start3A_97 : memref<632x128xf32, #tpu.memory_space<vmem_shared>>) target_semaphore(%run_scoped3A : memref<!tpu.dma_semaphore, #tpu.memory_space<semaphore_mem>>)
      %dma_wait3A_100 = arith.constant 0 : i32
      %dma_wait3A_101 = tpu.memref_slice %arg24[%mul3A_2, %dma_wait3A_100] : memref<10112x128xf32, #tpu.memory_space<vmem_shared>> -> memref<632x128xf32, #tpu.memory_space<vmem_shared>>
      %dma_wait3A_102 = arith.constant 0 : i32
      %dma_wait3A_103 = tpu.memref_slice %arg4[%mul3A_2, %dma_wait3A_102] : memref<10112x128xf32, #tpu.memory_space<hbm>> -> memref<632x128xf32, #tpu.memory_space<hbm>>
      tpu.wait_dma2 semaphore(%run_scoped3A : memref<!tpu.dma_semaphore, #tpu.memory_space<semaphore_mem>>) src(%dma_wait3A_103 : memref<632x128xf32, #tpu.memory_space<hbm>>) dst(%dma_wait3A_101 : memref<632x128xf32, #tpu.memory_space<vmem_shared>>)
      tpu.yield
    }) : () -> ()
    %barrier3A = arith.constant 0 : index
    tpu.barrier barrier_id(%barrier3A)
    %dma_wait3A = arith.constant 0 : i32
    %dma_wait3A_58 = arith.constant 0 : i32
    %dma_wait3A_59 = tpu.memref_slice %arg2[%add3A, %dma_wait3A, %dma_wait3A_58] : memref<32x80x128xi32, #tpu.memory_space<hbm>> -> memref<1x1x128xi32, #tpu.memory_space<hbm>>
    %dma_wait3A_60 = tpu.memref_squeeze %dma_wait3A_59 : memref<1x1x128xi32, #tpu.memory_space<hbm>> -> memref<128xi32, #tpu.memory_space<hbm>>
    %dma_wait3A_61 = arith.constant 0 : i32
    %dma_wait3A_62 = tpu.memref_slice %arg2[%add3A, %dma_wait3A, %dma_wait3A_61] : memref<32x80x128xi32, #tpu.memory_space<hbm>> -> memref<1x1x128xi32, #tpu.memory_space<hbm>>
    %dma_wait3A_63 = tpu.memref_squeeze %dma_wait3A_62 : memref<1x1x128xi32, #tpu.memory_space<hbm>> -> memref<128xi32, #tpu.memory_space<hbm>>
    tpu.wait_dma2 semaphore(%arg20 : memref<!tpu.dma_semaphore, #tpu.memory_space<semaphore_mem>>) src(%dma_wait3A_63 : memref<128xi32, #tpu.memory_space<hbm>>) dst(%arg6 : memref<128xi32, #tpu.memory_space<vmem>>)
    %dma_wait3A_64 = arith.constant 0 : i32
    %dma_wait3A_65 = arith.constant 0 : i32
    %dma_wait3A_66 = tpu.memref_slice %arg3[%add3A, %dma_wait3A_64, %dma_wait3A_65] : memref<32x80x128xi32, #tpu.memory_space<hbm>> -> memref<1x1x128xi32, #tpu.memory_space<hbm>>
    %dma_wait3A_67 = tpu.memref_squeeze %dma_wait3A_66 : memref<1x1x128xi32, #tpu.memory_space<hbm>> -> memref<128xi32, #tpu.memory_space<hbm>>
    %dma_wait3A_68 = arith.constant 0 : i32
    %dma_wait3A_69 = tpu.memref_slice %arg3[%add3A, %dma_wait3A_64, %dma_wait3A_68] : memref<32x80x128xi32, #tpu.memory_space<hbm>> -> memref<1x1x128xi32, #tpu.memory_space<hbm>>
    %dma_wait3A_70 = tpu.memref_squeeze %dma_wait3A_69 : memref<1x1x128xi32, #tpu.memory_space<hbm>> -> memref<128xi32, #tpu.memory_space<hbm>>
    tpu.wait_dma2 semaphore(%arg20 : memref<!tpu.dma_semaphore, #tpu.memory_space<semaphore_mem>>) src(%dma_wait3A_70 : memref<128xi32, #tpu.memory_space<hbm>>) dst(%arg10 : memref<128xi32, #tpu.memory_space<vmem>>)
    %dma_start3A_71 = arith.constant 0 : i32
    %dma_start3A_72 = arith.constant 0 : i32
    %dma_start3A_73 = tpu.memref_slice %arg4[%dma_start3A_71, %dma_start3A_72] : memref<10112x128xf32, #tpu.memory_space<hbm>> -> memref<10112x128xf32, #tpu.memory_space<hbm>>
    tpu.enqueue_indirect_dma source(%dma_start3A_73 : memref<10112x128xf32, #tpu.memory_space<hbm>>) target(%arg14 : memref<128x128xf32, #tpu.memory_space<vmem>>) offsets(%arg6 : memref<128xi32, #tpu.memory_space<vmem>>) semaphore(%arg16 : memref<!tpu.dma_semaphore, #tpu.memory_space<semaphore_mem>>)
    %dma_wait3A_74 = arith.constant 1 : i32
    %dma_wait3A_75 = arith.constant 0 : i32
    %dma_wait3A_76 = tpu.memref_slice %arg2[%add3A, %dma_wait3A_74, %dma_wait3A_75] : memref<32x80x128xi32, #tpu.memory_space<hbm>> -> memref<1x1x128xi32, #tpu.memory_space<hbm>>
    %dma_wait3A_77 = tpu.memref_squeeze %dma_wait3A_76 : memref<1x1x128xi32, #tpu.memory_space<hbm>> -> memref<128xi32, #tpu.memory_space<hbm>>
    %dma_wait3A_78 = arith.constant 0 : i32
    %dma_wait3A_79 = tpu.memref_slice %arg2[%add3A, %dma_wait3A_74, %dma_wait3A_78] : memref<32x80x128xi32, #tpu.memory_space<hbm>> -> memref<1x1x128xi32, #tpu.memory_space<hbm>>
    %dma_wait3A_80 = tpu.memref_squeeze %dma_wait3A_79 : memref<1x1x128xi32, #tpu.memory_space<hbm>> -> memref<128xi32, #tpu.memory_space<hbm>>
    tpu.wait_dma2 semaphore(%arg21 : memref<!tpu.dma_semaphore, #tpu.memory_space<semaphore_mem>>) src(%dma_wait3A_80 : memref<128xi32, #tpu.memory_space<hbm>>) dst(%arg7 : memref<128xi32, #tpu.memory_space<vmem>>)
    %dma_wait3A_81 = arith.constant 1 : i32
    %dma_wait3A_82 = arith.constant 0 : i32
    %dma_wait3A_83 = tpu.memref_slice %arg3[%add3A, %dma_wait3A_81, %dma_wait3A_82] : memref<32x80x128xi32, #tpu.memory_space<hbm>> -> memref<1x1x128xi32, #tpu.memory_space<hbm>>
    %dma_wait3A_84 = tpu.memref_squeeze %dma_wait3A_83 : memref<1x1x128xi32, #tpu.memory_space<hbm>> -> memref<128xi32, #tpu.memory_space<hbm>>
    %dma_wait3A_85 = arith.constant 0 : i32
    %dma_wait3A_86 = tpu.memref_slice %arg3[%add3A, %dma_wait3A_81, %dma_wait3A_85] : memref<32x80x128xi32, #tpu.memory_space<hbm>> -> memref<1x1x128xi32, #tpu.memory_space<hbm>>
    %dma_wait3A_87 = tpu.memref_squeeze %dma_wait3A_86 : memref<1x1x128xi32, #tpu.memory_space<hbm>> -> memref<128xi32, #tpu.memory_space<hbm>>
    tpu.wait_dma2 semaphore(%arg21 : memref<!tpu.dma_semaphore, #tpu.memory_space<semaphore_mem>>) src(%dma_wait3A_87 : memref<128xi32, #tpu.memory_space<hbm>>) dst(%arg11 : memref<128xi32, #tpu.memory_space<vmem>>)
    %dma_start3A_88 = arith.constant 0 : i32
    %dma_start3A_89 = arith.constant 0 : i32
    %dma_start3A_90 = tpu.memref_slice %arg4[%dma_start3A_88, %dma_start3A_89] : memref<10112x128xf32, #tpu.memory_space<hbm>> -> memref<10112x128xf32, #tpu.memory_space<hbm>>
    tpu.enqueue_indirect_dma source(%dma_start3A_90 : memref<10112x128xf32, #tpu.memory_space<hbm>>) target(%arg15 : memref<128x128xf32, #tpu.memory_space<vmem>>) offsets(%arg7 : memref<128xi32, #tpu.memory_space<vmem>>) semaphore(%arg17 : memref<!tpu.dma_semaphore, #tpu.memory_space<semaphore_mem>>)
    %scan3A = arith.constant 0 : i32
    %scan3A_91 = arith.constant 20 : i32
    %scan3A_92 = arith.addi %scan3A, %scan3A_91 : i32
    %scan3A_93 = arith.constant 1 : i32
    scf.for %scan3A_96 = %scan3A to %scan3A_92 step %scan3A_93  : i32 {
      %mul3A_97 = arith.constant 4 : i32
      %mul3A_98 = arith.muli %scan3A_96, %mul3A_97 : i32
      %add3A_99 = arith.constant 0 : i32
      %add3A_100 = arith.addi %add3A_99, %mul3A_98 : i32
      %dma_wait3A_101 = arith.constant 0 : i32
      %dma_wait3A_102 = arith.constant 0 : i32
      %dma_wait3A_103 = tpu.memref_slice %arg4[%dma_wait3A_101, %dma_wait3A_102] : memref<10112x128xf32, #tpu.memory_space<hbm>> -> memref<10112x128xf32, #tpu.memory_space<hbm>>
      tpu.wait_indirect_dma semaphore(%arg16 : memref<!tpu.dma_semaphore, #tpu.memory_space<semaphore_mem>>) src(%dma_wait3A_103 : memref<10112x128xf32, #tpu.memory_space<hbm>>) dst(%arg14 : memref<128x128xf32, #tpu.memory_space<vmem>>)
      %dma_start3A_104 = arith.constant 0 : i32
      %dma_start3A_105 = arith.constant 0 : i32
      %dma_start3A_106 = tpu.memref_slice %arg24[%dma_start3A_104, %dma_start3A_105] : memref<10112x128xf32, #tpu.memory_space<vmem_shared>> -> memref<10112x128xf32, #tpu.memory_space<vmem_shared>>
      tpu.enqueue_indirect_dma source(%arg14 : memref<128x128xf32, #tpu.memory_space<vmem>>) target(%dma_start3A_106 : memref<10112x128xf32, #tpu.memory_space<vmem_shared>>) offsets(%arg10 : memref<128xi32, #tpu.memory_space<vmem>>) semaphore(%arg18 : memref<!tpu.dma_semaphore, #tpu.memory_space<semaphore_mem>>) {add = true}
      %dma_wait3A_107 = arith.constant 0 : i32
      %dma_wait3A_108 = arith.constant 0 : i32
      %dma_wait3A_109 = tpu.memref_slice %arg4[%dma_wait3A_107, %dma_wait3A_108] : memref<10112x128xf32, #tpu.memory_space<hbm>> -> memref<10112x128xf32, #tpu.memory_space<hbm>>
      tpu.wait_indirect_dma semaphore(%arg17 : memref<!tpu.dma_semaphore, #tpu.memory_space<semaphore_mem>>) src(%dma_wait3A_109 : memref<10112x128xf32, #tpu.memory_space<hbm>>) dst(%arg15 : memref<128x128xf32, #tpu.memory_space<vmem>>)
      %dma_start3A_110 = arith.constant 0 : i32
      %dma_start3A_111 = arith.constant 0 : i32
      %dma_start3A_112 = tpu.memref_slice %arg24[%dma_start3A_110, %dma_start3A_111] : memref<10112x128xf32, #tpu.memory_space<vmem_shared>> -> memref<10112x128xf32, #tpu.memory_space<vmem_shared>>
      tpu.enqueue_indirect_dma source(%arg15 : memref<128x128xf32, #tpu.memory_space<vmem>>) target(%dma_start3A_112 : memref<10112x128xf32, #tpu.memory_space<vmem_shared>>) offsets(%arg11 : memref<128xi32, #tpu.memory_space<vmem>>) semaphore(%arg19 : memref<!tpu.dma_semaphore, #tpu.memory_space<semaphore_mem>>) {add = true}
      %dma_wait3A_113 = arith.constant 0 : i32
      %dma_wait3A_114 = arith.constant 0 : i32
      %dma_wait3A_115 = tpu.memref_slice %arg24[%dma_wait3A_113, %dma_wait3A_114] : memref<10112x128xf32, #tpu.memory_space<vmem_shared>> -> memref<10112x128xf32, #tpu.memory_space<vmem_shared>>
      tpu.wait_indirect_dma semaphore(%arg18 : memref<!tpu.dma_semaphore, #tpu.memory_space<semaphore_mem>>) src(%arg14 : memref<128x128xf32, #tpu.memory_space<vmem>>) dst(%dma_wait3A_115 : memref<10112x128xf32, #tpu.memory_space<vmem_shared>>)
      %add3A_116 = arith.constant 0 : i32
      %add3A_117 = arith.addi %add3A_100, %add3A_116 : i32
      %add3A_118 = arith.constant 0 : i32
      %add3A_119 = arith.addi %add3A_117, %add3A_118 : i32
      %add3A_120 = arith.constant 4 : i32
      %add3A_121 = arith.addi %add3A_119, %add3A_120 : i32
      %add3A_122 = arith.constant 0 : i32
      %add3A_123 = arith.addi %add3A_100, %add3A_122 : i32
      %add3A_124 = arith.constant 0 : i32
      %add3A_125 = arith.addi %add3A_123, %add3A_124 : i32
      %add3A_126 = arith.constant 2 : i32
      %add3A_127 = arith.addi %add3A_125, %add3A_126 : i32
      %lt3A = arith.constant 80 : i32
      %lt3A_128 = arith.cmpi slt, %add3A_121, %lt3A : i32
      %convert_element_type3A = arith.extui %lt3A_128 : i1 to i32
      %cond3A = arith.constant 0 : i32
      %cond3A_129 = arith.cmpi ne, %convert_element_type3A, %cond3A : i32
      scf.if %cond3A_129 {
        %dma_start3A_222 = arith.constant 0 : i32
        %dma_start3A_223 = tpu.memref_slice %arg2[%add3A, %add3A_121, %dma_start3A_222] : memref<32x80x128xi32, #tpu.memory_space<hbm>> -> memref<1x1x128xi32, #tpu.memory_space<hbm>>
        %dma_start3A_224 = tpu.memref_squeeze %dma_start3A_223 : memref<1x1x128xi32, #tpu.memory_space<hbm>> -> memref<128xi32, #tpu.memory_space<hbm>>
        %dma_start3A_225 = arith.constant 0 : i32
        %dma_start3A_226 = tpu.memref_slice %arg2[%add3A, %add3A_121, %dma_start3A_225] : memref<32x80x128xi32, #tpu.memory_space<hbm>> -> memref<1x1x128xi32, #tpu.memory_space<hbm>>
        %dma_start3A_227 = tpu.memref_squeeze %dma_start3A_226 : memref<1x1x128xi32, #tpu.memory_space<hbm>> -> memref<128xi32, #tpu.memory_space<hbm>>
        tpu.enqueue_dma source(%dma_start3A_227 : memref<128xi32, #tpu.memory_space<hbm>>) target(%arg6 : memref<128xi32, #tpu.memory_space<vmem>>) target_semaphore(%arg20 : memref<!tpu.dma_semaphore, #tpu.memory_space<semaphore_mem>>)
        %dma_start3A_228 = arith.constant 0 : i32
        %dma_start3A_229 = tpu.memref_slice %arg3[%add3A, %add3A_121, %dma_start3A_228] : memref<32x80x128xi32, #tpu.memory_space<hbm>> -> memref<1x1x128xi32, #tpu.memory_space<hbm>>
        %dma_start3A_230 = tpu.memref_squeeze %dma_start3A_229 : memref<1x1x128xi32, #tpu.memory_space<hbm>> -> memref<128xi32, #tpu.memory_space<hbm>>
        %dma_start3A_231 = arith.constant 0 : i32
        %dma_start3A_232 = tpu.memref_slice %arg3[%add3A, %add3A_121, %dma_start3A_231] : memref<32x80x128xi32, #tpu.memory_space<hbm>> -> memref<1x1x128xi32, #tpu.memory_space<hbm>>
        %dma_start3A_233 = tpu.memref_squeeze %dma_start3A_232 : memref<1x1x128xi32, #tpu.memory_space<hbm>> -> memref<128xi32, #tpu.memory_space<hbm>>
        tpu.enqueue_dma source(%dma_start3A_233 : memref<128xi32, #tpu.memory_space<hbm>>) target(%arg10 : memref<128xi32, #tpu.memory_space<vmem>>) target_semaphore(%arg20 : memref<!tpu.dma_semaphore, #tpu.memory_space<semaphore_mem>>)
      } else {
      }
      %lt3A_130 = arith.constant 80 : i32
      %lt3A_131 = arith.cmpi slt, %add3A_127, %lt3A_130 : i32
      %convert_element_type3A_132 = arith.extui %lt3A_131 : i1 to i32
      %cond3A_133 = arith.constant 0 : i32
      %cond3A_134 = arith.cmpi ne, %convert_element_type3A_132, %cond3A_133 : i32
      scf.if %cond3A_134 {
        %dma_wait3A_222 = arith.constant 0 : i32
        %dma_wait3A_223 = tpu.memref_slice %arg2[%add3A, %add3A_127, %dma_wait3A_222] : memref<32x80x128xi32, #tpu.memory_space<hbm>> -> memref<1x1x128xi32, #tpu.memory_space<hbm>>
        %dma_wait3A_224 = tpu.memref_squeeze %dma_wait3A_223 : memref<1x1x128xi32, #tpu.memory_space<hbm>> -> memref<128xi32, #tpu.memory_space<hbm>>
        %dma_wait3A_225 = arith.constant 0 : i32
        %dma_wait3A_226 = tpu.memref_slice %arg2[%add3A, %add3A_127, %dma_wait3A_225] : memref<32x80x128xi32, #tpu.memory_space<hbm>> -> memref<1x1x128xi32, #tpu.memory_space<hbm>>
        %dma_wait3A_227 = tpu.memref_squeeze %dma_wait3A_226 : memref<1x1x128xi32, #tpu.memory_space<hbm>> -> memref<128xi32, #tpu.memory_space<hbm>>
        tpu.wait_dma2 semaphore(%arg22 : memref<!tpu.dma_semaphore, #tpu.memory_space<semaphore_mem>>) src(%dma_wait3A_227 : memref<128xi32, #tpu.memory_space<hbm>>) dst(%arg8 : memref<128xi32, #tpu.memory_space<vmem>>)
        %dma_wait3A_228 = arith.constant 0 : i32
        %dma_wait3A_229 = tpu.memref_slice %arg3[%add3A, %add3A_127, %dma_wait3A_228] : memref<32x80x128xi32, #tpu.memory_space<hbm>> -> memref<1x1x128xi32, #tpu.memory_space<hbm>>
        %dma_wait3A_230 = tpu.memref_squeeze %dma_wait3A_229 : memref<1x1x128xi32, #tpu.memory_space<hbm>> -> memref<128xi32, #tpu.memory_space<hbm>>
        %dma_wait3A_231 = arith.constant 0 : i32
        %dma_wait3A_232 = tpu.memref_slice %arg3[%add3A, %add3A_127, %dma_wait3A_231] : memref<32x80x128xi32, #tpu.memory_space<hbm>> -> memref<1x1x128xi32, #tpu.memory_space<hbm>>
        %dma_wait3A_233 = tpu.memref_squeeze %dma_wait3A_232 : memref<1x1x128xi32, #tpu.memory_space<hbm>> -> memref<128xi32, #tpu.memory_space<hbm>>
        tpu.wait_dma2 semaphore(%arg22 : memref<!tpu.dma_semaphore, #tpu.memory_space<semaphore_mem>>) src(%dma_wait3A_233 : memref<128xi32, #tpu.memory_space<hbm>>) dst(%arg12 : memref<128xi32, #tpu.memory_space<vmem>>)
        %dma_start3A_234 = arith.constant 0 : i32
        %dma_start3A_235 = arith.constant 0 : i32
        %dma_start3A_236 = tpu.memref_slice %arg4[%dma_start3A_234, %dma_start3A_235] : memref<10112x128xf32, #tpu.memory_space<hbm>> -> memref<10112x128xf32, #tpu.memory_space<hbm>>
        tpu.enqueue_indirect_dma source(%dma_start3A_236 : memref<10112x128xf32, #tpu.memory_space<hbm>>) target(%arg14 : memref<128x128xf32, #tpu.memory_space<vmem>>) offsets(%arg8 : memref<128xi32, #tpu.memory_space<vmem>>) semaphore(%arg16 : memref<!tpu.dma_semaphore, #tpu.memory_space<semaphore_mem>>)
      } else {
      }
      %dma_wait3A_135 = arith.constant 0 : i32
      %dma_wait3A_136 = arith.constant 0 : i32
      %dma_wait3A_137 = tpu.memref_slice %arg24[%dma_wait3A_135, %dma_wait3A_136] : memref<10112x128xf32, #tpu.memory_space<vmem_shared>> -> memref<10112x128xf32, #tpu.memory_space<vmem_shared>>
      tpu.wait_indirect_dma semaphore(%arg19 : memref<!tpu.dma_semaphore, #tpu.memory_space<semaphore_mem>>) src(%arg15 : memref<128x128xf32, #tpu.memory_space<vmem>>) dst(%dma_wait3A_137 : memref<10112x128xf32, #tpu.memory_space<vmem_shared>>)
      %add3A_138 = arith.constant 0 : i32
      %add3A_139 = arith.addi %add3A_100, %add3A_138 : i32
      %add3A_140 = arith.constant 1 : i32
      %add3A_141 = arith.addi %add3A_139, %add3A_140 : i32
      %add3A_142 = arith.constant 4 : i32
      %add3A_143 = arith.addi %add3A_141, %add3A_142 : i32
      %add3A_144 = arith.constant 0 : i32
      %add3A_145 = arith.addi %add3A_100, %add3A_144 : i32
      %add3A_146 = arith.constant 1 : i32
      %add3A_147 = arith.addi %add3A_145, %add3A_146 : i32
      %add3A_148 = arith.constant 2 : i32
      %add3A_149 = arith.addi %add3A_147, %add3A_148 : i32
      %lt3A_150 = arith.constant 80 : i32
      %lt3A_151 = arith.cmpi slt, %add3A_143, %lt3A_150 : i32
      %convert_element_type3A_152 = arith.extui %lt3A_151 : i1 to i32
      %cond3A_153 = arith.constant 0 : i32
      %cond3A_154 = arith.cmpi ne, %convert_element_type3A_152, %cond3A_153 : i32
      scf.if %cond3A_154 {
        %dma_start3A_222 = arith.constant 0 : i32
        %dma_start3A_223 = tpu.memref_slice %arg2[%add3A, %add3A_143, %dma_start3A_222] : memref<32x80x128xi32, #tpu.memory_space<hbm>> -> memref<1x1x128xi32, #tpu.memory_space<hbm>>
        %dma_start3A_224 = tpu.memref_squeeze %dma_start3A_223 : memref<1x1x128xi32, #tpu.memory_space<hbm>> -> memref<128xi32, #tpu.memory_space<hbm>>
        %dma_start3A_225 = arith.constant 0 : i32
        %dma_start3A_226 = tpu.memref_slice %arg2[%add3A, %add3A_143, %dma_start3A_225] : memref<32x80x128xi32, #tpu.memory_space<hbm>> -> memref<1x1x128xi32, #tpu.memory_space<hbm>>
        %dma_start3A_227 = tpu.memref_squeeze %dma_start3A_226 : memref<1x1x128xi32, #tpu.memory_space<hbm>> -> memref<128xi32, #tpu.memory_space<hbm>>
        tpu.enqueue_dma source(%dma_start3A_227 : memref<128xi32, #tpu.memory_space<hbm>>) target(%arg7 : memref<128xi32, #tpu.memory_space<vmem>>) target_semaphore(%arg21 : memref<!tpu.dma_semaphore, #tpu.memory_space<semaphore_mem>>)
        %dma_start3A_228 = arith.constant 0 : i32
        %dma_start3A_229 = tpu.memref_slice %arg3[%add3A, %add3A_143, %dma_start3A_228] : memref<32x80x128xi32, #tpu.memory_space<hbm>> -> memref<1x1x128xi32, #tpu.memory_space<hbm>>
        %dma_start3A_230 = tpu.memref_squeeze %dma_start3A_229 : memref<1x1x128xi32, #tpu.memory_space<hbm>> -> memref<128xi32, #tpu.memory_space<hbm>>
        %dma_start3A_231 = arith.constant 0 : i32
        %dma_start3A_232 = tpu.memref_slice %arg3[%add3A, %add3A_143, %dma_start3A_231] : memref<32x80x128xi32, #tpu.memory_space<hbm>> -> memref<1x1x128xi32, #tpu.memory_space<hbm>>
        %dma_start3A_233 = tpu.memref_squeeze %dma_start3A_232 : memref<1x1x128xi32, #tpu.memory_space<hbm>> -> memref<128xi32, #tpu.memory_space<hbm>>
        tpu.enqueue_dma source(%dma_start3A_233 : memref<128xi32, #tpu.memory_space<hbm>>) target(%arg11 : memref<128xi32, #tpu.memory_space<vmem>>) target_semaphore(%arg21 : memref<!tpu.dma_semaphore, #tpu.memory_space<semaphore_mem>>)
      } else {
      }
      %lt3A_155 = arith.constant 80 : i32
      %lt3A_156 = arith.cmpi slt, %add3A_149, %lt3A_155 : i32
      %convert_element_type3A_157 = arith.extui %lt3A_156 : i1 to i32
      %cond3A_158 = arith.constant 0 : i32
      %cond3A_159 = arith.cmpi ne, %convert_element_type3A_157, %cond3A_158 : i32
      scf.if %cond3A_159 {
        %dma_wait3A_222 = arith.constant 0 : i32
        %dma_wait3A_223 = tpu.memref_slice %arg2[%add3A, %add3A_149, %dma_wait3A_222] : memref<32x80x128xi32, #tpu.memory_space<hbm>> -> memref<1x1x128xi32, #tpu.memory_space<hbm>>
        %dma_wait3A_224 = tpu.memref_squeeze %dma_wait3A_223 : memref<1x1x128xi32, #tpu.memory_space<hbm>> -> memref<128xi32, #tpu.memory_space<hbm>>
        %dma_wait3A_225 = arith.constant 0 : i32
        %dma_wait3A_226 = tpu.memref_slice %arg2[%add3A, %add3A_149, %dma_wait3A_225] : memref<32x80x128xi32, #tpu.memory_space<hbm>> -> memref<1x1x128xi32, #tpu.memory_space<hbm>>
        %dma_wait3A_227 = tpu.memref_squeeze %dma_wait3A_226 : memref<1x1x128xi32, #tpu.memory_space<hbm>> -> memref<128xi32, #tpu.memory_space<hbm>>
        tpu.wait_dma2 semaphore(%arg23 : memref<!tpu.dma_semaphore, #tpu.memory_space<semaphore_mem>>) src(%dma_wait3A_227 : memref<128xi32, #tpu.memory_space<hbm>>) dst(%arg9 : memref<128xi32, #tpu.memory_space<vmem>>)
        %dma_wait3A_228 = arith.constant 0 : i32
        %dma_wait3A_229 = tpu.memref_slice %arg3[%add3A, %add3A_149, %dma_wait3A_228] : memref<32x80x128xi32, #tpu.memory_space<hbm>> -> memref<1x1x128xi32, #tpu.memory_space<hbm>>
        %dma_wait3A_230 = tpu.memref_squeeze %dma_wait3A_229 : memref<1x1x128xi32, #tpu.memory_space<hbm>> -> memref<128xi32, #tpu.memory_space<hbm>>
        %dma_wait3A_231 = arith.constant 0 : i32
        %dma_wait3A_232 = tpu.memref_slice %arg3[%add3A, %add3A_149, %dma_wait3A_231] : memref<32x80x128xi32, #tpu.memory_space<hbm>> -> memref<1x1x128xi32, #tpu.memory_space<hbm>>
        %dma_wait3A_233 = tpu.memref_squeeze %dma_wait3A_232 : memref<1x1x128xi32, #tpu.memory_space<hbm>> -> memref<128xi32, #tpu.memory_space<hbm>>
        tpu.wait_dma2 semaphore(%arg23 : memref<!tpu.dma_semaphore, #tpu.memory_space<semaphore_mem>>) src(%dma_wait3A_233 : memref<128xi32, #tpu.memory_space<hbm>>) dst(%arg13 : memref<128xi32, #tpu.memory_space<vmem>>)
        %dma_start3A_234 = arith.constant 0 : i32
        %dma_start3A_235 = arith.constant 0 : i32
        %dma_start3A_236 = tpu.memref_slice %arg4[%dma_start3A_234, %dma_start3A_235] : memref<10112x128xf32, #tpu.memory_space<hbm>> -> memref<10112x128xf32, #tpu.memory_space<hbm>>
        tpu.enqueue_indirect_dma source(%dma_start3A_236 : memref<10112x128xf32, #tpu.memory_space<hbm>>) target(%arg15 : memref<128x128xf32, #tpu.memory_space<vmem>>) offsets(%arg9 : memref<128xi32, #tpu.memory_space<vmem>>) semaphore(%arg17 : memref<!tpu.dma_semaphore, #tpu.memory_space<semaphore_mem>>)
      } else {
      }
      %dma_wait3A_160 = arith.constant 0 : i32
      %dma_wait3A_161 = arith.constant 0 : i32
      %dma_wait3A_162 = tpu.memref_slice %arg4[%dma_wait3A_160, %dma_wait3A_161] : memref<10112x128xf32, #tpu.memory_space<hbm>> -> memref<10112x128xf32, #tpu.memory_space<hbm>>
      tpu.wait_indirect_dma semaphore(%arg16 : memref<!tpu.dma_semaphore, #tpu.memory_space<semaphore_mem>>) src(%dma_wait3A_162 : memref<10112x128xf32, #tpu.memory_space<hbm>>) dst(%arg14 : memref<128x128xf32, #tpu.memory_space<vmem>>)
      %dma_start3A_163 = arith.constant 0 : i32
      %dma_start3A_164 = arith.constant 0 : i32
      %dma_start3A_165 = tpu.memref_slice %arg24[%dma_start3A_163, %dma_start3A_164] : memref<10112x128xf32, #tpu.memory_space<vmem_shared>> -> memref<10112x128xf32, #tpu.memory_space<vmem_shared>>
      tpu.enqueue_indirect_dma source(%arg14 : memref<128x128xf32, #tpu.memory_space<vmem>>) target(%dma_start3A_165 : memref<10112x128xf32, #tpu.memory_space<vmem_shared>>) offsets(%arg12 : memref<128xi32, #tpu.memory_space<vmem>>) semaphore(%arg18 : memref<!tpu.dma_semaphore, #tpu.memory_space<semaphore_mem>>) {add = true}
      %dma_wait3A_166 = arith.constant 0 : i32
      %dma_wait3A_167 = arith.constant 0 : i32
      %dma_wait3A_168 = tpu.memref_slice %arg4[%dma_wait3A_166, %dma_wait3A_167] : memref<10112x128xf32, #tpu.memory_space<hbm>> -> memref<10112x128xf32, #tpu.memory_space<hbm>>
      tpu.wait_indirect_dma semaphore(%arg17 : memref<!tpu.dma_semaphore, #tpu.memory_space<semaphore_mem>>) src(%dma_wait3A_168 : memref<10112x128xf32, #tpu.memory_space<hbm>>) dst(%arg15 : memref<128x128xf32, #tpu.memory_space<vmem>>)
      %dma_start3A_169 = arith.constant 0 : i32
      %dma_start3A_170 = arith.constant 0 : i32
      %dma_start3A_171 = tpu.memref_slice %arg24[%dma_start3A_169, %dma_start3A_170] : memref<10112x128xf32, #tpu.memory_space<vmem_shared>> -> memref<10112x128xf32, #tpu.memory_space<vmem_shared>>
      tpu.enqueue_indirect_dma source(%arg15 : memref<128x128xf32, #tpu.memory_space<vmem>>) target(%dma_start3A_171 : memref<10112x128xf32, #tpu.memory_space<vmem_shared>>) offsets(%arg13 : memref<128xi32, #tpu.memory_space<vmem>>) semaphore(%arg19 : memref<!tpu.dma_semaphore, #tpu.memory_space<semaphore_mem>>) {add = true}
      %dma_wait3A_172 = arith.constant 0 : i32
      %dma_wait3A_173 = arith.constant 0 : i32
      %dma_wait3A_174 = tpu.memref_slice %arg24[%dma_wait3A_172, %dma_wait3A_173] : memref<10112x128xf32, #tpu.memory_space<vmem_shared>> -> memref<10112x128xf32, #tpu.memory_space<vmem_shared>>
      tpu.wait_indirect_dma semaphore(%arg18 : memref<!tpu.dma_semaphore, #tpu.memory_space<semaphore_mem>>) src(%arg14 : memref<128x128xf32, #tpu.memory_space<vmem>>) dst(%dma_wait3A_174 : memref<10112x128xf32, #tpu.memory_space<vmem_shared>>)
      %add3A_175 = arith.constant 2 : i32
      %add3A_176 = arith.addi %add3A_100, %add3A_175 : i32
      %add3A_177 = arith.constant 0 : i32
      %add3A_178 = arith.addi %add3A_176, %add3A_177 : i32
      %add3A_179 = arith.constant 4 : i32
      %add3A_180 = arith.addi %add3A_178, %add3A_179 : i32
      %add3A_181 = arith.constant 2 : i32
      %add3A_182 = arith.addi %add3A_100, %add3A_181 : i32
      %add3A_183 = arith.constant 0 : i32
      %add3A_184 = arith.addi %add3A_182, %add3A_183 : i32
      %add3A_185 = arith.constant 2 : i32
      %add3A_186 = arith.addi %add3A_184, %add3A_185 : i32
      %lt3A_187 = arith.constant 80 : i32
      %lt3A_188 = arith.cmpi slt, %add3A_180, %lt3A_187 : i32
      %convert_element_type3A_189 = arith.extui %lt3A_188 : i1 to i32
      %cond3A_190 = arith.constant 0 : i32
      %cond3A_191 = arith.cmpi ne, %convert_element_type3A_189, %cond3A_190 : i32
      scf.if %cond3A_191 {
        %dma_start3A_222 = arith.constant 0 : i32
        %dma_start3A_223 = tpu.memref_slice %arg2[%add3A, %add3A_180, %dma_start3A_222] : memref<32x80x128xi32, #tpu.memory_space<hbm>> -> memref<1x1x128xi32, #tpu.memory_space<hbm>>
        %dma_start3A_224 = tpu.memref_squeeze %dma_start3A_223 : memref<1x1x128xi32, #tpu.memory_space<hbm>> -> memref<128xi32, #tpu.memory_space<hbm>>
        %dma_start3A_225 = arith.constant 0 : i32
        %dma_start3A_226 = tpu.memref_slice %arg2[%add3A, %add3A_180, %dma_start3A_225] : memref<32x80x128xi32, #tpu.memory_space<hbm>> -> memref<1x1x128xi32, #tpu.memory_space<hbm>>
        %dma_start3A_227 = tpu.memref_squeeze %dma_start3A_226 : memref<1x1x128xi32, #tpu.memory_space<hbm>> -> memref<128xi32, #tpu.memory_space<hbm>>
        tpu.enqueue_dma source(%dma_start3A_227 : memref<128xi32, #tpu.memory_space<hbm>>) target(%arg8 : memref<128xi32, #tpu.memory_space<vmem>>) target_semaphore(%arg22 : memref<!tpu.dma_semaphore, #tpu.memory_space<semaphore_mem>>)
        %dma_start3A_228 = arith.constant 0 : i32
        %dma_start3A_229 = tpu.memref_slice %arg3[%add3A, %add3A_180, %dma_start3A_228] : memref<32x80x128xi32, #tpu.memory_space<hbm>> -> memref<1x1x128xi32, #tpu.memory_space<hbm>>
        %dma_start3A_230 = tpu.memref_squeeze %dma_start3A_229 : memref<1x1x128xi32, #tpu.memory_space<hbm>> -> memref<128xi32, #tpu.memory_space<hbm>>
        %dma_start3A_231 = arith.constant 0 : i32
        %dma_start3A_232 = tpu.memref_slice %arg3[%add3A, %add3A_180, %dma_start3A_231] : memref<32x80x128xi32, #tpu.memory_space<hbm>> -> memref<1x1x128xi32, #tpu.memory_space<hbm>>
        %dma_start3A_233 = tpu.memref_squeeze %dma_start3A_232 : memref<1x1x128xi32, #tpu.memory_space<hbm>> -> memref<128xi32, #tpu.memory_space<hbm>>
        tpu.enqueue_dma source(%dma_start3A_233 : memref<128xi32, #tpu.memory_space<hbm>>) target(%arg12 : memref<128xi32, #tpu.memory_space<vmem>>) target_semaphore(%arg22 : memref<!tpu.dma_semaphore, #tpu.memory_space<semaphore_mem>>)
      } else {
      }
      %lt3A_192 = arith.constant 80 : i32
      %lt3A_193 = arith.cmpi slt, %add3A_186, %lt3A_192 : i32
      %convert_element_type3A_194 = arith.extui %lt3A_193 : i1 to i32
      %cond3A_195 = arith.constant 0 : i32
      %cond3A_196 = arith.cmpi ne, %convert_element_type3A_194, %cond3A_195 : i32
      scf.if %cond3A_196 {
        %dma_wait3A_222 = arith.constant 0 : i32
        %dma_wait3A_223 = tpu.memref_slice %arg2[%add3A, %add3A_186, %dma_wait3A_222] : memref<32x80x128xi32, #tpu.memory_space<hbm>> -> memref<1x1x128xi32, #tpu.memory_space<hbm>>
        %dma_wait3A_224 = tpu.memref_squeeze %dma_wait3A_223 : memref<1x1x128xi32, #tpu.memory_space<hbm>> -> memref<128xi32, #tpu.memory_space<hbm>>
        %dma_wait3A_225 = arith.constant 0 : i32
        %dma_wait3A_226 = tpu.memref_slice %arg2[%add3A, %add3A_186, %dma_wait3A_225] : memref<32x80x128xi32, #tpu.memory_space<hbm>> -> memref<1x1x128xi32, #tpu.memory_space<hbm>>
        %dma_wait3A_227 = tpu.memref_squeeze %dma_wait3A_226 : memref<1x1x128xi32, #tpu.memory_space<hbm>> -> memref<128xi32, #tpu.memory_space<hbm>>
        tpu.wait_dma2 semaphore(%arg20 : memref<!tpu.dma_semaphore, #tpu.memory_space<semaphore_mem>>) src(%dma_wait3A_227 : memref<128xi32, #tpu.memory_space<hbm>>) dst(%arg6 : memref<128xi32, #tpu.memory_space<vmem>>)
        %dma_wait3A_228 = arith.constant 0 : i32
        %dma_wait3A_229 = tpu.memref_slice %arg3[%add3A, %add3A_186, %dma_wait3A_228] : memref<32x80x128xi32, #tpu.memory_space<hbm>> -> memref<1x1x128xi32, #tpu.memory_space<hbm>>
        %dma_wait3A_230 = tpu.memref_squeeze %dma_wait3A_229 : memref<1x1x128xi32, #tpu.memory_space<hbm>> -> memref<128xi32, #tpu.memory_space<hbm>>
        %dma_wait3A_231 = arith.constant 0 : i32
        %dma_wait3A_232 = tpu.memref_slice %arg3[%add3A, %add3A_186, %dma_wait3A_231] : memref<32x80x128xi32, #tpu.memory_space<hbm>> -> memref<1x1x128xi32, #tpu.memory_space<hbm>>
        %dma_wait3A_233 = tpu.memref_squeeze %dma_wait3A_232 : memref<1x1x128xi32, #tpu.memory_space<hbm>> -> memref<128xi32, #tpu.memory_space<hbm>>
        tpu.wait_dma2 semaphore(%arg20 : memref<!tpu.dma_semaphore, #tpu.memory_space<semaphore_mem>>) src(%dma_wait3A_233 : memref<128xi32, #tpu.memory_space<hbm>>) dst(%arg10 : memref<128xi32, #tpu.memory_space<vmem>>)
        %dma_start3A_234 = arith.constant 0 : i32
        %dma_start3A_235 = arith.constant 0 : i32
        %dma_start3A_236 = tpu.memref_slice %arg4[%dma_start3A_234, %dma_start3A_235] : memref<10112x128xf32, #tpu.memory_space<hbm>> -> memref<10112x128xf32, #tpu.memory_space<hbm>>
        tpu.enqueue_indirect_dma source(%dma_start3A_236 : memref<10112x128xf32, #tpu.memory_space<hbm>>) target(%arg14 : memref<128x128xf32, #tpu.memory_space<vmem>>) offsets(%arg6 : memref<128xi32, #tpu.memory_space<vmem>>) semaphore(%arg16 : memref<!tpu.dma_semaphore, #tpu.memory_space<semaphore_mem>>)
      } else {
      }
      %dma_wait3A_197 = arith.constant 0 : i32
      %dma_wait3A_198 = arith.constant 0 : i32
      %dma_wait3A_199 = tpu.memref_slice %arg24[%dma_wait3A_197, %dma_wait3A_198] : memref<10112x128xf32, #tpu.memory_space<vmem_shared>> -> memref<10112x128xf32, #tpu.memory_space<vmem_shared>>
      tpu.wait_indirect_dma semaphore(%arg19 : memref<!tpu.dma_semaphore, #tpu.memory_space<semaphore_mem>>) src(%arg15 : memref<128x128xf32, #tpu.memory_space<vmem>>) dst(%dma_wait3A_199 : memref<10112x128xf32, #tpu.memory_space<vmem_shared>>)
      %add3A_200 = arith.constant 2 : i32
      %add3A_201 = arith.addi %add3A_100, %add3A_200 : i32
      %add3A_202 = arith.constant 1 : i32
      %add3A_203 = arith.addi %add3A_201, %add3A_202 : i32
      %add3A_204 = arith.constant 4 : i32
      %add3A_205 = arith.addi %add3A_203, %add3A_204 : i32
      %add3A_206 = arith.constant 2 : i32
      %add3A_207 = arith.addi %add3A_100, %add3A_206 : i32
      %add3A_208 = arith.constant 1 : i32
      %add3A_209 = arith.addi %add3A_207, %add3A_208 : i32
      %add3A_210 = arith.constant 2 : i32
      %add3A_211 = arith.addi %add3A_209, %add3A_210 : i32
      %lt3A_212 = arith.constant 80 : i32
      %lt3A_213 = arith.cmpi slt, %add3A_205, %lt3A_212 : i32
      %convert_element_type3A_214 = arith.extui %lt3A_213 : i1 to i32
      %cond3A_215 = arith.constant 0 : i32
      %cond3A_216 = arith.cmpi ne, %convert_element_type3A_214, %cond3A_215 : i32
      scf.if %cond3A_216 {
        %dma_start3A_222 = arith.constant 0 : i32
        %dma_start3A_223 = tpu.memref_slice %arg2[%add3A, %add3A_205, %dma_start3A_222] : memref<32x80x128xi32, #tpu.memory_space<hbm>> -> memref<1x1x128xi32, #tpu.memory_space<hbm>>
        %dma_start3A_224 = tpu.memref_squeeze %dma_start3A_223 : memref<1x1x128xi32, #tpu.memory_space<hbm>> -> memref<128xi32, #tpu.memory_space<hbm>>
        %dma_start3A_225 = arith.constant 0 : i32
        %dma_start3A_226 = tpu.memref_slice %arg2[%add3A, %add3A_205, %dma_start3A_225] : memref<32x80x128xi32, #tpu.memory_space<hbm>> -> memref<1x1x128xi32, #tpu.memory_space<hbm>>
        %dma_start3A_227 = tpu.memref_squeeze %dma_start3A_226 : memref<1x1x128xi32, #tpu.memory_space<hbm>> -> memref<128xi32, #tpu.memory_space<hbm>>
        tpu.enqueue_dma source(%dma_start3A_227 : memref<128xi32, #tpu.memory_space<hbm>>) target(%arg9 : memref<128xi32, #tpu.memory_space<vmem>>) target_semaphore(%arg23 : memref<!tpu.dma_semaphore, #tpu.memory_space<semaphore_mem>>)
        %dma_start3A_228 = arith.constant 0 : i32
        %dma_start3A_229 = tpu.memref_slice %arg3[%add3A, %add3A_205, %dma_start3A_228] : memref<32x80x128xi32, #tpu.memory_space<hbm>> -> memref<1x1x128xi32, #tpu.memory_space<hbm>>
        %dma_start3A_230 = tpu.memref_squeeze %dma_start3A_229 : memref<1x1x128xi32, #tpu.memory_space<hbm>> -> memref<128xi32, #tpu.memory_space<hbm>>
        %dma_start3A_231 = arith.constant 0 : i32
        %dma_start3A_232 = tpu.memref_slice %arg3[%add3A, %add3A_205, %dma_start3A_231] : memref<32x80x128xi32, #tpu.memory_space<hbm>> -> memref<1x1x128xi32, #tpu.memory_space<hbm>>
        %dma_start3A_233 = tpu.memref_squeeze %dma_start3A_232 : memref<1x1x128xi32, #tpu.memory_space<hbm>> -> memref<128xi32, #tpu.memory_space<hbm>>
        tpu.enqueue_dma source(%dma_start3A_233 : memref<128xi32, #tpu.memory_space<hbm>>) target(%arg13 : memref<128xi32, #tpu.memory_space<vmem>>) target_semaphore(%arg23 : memref<!tpu.dma_semaphore, #tpu.memory_space<semaphore_mem>>)
      } else {
      }
      %lt3A_217 = arith.constant 80 : i32
      %lt3A_218 = arith.cmpi slt, %add3A_211, %lt3A_217 : i32
      %convert_element_type3A_219 = arith.extui %lt3A_218 : i1 to i32
      %cond3A_220 = arith.constant 0 : i32
      %cond3A_221 = arith.cmpi ne, %convert_element_type3A_219, %cond3A_220 : i32
      scf.if %cond3A_221 {
        %dma_wait3A_222 = arith.constant 0 : i32
        %dma_wait3A_223 = tpu.memref_slice %arg2[%add3A, %add3A_211, %dma_wait3A_222] : memref<32x80x128xi32, #tpu.memory_space<hbm>> -> memref<1x1x128xi32, #tpu.memory_space<hbm>>
        %dma_wait3A_224 = tpu.memref_squeeze %dma_wait3A_223 : memref<1x1x128xi32, #tpu.memory_space<hbm>> -> memref<128xi32, #tpu.memory_space<hbm>>
        %dma_wait3A_225 = arith.constant 0 : i32
        %dma_wait3A_226 = tpu.memref_slice %arg2[%add3A, %add3A_211, %dma_wait3A_225] : memref<32x80x128xi32, #tpu.memory_space<hbm>> -> memref<1x1x128xi32, #tpu.memory_space<hbm>>
        %dma_wait3A_227 = tpu.memref_squeeze %dma_wait3A_226 : memref<1x1x128xi32, #tpu.memory_space<hbm>> -> memref<128xi32, #tpu.memory_space<hbm>>
        tpu.wait_dma2 semaphore(%arg21 : memref<!tpu.dma_semaphore, #tpu.memory_space<semaphore_mem>>) src(%dma_wait3A_227 : memref<128xi32, #tpu.memory_space<hbm>>) dst(%arg7 : memref<128xi32, #tpu.memory_space<vmem>>)
        %dma_wait3A_228 = arith.constant 0 : i32
        %dma_wait3A_229 = tpu.memref_slice %arg3[%add3A, %add3A_211, %dma_wait3A_228] : memref<32x80x128xi32, #tpu.memory_space<hbm>> -> memref<1x1x128xi32, #tpu.memory_space<hbm>>
        %dma_wait3A_230 = tpu.memref_squeeze %dma_wait3A_229 : memref<1x1x128xi32, #tpu.memory_space<hbm>> -> memref<128xi32, #tpu.memory_space<hbm>>
        %dma_wait3A_231 = arith.constant 0 : i32
        %dma_wait3A_232 = tpu.memref_slice %arg3[%add3A, %add3A_211, %dma_wait3A_231] : memref<32x80x128xi32, #tpu.memory_space<hbm>> -> memref<1x1x128xi32, #tpu.memory_space<hbm>>
        %dma_wait3A_233 = tpu.memref_squeeze %dma_wait3A_232 : memref<1x1x128xi32, #tpu.memory_space<hbm>> -> memref<128xi32, #tpu.memory_space<hbm>>
        tpu.wait_dma2 semaphore(%arg21 : memref<!tpu.dma_semaphore, #tpu.memory_space<semaphore_mem>>) src(%dma_wait3A_233 : memref<128xi32, #tpu.memory_space<hbm>>) dst(%arg11 : memref<128xi32, #tpu.memory_space<vmem>>)
        %dma_start3A_234 = arith.constant 0 : i32
        %dma_start3A_235 = arith.constant 0 : i32
        %dma_start3A_236 = tpu.memref_slice %arg4[%dma_start3A_234, %dma_start3A_235] : memref<10112x128xf32, #tpu.memory_space<hbm>> -> memref<10112x128xf32, #tpu.memory_space<hbm>>
        tpu.enqueue_indirect_dma source(%dma_start3A_236 : memref<10112x128xf32, #tpu.memory_space<hbm>>) target(%arg15 : memref<128x128xf32, #tpu.memory_space<vmem>>) offsets(%arg7 : memref<128xi32, #tpu.memory_space<vmem>>) semaphore(%arg17 : memref<!tpu.dma_semaphore, #tpu.memory_space<semaphore_mem>>)
      } else {
      }
    }
    %scan3A_94 = arith.constant 20 : i32
    %barrier3A_95 = arith.constant 0 : index
    tpu.barrier barrier_id(%barrier3A_95)
    "tpu.region"() ({
      %run_scoped3A = tpu.sem_alloc : memref<!tpu.dma_semaphore, #tpu.memory_space<semaphore_mem>>
      %dma_start3A_96 = arith.constant 0 : i32
      %dma_start3A_97 = tpu.memref_slice %arg5[%arg0, %mul3A_2, %dma_start3A_96] : memref<2x10112x128xf32, #tpu.memory_space<hbm>> -> memref<1x632x128xf32, #tpu.memory_space<hbm>>
      %dma_start3A_98 = tpu.memref_squeeze %dma_start3A_97 : memref<1x632x128xf32, #tpu.memory_space<hbm>> -> memref<632x128xf32, #tpu.memory_space<hbm>>
      %dma_start3A_99 = arith.constant 0 : i32
      %dma_start3A_100 = tpu.memref_slice %arg24[%mul3A_2, %dma_start3A_99] : memref<10112x128xf32, #tpu.memory_space<vmem_shared>> -> memref<632x128xf32, #tpu.memory_space<vmem_shared>>
      tpu.enqueue_dma source(%dma_start3A_100 : memref<632x128xf32, #tpu.memory_space<vmem_shared>>) target(%dma_start3A_98 : memref<632x128xf32, #tpu.memory_space<hbm>>) target_semaphore(%run_scoped3A : memref<!tpu.dma_semaphore, #tpu.memory_space<semaphore_mem>>)
      %dma_wait3A_101 = arith.constant 0 : i32
      %dma_wait3A_102 = tpu.memref_slice %arg5[%arg0, %mul3A_2, %dma_wait3A_101] : memref<2x10112x128xf32, #tpu.memory_space<hbm>> -> memref<1x632x128xf32, #tpu.memory_space<hbm>>
      %dma_wait3A_103 = tpu.memref_squeeze %dma_wait3A_102 : memref<1x632x128xf32, #tpu.memory_space<hbm>> -> memref<632x128xf32, #tpu.memory_space<hbm>>
      %dma_wait3A_104 = arith.constant 0 : i32
      %dma_wait3A_105 = tpu.memref_slice %arg24[%mul3A_2, %dma_wait3A_104] : memref<10112x128xf32, #tpu.memory_space<vmem_shared>> -> memref<632x128xf32, #tpu.memory_space<vmem_shared>>
      tpu.wait_dma2 semaphore(%run_scoped3A : memref<!tpu.dma_semaphore, #tpu.memory_space<semaphore_mem>>) src(%dma_wait3A_105 : memref<632x128xf32, #tpu.memory_space<vmem_shared>>) dst(%dma_wait3A_103 : memref<632x128xf32, #tpu.memory_space<hbm>>)
      tpu.yield
    }) : () -> ()
    return
  }
}

#map = affine_map<(d0, d1) -> (0, 0, 0)>
#map1 = affine_map<(d0, d1) -> (0, 0)>
module attributes {stable_mosaic.version = 14 : i64} {
  func.func @body(%arg0: i32, %arg1: i32, %arg2: memref<32x80x128xi32, #tpu.memory_space<hbm>>, %arg3: memref<32x80x128xi32, #tpu.memory_space<hbm>>, %arg4: memref<10112x128xf32, #tpu.memory_space<hbm>>, %arg5: memref<2x10112x128xf32, #tpu.memory_space<hbm>>, %arg6: memref<128xi32, #tpu.memory_space<vmem>>, %arg7: memref<128xi32, #tpu.memory_space<vmem>>, %arg8: memref<128xi32, #tpu.memory_space<vmem>>, %arg9: memref<128xi32, #tpu.memory_space<vmem>>, %arg10: memref<128xi32, #tpu.memory_space<vmem>>, %arg11: memref<128xi32, #tpu.memory_space<vmem>>, %arg12: memref<128xi32, #tpu.memory_space<vmem>>, %arg13: memref<128xi32, #tpu.memory_space<vmem>>, %arg14: memref<128x128xf32, #tpu.memory_space<vmem>>, %arg15: memref<128x128xf32, #tpu.memory_space<vmem>>, %arg16: memref<!tpu.dma_semaphore, #tpu.memory_space<semaphore_mem>>, %arg17: memref<!tpu.dma_semaphore, #tpu.memory_space<semaphore_mem>>, %arg18: memref<!tpu.dma_semaphore, #tpu.memory_space<semaphore_mem>>, %arg19: memref<!tpu.dma_semaphore, #tpu.memory_space<semaphore_mem>>, %arg20: memref<!tpu.dma_semaphore, #tpu.memory_space<semaphore_mem>>, %arg21: memref<!tpu.dma_semaphore, #tpu.memory_space<semaphore_mem>>, %arg22: memref<!tpu.dma_semaphore, #tpu.memory_space<semaphore_mem>>, %arg23: memref<!tpu.dma_semaphore, #tpu.memory_space<semaphore_mem>>, %arg24: memref<10112x128xf32, #tpu.memory_space<vmem_shared>>) attributes {dimension_semantics = [#tpu.dimension_semantics<core_parallel>, #tpu.dimension_semantics<subcore_parallel>], iteration_bounds = array<i64: 2, 16>, scalar_prefetch = 0 : i64, scratch_operands = 19 : i64, tpu.core_type = #tpu.core_type<sc_vector_subcore>, window_params = [{transform_indices = #map}, {transform_indices = #map}, {transform_indices = #map1}, {transform_indices = #map}]} {
    %mul3A = arith.constant 16 : i32
    %mul3A_0 = arith.muli %arg0, %mul3A : i32
    %add3A = arith.addi %mul3A_0, %arg1 : i32
    %mul3A_1 = arith.constant 632 : i32
    %mul3A_2 = arith.muli %arg1, %mul3A_1 : i32
    %dma_start3A = arith.constant 0 : i32
    %dma_start3A_3 = arith.constant 0 : i32
    %dma_start3A_4 = tpu.memref_slice %arg2[%add3A, %dma_start3A, %dma_start3A_3] : memref<32x80x128xi32, #tpu.memory_space<hbm>> -> memref<1x1x128xi32, #tpu.memory_space<hbm>>
    %dma_start3A_5 = tpu.memref_squeeze %dma_start3A_4 : memref<1x1x128xi32, #tpu.memory_space<hbm>> -> memref<128xi32, #tpu.memory_space<hbm>>
    %dma_start3A_6 = arith.constant 0 : i32
    %dma_start3A_7 = tpu.memref_slice %arg2[%add3A, %dma_start3A, %dma_start3A_6] : memref<32x80x128xi32, #tpu.memory_space<hbm>> -> memref<1x1x128xi32, #tpu.memory_space<hbm>>
    %dma_start3A_8 = tpu.memref_squeeze %dma_start3A_7 : memref<1x1x128xi32, #tpu.memory_space<hbm>> -> memref<128xi32, #tpu.memory_space<hbm>>
    tpu.enqueue_dma source(%dma_start3A_8 : memref<128xi32, #tpu.memory_space<hbm>>) target(%arg6 : memref<128xi32, #tpu.memory_space<vmem>>) target_semaphore(%arg20 : memref<!tpu.dma_semaphore, #tpu.memory_space<semaphore_mem>>)
    %dma_start3A_9 = arith.constant 0 : i32
    %dma_start3A_10 = arith.constant 0 : i32
    %dma_start3A_11 = tpu.memref_slice %arg3[%add3A, %dma_start3A_9, %dma_start3A_10] : memref<32x80x128xi32, #tpu.memory_space<hbm>> -> memref<1x1x128xi32, #tpu.memory_space<hbm>>
    %dma_start3A_12 = tpu.memref_squeeze %dma_start3A_11 : memref<1x1x128xi32, #tpu.memory_space<hbm>> -> memref<128xi32, #tpu.memory_space<hbm>>
    %dma_start3A_13 = arith.constant 0 : i32
    %dma_start3A_14 = tpu.memref_slice %arg3[%add3A, %dma_start3A_9, %dma_start3A_13] : memref<32x80x128xi32, #tpu.memory_space<hbm>> -> memref<1x1x128xi32, #tpu.memory_space<hbm>>
    %dma_start3A_15 = tpu.memref_squeeze %dma_start3A_14 : memref<1x1x128xi32, #tpu.memory_space<hbm>> -> memref<128xi32, #tpu.memory_space<hbm>>
    tpu.enqueue_dma source(%dma_start3A_15 : memref<128xi32, #tpu.memory_space<hbm>>) target(%arg10 : memref<128xi32, #tpu.memory_space<vmem>>) target_semaphore(%arg20 : memref<!tpu.dma_semaphore, #tpu.memory_space<semaphore_mem>>)
    %dma_start3A_16 = arith.constant 1 : i32
    %dma_start3A_17 = arith.constant 0 : i32
    %dma_start3A_18 = tpu.memref_slice %arg2[%add3A, %dma_start3A_16, %dma_start3A_17] : memref<32x80x128xi32, #tpu.memory_space<hbm>> -> memref<1x1x128xi32, #tpu.memory_space<hbm>>
    %dma_start3A_19 = tpu.memref_squeeze %dma_start3A_18 : memref<1x1x128xi32, #tpu.memory_space<hbm>> -> memref<128xi32, #tpu.memory_space<hbm>>
    %dma_start3A_20 = arith.constant 0 : i32
    %dma_start3A_21 = tpu.memref_slice %arg2[%add3A, %dma_start3A_16, %dma_start3A_20] : memref<32x80x128xi32, #tpu.memory_space<hbm>> -> memref<1x1x128xi32, #tpu.memory_space<hbm>>
    %dma_start3A_22 = tpu.memref_squeeze %dma_start3A_21 : memref<1x1x128xi32, #tpu.memory_space<hbm>> -> memref<128xi32, #tpu.memory_space<hbm>>
    tpu.enqueue_dma source(%dma_start3A_22 : memref<128xi32, #tpu.memory_space<hbm>>) target(%arg7 : memref<128xi32, #tpu.memory_space<vmem>>) target_semaphore(%arg21 : memref<!tpu.dma_semaphore, #tpu.memory_space<semaphore_mem>>)
    %dma_start3A_23 = arith.constant 1 : i32
    %dma_start3A_24 = arith.constant 0 : i32
    %dma_start3A_25 = tpu.memref_slice %arg3[%add3A, %dma_start3A_23, %dma_start3A_24] : memref<32x80x128xi32, #tpu.memory_space<hbm>> -> memref<1x1x128xi32, #tpu.memory_space<hbm>>
    %dma_start3A_26 = tpu.memref_squeeze %dma_start3A_25 : memref<1x1x128xi32, #tpu.memory_space<hbm>> -> memref<128xi32, #tpu.memory_space<hbm>>
    %dma_start3A_27 = arith.constant 0 : i32
    %dma_start3A_28 = tpu.memref_slice %arg3[%add3A, %dma_start3A_23, %dma_start3A_27] : memref<32x80x128xi32, #tpu.memory_space<hbm>> -> memref<1x1x128xi32, #tpu.memory_space<hbm>>
    %dma_start3A_29 = tpu.memref_squeeze %dma_start3A_28 : memref<1x1x128xi32, #tpu.memory_space<hbm>> -> memref<128xi32, #tpu.memory_space<hbm>>
    tpu.enqueue_dma source(%dma_start3A_29 : memref<128xi32, #tpu.memory_space<hbm>>) target(%arg11 : memref<128xi32, #tpu.memory_space<vmem>>) target_semaphore(%arg21 : memref<!tpu.dma_semaphore, #tpu.memory_space<semaphore_mem>>)
    %dma_start3A_30 = arith.constant 2 : i32
    %dma_start3A_31 = arith.constant 0 : i32
    %dma_start3A_32 = tpu.memref_slice %arg2[%add3A, %dma_start3A_30, %dma_start3A_31] : memref<32x80x128xi32, #tpu.memory_space<hbm>> -> memref<1x1x128xi32, #tpu.memory_space<hbm>>
    %dma_start3A_33 = tpu.memref_squeeze %dma_start3A_32 : memref<1x1x128xi32, #tpu.memory_space<hbm>> -> memref<128xi32, #tpu.memory_space<hbm>>
    %dma_start3A_34 = arith.constant 0 : i32
    %dma_start3A_35 = tpu.memref_slice %arg2[%add3A, %dma_start3A_30, %dma_start3A_34] : memref<32x80x128xi32, #tpu.memory_space<hbm>> -> memref<1x1x128xi32, #tpu.memory_space<hbm>>
    %dma_start3A_36 = tpu.memref_squeeze %dma_start3A_35 : memref<1x1x128xi32, #tpu.memory_space<hbm>> -> memref<128xi32, #tpu.memory_space<hbm>>
    tpu.enqueue_dma source(%dma_start3A_36 : memref<128xi32, #tpu.memory_space<hbm>>) target(%arg8 : memref<128xi32, #tpu.memory_space<vmem>>) target_semaphore(%arg22 : memref<!tpu.dma_semaphore, #tpu.memory_space<semaphore_mem>>)
    %dma_start3A_37 = arith.constant 2 : i32
    %dma_start3A_38 = arith.constant 0 : i32
    %dma_start3A_39 = tpu.memref_slice %arg3[%add3A, %dma_start3A_37, %dma_start3A_38] : memref<32x80x128xi32, #tpu.memory_space<hbm>> -> memref<1x1x128xi32, #tpu.memory_space<hbm>>
    %dma_start3A_40 = tpu.memref_squeeze %dma_start3A_39 : memref<1x1x128xi32, #tpu.memory_space<hbm>> -> memref<128xi32, #tpu.memory_space<hbm>>
    %dma_start3A_41 = arith.constant 0 : i32
    %dma_start3A_42 = tpu.memref_slice %arg3[%add3A, %dma_start3A_37, %dma_start3A_41] : memref<32x80x128xi32, #tpu.memory_space<hbm>> -> memref<1x1x128xi32, #tpu.memory_space<hbm>>
    %dma_start3A_43 = tpu.memref_squeeze %dma_start3A_42 : memref<1x1x128xi32, #tpu.memory_space<hbm>> -> memref<128xi32, #tpu.memory_space<hbm>>
    tpu.enqueue_dma source(%dma_start3A_43 : memref<128xi32, #tpu.memory_space<hbm>>) target(%arg12 : memref<128xi32, #tpu.memory_space<vmem>>) target_semaphore(%arg22 : memref<!tpu.dma_semaphore, #tpu.memory_space<semaphore_mem>>)
    %dma_start3A_44 = arith.constant 3 : i32
    %dma_start3A_45 = arith.constant 0 : i32
    %dma_start3A_46 = tpu.memref_slice %arg2[%add3A, %dma_start3A_44, %dma_start3A_45] : memref<32x80x128xi32, #tpu.memory_space<hbm>> -> memref<1x1x128xi32, #tpu.memory_space<hbm>>
    %dma_start3A_47 = tpu.memref_squeeze %dma_start3A_46 : memref<1x1x128xi32, #tpu.memory_space<hbm>> -> memref<128xi32, #tpu.memory_space<hbm>>
    %dma_start3A_48 = arith.constant 0 : i32
    %dma_start3A_49 = tpu.memref_slice %arg2[%add3A, %dma_start3A_44, %dma_start3A_48] : memref<32x80x128xi32, #tpu.memory_space<hbm>> -> memref<1x1x128xi32, #tpu.memory_space<hbm>>
    %dma_start3A_50 = tpu.memref_squeeze %dma_start3A_49 : memref<1x1x128xi32, #tpu.memory_space<hbm>> -> memref<128xi32, #tpu.memory_space<hbm>>
    tpu.enqueue_dma source(%dma_start3A_50 : memref<128xi32, #tpu.memory_space<hbm>>) target(%arg9 : memref<128xi32, #tpu.memory_space<vmem>>) target_semaphore(%arg23 : memref<!tpu.dma_semaphore, #tpu.memory_space<semaphore_mem>>)
    %dma_start3A_51 = arith.constant 3 : i32
    %dma_start3A_52 = arith.constant 0 : i32
    %dma_start3A_53 = tpu.memref_slice %arg3[%add3A, %dma_start3A_51, %dma_start3A_52] : memref<32x80x128xi32, #tpu.memory_space<hbm>> -> memref<1x1x128xi32, #tpu.memory_space<hbm>>
    %dma_start3A_54 = tpu.memref_squeeze %dma_start3A_53 : memref<1x1x128xi32, #tpu.memory_space<hbm>> -> memref<128xi32, #tpu.memory_space<hbm>>
    %dma_start3A_55 = arith.constant 0 : i32
    %dma_start3A_56 = tpu.memref_slice %arg3[%add3A, %dma_start3A_51, %dma_start3A_55] : memref<32x80x128xi32, #tpu.memory_space<hbm>> -> memref<1x1x128xi32, #tpu.memory_space<hbm>>
    %dma_start3A_57 = tpu.memref_squeeze %dma_start3A_56 : memref<1x1x128xi32, #tpu.memory_space<hbm>> -> memref<128xi32, #tpu.memory_space<hbm>>
    tpu.enqueue_dma source(%dma_start3A_57 : memref<128xi32, #tpu.memory_space<hbm>>) target(%arg13 : memref<128xi32, #tpu.memory_space<vmem>>) target_semaphore(%arg23 : memref<!tpu.dma_semaphore, #tpu.memory_space<semaphore_mem>>)
    "tpu.region"() ({
      %run_scoped3A = tpu.sem_alloc : memref<!tpu.dma_semaphore, #tpu.memory_space<semaphore_mem>>
      %dma_start3A_96 = arith.constant 0 : i32
      %dma_start3A_97 = tpu.memref_slice %arg24[%mul3A_2, %dma_start3A_96] : memref<10112x128xf32, #tpu.memory_space<vmem_shared>> -> memref<632x128xf32, #tpu.memory_space<vmem_shared>>
      %dma_start3A_98 = arith.constant 0 : i32
      %dma_start3A_99 = tpu.memref_slice %arg4[%mul3A_2, %dma_start3A_98] : memref<10112x128xf32, #tpu.memory_space<hbm>> -> memref<632x128xf32, #tpu.memory_space<hbm>>
      tpu.enqueue_dma source(%dma_start3A_99 : memref<632x128xf32, #tpu.memory_space<hbm>>) target(%dma_start3A_97 : memref<632x128xf32, #tpu.memory_space<vmem_shared>>) target_semaphore(%run_scoped3A : memref<!tpu.dma_semaphore, #tpu.memory_space<semaphore_mem>>)
      %dma_wait3A_100 = arith.constant 0 : i32
      %dma_wait3A_101 = tpu.memref_slice %arg24[%mul3A_2, %dma_wait3A_100] : memref<10112x128xf32, #tpu.memory_space<vmem_shared>> -> memref<632x128xf32, #tpu.memory_space<vmem_shared>>
      %dma_wait3A_102 = arith.constant 0 : i32
      %dma_wait3A_103 = tpu.memref_slice %arg4[%mul3A_2, %dma_wait3A_102] : memref<10112x128xf32, #tpu.memory_space<hbm>> -> memref<632x128xf32, #tpu.memory_space<hbm>>
      tpu.wait_dma2 semaphore(%run_scoped3A : memref<!tpu.dma_semaphore, #tpu.memory_space<semaphore_mem>>) src(%dma_wait3A_103 : memref<632x128xf32, #tpu.memory_space<hbm>>) dst(%dma_wait3A_101 : memref<632x128xf32, #tpu.memory_space<vmem_shared>>)
      tpu.yield
    }) : () -> ()
    %barrier3A = arith.constant 0 : index
    tpu.barrier barrier_id(%barrier3A)
    %dma_wait3A = arith.constant 0 : i32
    %dma_wait3A_58 = arith.constant 0 : i32
    %dma_wait3A_59 = tpu.memref_slice %arg2[%add3A, %dma_wait3A, %dma_wait3A_58] : memref<32x80x128xi32, #tpu.memory_space<hbm>> -> memref<1x1x128xi32, #tpu.memory_space<hbm>>
    %dma_wait3A_60 = tpu.memref_squeeze %dma_wait3A_59 : memref<1x1x128xi32, #tpu.memory_space<hbm>> -> memref<128xi32, #tpu.memory_space<hbm>>
    %dma_wait3A_61 = arith.constant 0 : i32
    %dma_wait3A_62 = tpu.memref_slice %arg2[%add3A, %dma_wait3A, %dma_wait3A_61] : memref<32x80x128xi32, #tpu.memory_space<hbm>> -> memref<1x1x128xi32, #tpu.memory_space<hbm>>
    %dma_wait3A_63 = tpu.memref_squeeze %dma_wait3A_62 : memref<1x1x128xi32, #tpu.memory_space<hbm>> -> memref<128xi32, #tpu.memory_space<hbm>>
    tpu.wait_dma2 semaphore(%arg20 : memref<!tpu.dma_semaphore, #tpu.memory_space<semaphore_mem>>) src(%dma_wait3A_63 : memref<128xi32, #tpu.memory_space<hbm>>) dst(%arg6 : memref<128xi32, #tpu.memory_space<vmem>>)
    %dma_wait3A_64 = arith.constant 0 : i32
    %dma_wait3A_65 = arith.constant 0 : i32
    %dma_wait3A_66 = tpu.memref_slice %arg3[%add3A, %dma_wait3A_64, %dma_wait3A_65] : memref<32x80x128xi32, #tpu.memory_space<hbm>> -> memref<1x1x128xi32, #tpu.memory_space<hbm>>
    %dma_wait3A_67 = tpu.memref_squeeze %dma_wait3A_66 : memref<1x1x128xi32, #tpu.memory_space<hbm>> -> memref<128xi32, #tpu.memory_space<hbm>>
    %dma_wait3A_68 = arith.constant 0 : i32
    %dma_wait3A_69 = tpu.memref_slice %arg3[%add3A, %dma_wait3A_64, %dma_wait3A_68] : memref<32x80x128xi32, #tpu.memory_space<hbm>> -> memref<1x1x128xi32, #tpu.memory_space<hbm>>
    %dma_wait3A_70 = tpu.memref_squeeze %dma_wait3A_69 : memref<1x1x128xi32, #tpu.memory_space<hbm>> -> memref<128xi32, #tpu.memory_space<hbm>>
    tpu.wait_dma2 semaphore(%arg20 : memref<!tpu.dma_semaphore, #tpu.memory_space<semaphore_mem>>) src(%dma_wait3A_70 : memref<128xi32, #tpu.memory_space<hbm>>) dst(%arg10 : memref<128xi32, #tpu.memory_space<vmem>>)
    %dma_start3A_71 = arith.constant 0 : i32
    %dma_start3A_72 = arith.constant 0 : i32
    %dma_start3A_73 = tpu.memref_slice %arg4[%dma_start3A_71, %dma_start3A_72] : memref<10112x128xf32, #tpu.memory_space<hbm>> -> memref<10112x128xf32, #tpu.memory_space<hbm>>
    tpu.enqueue_indirect_dma source(%dma_start3A_73 : memref<10112x128xf32, #tpu.memory_space<hbm>>) target(%arg14 : memref<128x128xf32, #tpu.memory_space<vmem>>) offsets(%arg6 : memref<128xi32, #tpu.memory_space<vmem>>) semaphore(%arg16 : memref<!tpu.dma_semaphore, #tpu.memory_space<semaphore_mem>>)
    %dma_wait3A_74 = arith.constant 1 : i32
    %dma_wait3A_75 = arith.constant 0 : i32
    %dma_wait3A_76 = tpu.memref_slice %arg2[%add3A, %dma_wait3A_74, %dma_wait3A_75] : memref<32x80x128xi32, #tpu.memory_space<hbm>> -> memref<1x1x128xi32, #tpu.memory_space<hbm>>
    %dma_wait3A_77 = tpu.memref_squeeze %dma_wait3A_76 : memref<1x1x128xi32, #tpu.memory_space<hbm>> -> memref<128xi32, #tpu.memory_space<hbm>>
    %dma_wait3A_78 = arith.constant 0 : i32
    %dma_wait3A_79 = tpu.memref_slice %arg2[%add3A, %dma_wait3A_74, %dma_wait3A_78] : memref<32x80x128xi32, #tpu.memory_space<hbm>> -> memref<1x1x128xi32, #tpu.memory_space<hbm>>
    %dma_wait3A_80 = tpu.memref_squeeze %dma_wait3A_79 : memref<1x1x128xi32, #tpu.memory_space<hbm>> -> memref<128xi32, #tpu.memory_space<hbm>>
    tpu.wait_dma2 semaphore(%arg21 : memref<!tpu.dma_semaphore, #tpu.memory_space<semaphore_mem>>) src(%dma_wait3A_80 : memref<128xi32, #tpu.memory_space<hbm>>) dst(%arg7 : memref<128xi32, #tpu.memory_space<vmem>>)
    %dma_wait3A_81 = arith.constant 1 : i32
    %dma_wait3A_82 = arith.constant 0 : i32
    %dma_wait3A_83 = tpu.memref_slice %arg3[%add3A, %dma_wait3A_81, %dma_wait3A_82] : memref<32x80x128xi32, #tpu.memory_space<hbm>> -> memref<1x1x128xi32, #tpu.memory_space<hbm>>
    %dma_wait3A_84 = tpu.memref_squeeze %dma_wait3A_83 : memref<1x1x128xi32, #tpu.memory_space<hbm>> -> memref<128xi32, #tpu.memory_space<hbm>>
    %dma_wait3A_85 = arith.constant 0 : i32
    %dma_wait3A_86 = tpu.memref_slice %arg3[%add3A, %dma_wait3A_81, %dma_wait3A_85] : memref<32x80x128xi32, #tpu.memory_space<hbm>> -> memref<1x1x128xi32, #tpu.memory_space<hbm>>
    %dma_wait3A_87 = tpu.memref_squeeze %dma_wait3A_86 : memref<1x1x128xi32, #tpu.memory_space<hbm>> -> memref<128xi32, #tpu.memory_space<hbm>>
    tpu.wait_dma2 semaphore(%arg21 : memref<!tpu.dma_semaphore, #tpu.memory_space<semaphore_mem>>) src(%dma_wait3A_87 : memref<128xi32, #tpu.memory_space<hbm>>) dst(%arg11 : memref<128xi32, #tpu.memory_space<vmem>>)
    %dma_start3A_88 = arith.constant 0 : i32
    %dma_start3A_89 = arith.constant 0 : i32
    %dma_start3A_90 = tpu.memref_slice %arg4[%dma_start3A_88, %dma_start3A_89] : memref<10112x128xf32, #tpu.memory_space<hbm>> -> memref<10112x128xf32, #tpu.memory_space<hbm>>
    tpu.enqueue_indirect_dma source(%dma_start3A_90 : memref<10112x128xf32, #tpu.memory_space<hbm>>) target(%arg15 : memref<128x128xf32, #tpu.memory_space<vmem>>) offsets(%arg7 : memref<128xi32, #tpu.memory_space<vmem>>) semaphore(%arg17 : memref<!tpu.dma_semaphore, #tpu.memory_space<semaphore_mem>>)
    %scan3A = arith.constant 0 : i32
    %scan3A_91 = arith.constant 20 : i32
    %scan3A_92 = arith.addi %scan3A, %scan3A_91 : i32
    %scan3A_93 = arith.constant 1 : i32
    scf.for %scan3A_96 = %scan3A to %scan3A_92 step %scan3A_93  : i32 {
      %mul3A_97 = arith.constant 4 : i32
      %mul3A_98 = arith.muli %scan3A_96, %mul3A_97 : i32
      %add3A_99 = arith.constant 0 : i32
      %add3A_100 = arith.addi %add3A_99, %mul3A_98 : i32
      %dma_wait3A_101 = arith.constant 0 : i32
      %dma_wait3A_102 = arith.constant 0 : i32
      %dma_wait3A_103 = tpu.memref_slice %arg4[%dma_wait3A_101, %dma_wait3A_102] : memref<10112x128xf32, #tpu.memory_space<hbm>> -> memref<10112x128xf32, #tpu.memory_space<hbm>>
      tpu.wait_indirect_dma semaphore(%arg16 : memref<!tpu.dma_semaphore, #tpu.memory_space<semaphore_mem>>) src(%dma_wait3A_103 : memref<10112x128xf32, #tpu.memory_space<hbm>>) dst(%arg14 : memref<128x128xf32, #tpu.memory_space<vmem>>)
      %dma_start3A_104 = arith.constant 0 : i32
      %dma_start3A_105 = arith.constant 0 : i32
      %dma_start3A_106 = tpu.memref_slice %arg24[%dma_start3A_104, %dma_start3A_105] : memref<10112x128xf32, #tpu.memory_space<vmem_shared>> -> memref<10112x128xf32, #tpu.memory_space<vmem_shared>>
      tpu.enqueue_indirect_dma source(%arg14 : memref<128x128xf32, #tpu.memory_space<vmem>>) target(%dma_start3A_106 : memref<10112x128xf32, #tpu.memory_space<vmem_shared>>) offsets(%arg10 : memref<128xi32, #tpu.memory_space<vmem>>) semaphore(%arg18 : memref<!tpu.dma_semaphore, #tpu.memory_space<semaphore_mem>>) {add = true}
      %dma_wait3A_107 = arith.constant 0 : i32
      %dma_wait3A_108 = arith.constant 0 : i32
      %dma_wait3A_109 = tpu.memref_slice %arg4[%dma_wait3A_107, %dma_wait3A_108] : memref<10112x128xf32, #tpu.memory_space<hbm>> -> memref<10112x128xf32, #tpu.memory_space<hbm>>
      tpu.wait_indirect_dma semaphore(%arg17 : memref<!tpu.dma_semaphore, #tpu.memory_space<semaphore_mem>>) src(%dma_wait3A_109 : memref<10112x128xf32, #tpu.memory_space<hbm>>) dst(%arg15 : memref<128x128xf32, #tpu.memory_space<vmem>>)
      %dma_start3A_110 = arith.constant 0 : i32
      %dma_start3A_111 = arith.constant 0 : i32
      %dma_start3A_112 = tpu.memref_slice %arg24[%dma_start3A_110, %dma_start3A_111] : memref<10112x128xf32, #tpu.memory_space<vmem_shared>> -> memref<10112x128xf32, #tpu.memory_space<vmem_shared>>
      tpu.enqueue_indirect_dma source(%arg15 : memref<128x128xf32, #tpu.memory_space<vmem>>) target(%dma_start3A_112 : memref<10112x128xf32, #tpu.memory_space<vmem_shared>>) offsets(%arg11 : memref<128xi32, #tpu.memory_space<vmem>>) semaphore(%arg19 : memref<!tpu.dma_semaphore, #tpu.memory_space<semaphore_mem>>) {add = true}
      %dma_wait3A_113 = arith.constant 0 : i32
      %dma_wait3A_114 = arith.constant 0 : i32
      %dma_wait3A_115 = tpu.memref_slice %arg24[%dma_wait3A_113, %dma_wait3A_114] : memref<10112x128xf32, #tpu.memory_space<vmem_shared>> -> memref<10112x128xf32, #tpu.memory_space<vmem_shared>>
      tpu.wait_indirect_dma semaphore(%arg18 : memref<!tpu.dma_semaphore, #tpu.memory_space<semaphore_mem>>) src(%arg14 : memref<128x128xf32, #tpu.memory_space<vmem>>) dst(%dma_wait3A_115 : memref<10112x128xf32, #tpu.memory_space<vmem_shared>>)
      %add3A_116 = arith.constant 0 : i32
      %add3A_117 = arith.addi %add3A_100, %add3A_116 : i32
      %add3A_118 = arith.constant 0 : i32
      %add3A_119 = arith.addi %add3A_117, %add3A_118 : i32
      %add3A_120 = arith.constant 4 : i32
      %add3A_121 = arith.addi %add3A_119, %add3A_120 : i32
      %add3A_122 = arith.constant 0 : i32
      %add3A_123 = arith.addi %add3A_100, %add3A_122 : i32
      %add3A_124 = arith.constant 0 : i32
      %add3A_125 = arith.addi %add3A_123, %add3A_124 : i32
      %add3A_126 = arith.constant 2 : i32
      %add3A_127 = arith.addi %add3A_125, %add3A_126 : i32
      %lt3A = arith.constant 80 : i32
      %lt3A_128 = arith.cmpi slt, %add3A_121, %lt3A : i32
      %convert_element_type3A = arith.extui %lt3A_128 : i1 to i32
      %cond3A = arith.constant 0 : i32
      %cond3A_129 = arith.cmpi ne, %convert_element_type3A, %cond3A : i32
      scf.if %cond3A_129 {
        %dma_start3A_222 = arith.constant 0 : i32
        %dma_start3A_223 = tpu.memref_slice %arg2[%add3A, %add3A_121, %dma_start3A_222] : memref<32x80x128xi32, #tpu.memory_space<hbm>> -> memref<1x1x128xi32, #tpu.memory_space<hbm>>
        %dma_start3A_224 = tpu.memref_squeeze %dma_start3A_223 : memref<1x1x128xi32, #tpu.memory_space<hbm>> -> memref<128xi32, #tpu.memory_space<hbm>>
        %dma_start3A_225 = arith.constant 0 : i32
        %dma_start3A_226 = tpu.memref_slice %arg2[%add3A, %add3A_121, %dma_start3A_225] : memref<32x80x128xi32, #tpu.memory_space<hbm>> -> memref<1x1x128xi32, #tpu.memory_space<hbm>>
        %dma_start3A_227 = tpu.memref_squeeze %dma_start3A_226 : memref<1x1x128xi32, #tpu.memory_space<hbm>> -> memref<128xi32, #tpu.memory_space<hbm>>
        tpu.enqueue_dma source(%dma_start3A_227 : memref<128xi32, #tpu.memory_space<hbm>>) target(%arg6 : memref<128xi32, #tpu.memory_space<vmem>>) target_semaphore(%arg20 : memref<!tpu.dma_semaphore, #tpu.memory_space<semaphore_mem>>)
        %dma_start3A_228 = arith.constant 0 : i32
        %dma_start3A_229 = tpu.memref_slice %arg3[%add3A, %add3A_121, %dma_start3A_228] : memref<32x80x128xi32, #tpu.memory_space<hbm>> -> memref<1x1x128xi32, #tpu.memory_space<hbm>>
        %dma_start3A_230 = tpu.memref_squeeze %dma_start3A_229 : memref<1x1x128xi32, #tpu.memory_space<hbm>> -> memref<128xi32, #tpu.memory_space<hbm>>
        %dma_start3A_231 = arith.constant 0 : i32
        %dma_start3A_232 = tpu.memref_slice %arg3[%add3A, %add3A_121, %dma_start3A_231] : memref<32x80x128xi32, #tpu.memory_space<hbm>> -> memref<1x1x128xi32, #tpu.memory_space<hbm>>
        %dma_start3A_233 = tpu.memref_squeeze %dma_start3A_232 : memref<1x1x128xi32, #tpu.memory_space<hbm>> -> memref<128xi32, #tpu.memory_space<hbm>>
        tpu.enqueue_dma source(%dma_start3A_233 : memref<128xi32, #tpu.memory_space<hbm>>) target(%arg10 : memref<128xi32, #tpu.memory_space<vmem>>) target_semaphore(%arg20 : memref<!tpu.dma_semaphore, #tpu.memory_space<semaphore_mem>>)
      } else {
      }
      %lt3A_130 = arith.constant 80 : i32
      %lt3A_131 = arith.cmpi slt, %add3A_127, %lt3A_130 : i32
      %convert_element_type3A_132 = arith.extui %lt3A_131 : i1 to i32
      %cond3A_133 = arith.constant 0 : i32
      %cond3A_134 = arith.cmpi ne, %convert_element_type3A_132, %cond3A_133 : i32
      scf.if %cond3A_134 {
        %dma_wait3A_222 = arith.constant 0 : i32
        %dma_wait3A_223 = tpu.memref_slice %arg2[%add3A, %add3A_127, %dma_wait3A_222] : memref<32x80x128xi32, #tpu.memory_space<hbm>> -> memref<1x1x128xi32, #tpu.memory_space<hbm>>
        %dma_wait3A_224 = tpu.memref_squeeze %dma_wait3A_223 : memref<1x1x128xi32, #tpu.memory_space<hbm>> -> memref<128xi32, #tpu.memory_space<hbm>>
        %dma_wait3A_225 = arith.constant 0 : i32
        %dma_wait3A_226 = tpu.memref_slice %arg2[%add3A, %add3A_127, %dma_wait3A_225] : memref<32x80x128xi32, #tpu.memory_space<hbm>> -> memref<1x1x128xi32, #tpu.memory_space<hbm>>
        %dma_wait3A_227 = tpu.memref_squeeze %dma_wait3A_226 : memref<1x1x128xi32, #tpu.memory_space<hbm>> -> memref<128xi32, #tpu.memory_space<hbm>>
        tpu.wait_dma2 semaphore(%arg22 : memref<!tpu.dma_semaphore, #tpu.memory_space<semaphore_mem>>) src(%dma_wait3A_227 : memref<128xi32, #tpu.memory_space<hbm>>) dst(%arg8 : memref<128xi32, #tpu.memory_space<vmem>>)
        %dma_wait3A_228 = arith.constant 0 : i32
        %dma_wait3A_229 = tpu.memref_slice %arg3[%add3A, %add3A_127, %dma_wait3A_228] : memref<32x80x128xi32, #tpu.memory_space<hbm>> -> memref<1x1x128xi32, #tpu.memory_space<hbm>>
        %dma_wait3A_230 = tpu.memref_squeeze %dma_wait3A_229 : memref<1x1x128xi32, #tpu.memory_space<hbm>> -> memref<128xi32, #tpu.memory_space<hbm>>
        %dma_wait3A_231 = arith.constant 0 : i32
        %dma_wait3A_232 = tpu.memref_slice %arg3[%add3A, %add3A_127, %dma_wait3A_231] : memref<32x80x128xi32, #tpu.memory_space<hbm>> -> memref<1x1x128xi32, #tpu.memory_space<hbm>>
        %dma_wait3A_233 = tpu.memref_squeeze %dma_wait3A_232 : memref<1x1x128xi32, #tpu.memory_space<hbm>> -> memref<128xi32, #tpu.memory_space<hbm>>
        tpu.wait_dma2 semaphore(%arg22 : memref<!tpu.dma_semaphore, #tpu.memory_space<semaphore_mem>>) src(%dma_wait3A_233 : memref<128xi32, #tpu.memory_space<hbm>>) dst(%arg12 : memref<128xi32, #tpu.memory_space<vmem>>)
        %dma_start3A_234 = arith.constant 0 : i32
        %dma_start3A_235 = arith.constant 0 : i32
        %dma_start3A_236 = tpu.memref_slice %arg4[%dma_start3A_234, %dma_start3A_235] : memref<10112x128xf32, #tpu.memory_space<hbm>> -> memref<10112x128xf32, #tpu.memory_space<hbm>>
        tpu.enqueue_indirect_dma source(%dma_start3A_236 : memref<10112x128xf32, #tpu.memory_space<hbm>>) target(%arg14 : memref<128x128xf32, #tpu.memory_space<vmem>>) offsets(%arg8 : memref<128xi32, #tpu.memory_space<vmem>>) semaphore(%arg16 : memref<!tpu.dma_semaphore, #tpu.memory_space<semaphore_mem>>)
      } else {
      }
      %dma_wait3A_135 = arith.constant 0 : i32
      %dma_wait3A_136 = arith.constant 0 : i32
      %dma_wait3A_137 = tpu.memref_slice %arg24[%dma_wait3A_135, %dma_wait3A_136] : memref<10112x128xf32, #tpu.memory_space<vmem_shared>> -> memref<10112x128xf32, #tpu.memory_space<vmem_shared>>
      tpu.wait_indirect_dma semaphore(%arg19 : memref<!tpu.dma_semaphore, #tpu.memory_space<semaphore_mem>>) src(%arg15 : memref<128x128xf32, #tpu.memory_space<vmem>>) dst(%dma_wait3A_137 : memref<10112x128xf32, #tpu.memory_space<vmem_shared>>)
      %add3A_138 = arith.constant 0 : i32
      %add3A_139 = arith.addi %add3A_100, %add3A_138 : i32
      %add3A_140 = arith.constant 1 : i32
      %add3A_141 = arith.addi %add3A_139, %add3A_140 : i32
      %add3A_142 = arith.constant 4 : i32
      %add3A_143 = arith.addi %add3A_141, %add3A_142 : i32
      %add3A_144 = arith.constant 0 : i32
      %add3A_145 = arith.addi %add3A_100, %add3A_144 : i32
      %add3A_146 = arith.constant 1 : i32
      %add3A_147 = arith.addi %add3A_145, %add3A_146 : i32
      %add3A_148 = arith.constant 2 : i32
      %add3A_149 = arith.addi %add3A_147, %add3A_148 : i32
      %lt3A_150 = arith.constant 80 : i32
      %lt3A_151 = arith.cmpi slt, %add3A_143, %lt3A_150 : i32
      %convert_element_type3A_152 = arith.extui %lt3A_151 : i1 to i32
      %cond3A_153 = arith.constant 0 : i32
      %cond3A_154 = arith.cmpi ne, %convert_element_type3A_152, %cond3A_153 : i32
      scf.if %cond3A_154 {
        %dma_start3A_222 = arith.constant 0 : i32
        %dma_start3A_223 = tpu.memref_slice %arg2[%add3A, %add3A_143, %dma_start3A_222] : memref<32x80x128xi32, #tpu.memory_space<hbm>> -> memref<1x1x128xi32, #tpu.memory_space<hbm>>
        %dma_start3A_224 = tpu.memref_squeeze %dma_start3A_223 : memref<1x1x128xi32, #tpu.memory_space<hbm>> -> memref<128xi32, #tpu.memory_space<hbm>>
        %dma_start3A_225 = arith.constant 0 : i32
        %dma_start3A_226 = tpu.memref_slice %arg2[%add3A, %add3A_143, %dma_start3A_225] : memref<32x80x128xi32, #tpu.memory_space<hbm>> -> memref<1x1x128xi32, #tpu.memory_space<hbm>>
        %dma_start3A_227 = tpu.memref_squeeze %dma_start3A_226 : memref<1x1x128xi32, #tpu.memory_space<hbm>> -> memref<128xi32, #tpu.memory_space<hbm>>
        tpu.enqueue_dma source(%dma_start3A_227 : memref<128xi32, #tpu.memory_space<hbm>>) target(%arg7 : memref<128xi32, #tpu.memory_space<vmem>>) target_semaphore(%arg21 : memref<!tpu.dma_semaphore, #tpu.memory_space<semaphore_mem>>)
        %dma_start3A_228 = arith.constant 0 : i32
        %dma_start3A_229 = tpu.memref_slice %arg3[%add3A, %add3A_143, %dma_start3A_228] : memref<32x80x128xi32, #tpu.memory_space<hbm>> -> memref<1x1x128xi32, #tpu.memory_space<hbm>>
        %dma_start3A_230 = tpu.memref_squeeze %dma_start3A_229 : memref<1x1x128xi32, #tpu.memory_space<hbm>> -> memref<128xi32, #tpu.memory_space<hbm>>
        %dma_start3A_231 = arith.constant 0 : i32
        %dma_start3A_232 = tpu.memref_slice %arg3[%add3A, %add3A_143, %dma_start3A_231] : memref<32x80x128xi32, #tpu.memory_space<hbm>> -> memref<1x1x128xi32, #tpu.memory_space<hbm>>
        %dma_start3A_233 = tpu.memref_squeeze %dma_start3A_232 : memref<1x1x128xi32, #tpu.memory_space<hbm>> -> memref<128xi32, #tpu.memory_space<hbm>>
        tpu.enqueue_dma source(%dma_start3A_233 : memref<128xi32, #tpu.memory_space<hbm>>) target(%arg11 : memref<128xi32, #tpu.memory_space<vmem>>) target_semaphore(%arg21 : memref<!tpu.dma_semaphore, #tpu.memory_space<semaphore_mem>>)
      } else {
      }
      %lt3A_155 = arith.constant 80 : i32
      %lt3A_156 = arith.cmpi slt, %add3A_149, %lt3A_155 : i32
      %convert_element_type3A_157 = arith.extui %lt3A_156 : i1 to i32
      %cond3A_158 = arith.constant 0 : i32
      %cond3A_159 = arith.cmpi ne, %convert_element_type3A_157, %cond3A_158 : i32
      scf.if %cond3A_159 {
        %dma_wait3A_222 = arith.constant 0 : i32
        %dma_wait3A_223 = tpu.memref_slice %arg2[%add3A, %add3A_149, %dma_wait3A_222] : memref<32x80x128xi32, #tpu.memory_space<hbm>> -> memref<1x1x128xi32, #tpu.memory_space<hbm>>
        %dma_wait3A_224 = tpu.memref_squeeze %dma_wait3A_223 : memref<1x1x128xi32, #tpu.memory_space<hbm>> -> memref<128xi32, #tpu.memory_space<hbm>>
        %dma_wait3A_225 = arith.constant 0 : i32
        %dma_wait3A_226 = tpu.memref_slice %arg2[%add3A, %add3A_149, %dma_wait3A_225] : memref<32x80x128xi32, #tpu.memory_space<hbm>> -> memref<1x1x128xi32, #tpu.memory_space<hbm>>
        %dma_wait3A_227 = tpu.memref_squeeze %dma_wait3A_226 : memref<1x1x128xi32, #tpu.memory_space<hbm>> -> memref<128xi32, #tpu.memory_space<hbm>>
        tpu.wait_dma2 semaphore(%arg23 : memref<!tpu.dma_semaphore, #tpu.memory_space<semaphore_mem>>) src(%dma_wait3A_227 : memref<128xi32, #tpu.memory_space<hbm>>) dst(%arg9 : memref<128xi32, #tpu.memory_space<vmem>>)
        %dma_wait3A_228 = arith.constant 0 : i32
        %dma_wait3A_229 = tpu.memref_slice %arg3[%add3A, %add3A_149, %dma_wait3A_228] : memref<32x80x128xi32, #tpu.memory_space<hbm>> -> memref<1x1x128xi32, #tpu.memory_space<hbm>>
        %dma_wait3A_230 = tpu.memref_squeeze %dma_wait3A_229 : memref<1x1x128xi32, #tpu.memory_space<hbm>> -> memref<128xi32, #tpu.memory_space<hbm>>
        %dma_wait3A_231 = arith.constant 0 : i32
        %dma_wait3A_232 = tpu.memref_slice %arg3[%add3A, %add3A_149, %dma_wait3A_231] : memref<32x80x128xi32, #tpu.memory_space<hbm>> -> memref<1x1x128xi32, #tpu.memory_space<hbm>>
        %dma_wait3A_233 = tpu.memref_squeeze %dma_wait3A_232 : memref<1x1x128xi32, #tpu.memory_space<hbm>> -> memref<128xi32, #tpu.memory_space<hbm>>
        tpu.wait_dma2 semaphore(%arg23 : memref<!tpu.dma_semaphore, #tpu.memory_space<semaphore_mem>>) src(%dma_wait3A_233 : memref<128xi32, #tpu.memory_space<hbm>>) dst(%arg13 : memref<128xi32, #tpu.memory_space<vmem>>)
        %dma_start3A_234 = arith.constant 0 : i32
        %dma_start3A_235 = arith.constant 0 : i32
        %dma_start3A_236 = tpu.memref_slice %arg4[%dma_start3A_234, %dma_start3A_235] : memref<10112x128xf32, #tpu.memory_space<hbm>> -> memref<10112x128xf32, #tpu.memory_space<hbm>>
        tpu.enqueue_indirect_dma source(%dma_start3A_236 : memref<10112x128xf32, #tpu.memory_space<hbm>>) target(%arg15 : memref<128x128xf32, #tpu.memory_space<vmem>>) offsets(%arg9 : memref<128xi32, #tpu.memory_space<vmem>>) semaphore(%arg17 : memref<!tpu.dma_semaphore, #tpu.memory_space<semaphore_mem>>)
      } else {
      }
      %dma_wait3A_160 = arith.constant 0 : i32
      %dma_wait3A_161 = arith.constant 0 : i32
      %dma_wait3A_162 = tpu.memref_slice %arg4[%dma_wait3A_160, %dma_wait3A_161] : memref<10112x128xf32, #tpu.memory_space<hbm>> -> memref<10112x128xf32, #tpu.memory_space<hbm>>
      tpu.wait_indirect_dma semaphore(%arg16 : memref<!tpu.dma_semaphore, #tpu.memory_space<semaphore_mem>>) src(%dma_wait3A_162 : memref<10112x128xf32, #tpu.memory_space<hbm>>) dst(%arg14 : memref<128x128xf32, #tpu.memory_space<vmem>>)
      %dma_start3A_163 = arith.constant 0 : i32
      %dma_start3A_164 = arith.constant 0 : i32
      %dma_start3A_165 = tpu.memref_slice %arg24[%dma_start3A_163, %dma_start3A_164] : memref<10112x128xf32, #tpu.memory_space<vmem_shared>> -> memref<10112x128xf32, #tpu.memory_space<vmem_shared>>
      tpu.enqueue_indirect_dma source(%arg14 : memref<128x128xf32, #tpu.memory_space<vmem>>) target(%dma_start3A_165 : memref<10112x128xf32, #tpu.memory_space<vmem_shared>>) offsets(%arg12 : memref<128xi32, #tpu.memory_space<vmem>>) semaphore(%arg18 : memref<!tpu.dma_semaphore, #tpu.memory_space<semaphore_mem>>) {add = true}
      %dma_wait3A_166 = arith.constant 0 : i32
      %dma_wait3A_167 = arith.constant 0 : i32
      %dma_wait3A_168 = tpu.memref_slice %arg4[%dma_wait3A_166, %dma_wait3A_167] : memref<10112x128xf32, #tpu.memory_space<hbm>> -> memref<10112x128xf32, #tpu.memory_space<hbm>>
      tpu.wait_indirect_dma semaphore(%arg17 : memref<!tpu.dma_semaphore, #tpu.memory_space<semaphore_mem>>) src(%dma_wait3A_168 : memref<10112x128xf32, #tpu.memory_space<hbm>>) dst(%arg15 : memref<128x128xf32, #tpu.memory_space<vmem>>)
      %dma_start3A_169 = arith.constant 0 : i32
      %dma_start3A_170 = arith.constant 0 : i32
      %dma_start3A_171 = tpu.memref_slice %arg24[%dma_start3A_169, %dma_start3A_170] : memref<10112x128xf32, #tpu.memory_space<vmem_shared>> -> memref<10112x128xf32, #tpu.memory_space<vmem_shared>>
      tpu.enqueue_indirect_dma source(%arg15 : memref<128x128xf32, #tpu.memory_space<vmem>>) target(%dma_start3A_171 : memref<10112x128xf32, #tpu.memory_space<vmem_shared>>) offsets(%arg13 : memref<128xi32, #tpu.memory_space<vmem>>) semaphore(%arg19 : memref<!tpu.dma_semaphore, #tpu.memory_space<semaphore_mem>>) {add = true}
      %dma_wait3A_172 = arith.constant 0 : i32
      %dma_wait3A_173 = arith.constant 0 : i32
      %dma_wait3A_174 = tpu.memref_slice %arg24[%dma_wait3A_172, %dma_wait3A_173] : memref<10112x128xf32, #tpu.memory_space<vmem_shared>> -> memref<10112x128xf32, #tpu.memory_space<vmem_shared>>
      tpu.wait_indirect_dma semaphore(%arg18 : memref<!tpu.dma_semaphore, #tpu.memory_space<semaphore_mem>>) src(%arg14 : memref<128x128xf32, #tpu.memory_space<vmem>>) dst(%dma_wait3A_174 : memref<10112x128xf32, #tpu.memory_space<vmem_shared>>)
      %add3A_175 = arith.constant 2 : i32
      %add3A_176 = arith.addi %add3A_100, %add3A_175 : i32
      %add3A_177 = arith.constant 0 : i32
      %add3A_178 = arith.addi %add3A_176, %add3A_177 : i32
      %add3A_179 = arith.constant 4 : i32
      %add3A_180 = arith.addi %add3A_178, %add3A_179 : i32
      %add3A_181 = arith.constant 2 : i32
      %add3A_182 = arith.addi %add3A_100, %add3A_181 : i32
      %add3A_183 = arith.constant 0 : i32
      %add3A_184 = arith.addi %add3A_182, %add3A_183 : i32
      %add3A_185 = arith.constant 2 : i32
      %add3A_186 = arith.addi %add3A_184, %add3A_185 : i32
      %lt3A_187 = arith.constant 80 : i32
      %lt3A_188 = arith.cmpi slt, %add3A_180, %lt3A_187 : i32
      %convert_element_type3A_189 = arith.extui %lt3A_188 : i1 to i32
      %cond3A_190 = arith.constant 0 : i32
      %cond3A_191 = arith.cmpi ne, %convert_element_type3A_189, %cond3A_190 : i32
      scf.if %cond3A_191 {
        %dma_start3A_222 = arith.constant 0 : i32
        %dma_start3A_223 = tpu.memref_slice %arg2[%add3A, %add3A_180, %dma_start3A_222] : memref<32x80x128xi32, #tpu.memory_space<hbm>> -> memref<1x1x128xi32, #tpu.memory_space<hbm>>
        %dma_start3A_224 = tpu.memref_squeeze %dma_start3A_223 : memref<1x1x128xi32, #tpu.memory_space<hbm>> -> memref<128xi32, #tpu.memory_space<hbm>>
        %dma_start3A_225 = arith.constant 0 : i32
        %dma_start3A_226 = tpu.memref_slice %arg2[%add3A, %add3A_180, %dma_start3A_225] : memref<32x80x128xi32, #tpu.memory_space<hbm>> -> memref<1x1x128xi32, #tpu.memory_space<hbm>>
        %dma_start3A_227 = tpu.memref_squeeze %dma_start3A_226 : memref<1x1x128xi32, #tpu.memory_space<hbm>> -> memref<128xi32, #tpu.memory_space<hbm>>
        tpu.enqueue_dma source(%dma_start3A_227 : memref<128xi32, #tpu.memory_space<hbm>>) target(%arg8 : memref<128xi32, #tpu.memory_space<vmem>>) target_semaphore(%arg22 : memref<!tpu.dma_semaphore, #tpu.memory_space<semaphore_mem>>)
        %dma_start3A_228 = arith.constant 0 : i32
        %dma_start3A_229 = tpu.memref_slice %arg3[%add3A, %add3A_180, %dma_start3A_228] : memref<32x80x128xi32, #tpu.memory_space<hbm>> -> memref<1x1x128xi32, #tpu.memory_space<hbm>>
        %dma_start3A_230 = tpu.memref_squeeze %dma_start3A_229 : memref<1x1x128xi32, #tpu.memory_space<hbm>> -> memref<128xi32, #tpu.memory_space<hbm>>
        %dma_start3A_231 = arith.constant 0 : i32
        %dma_start3A_232 = tpu.memref_slice %arg3[%add3A, %add3A_180, %dma_start3A_231] : memref<32x80x128xi32, #tpu.memory_space<hbm>> -> memref<1x1x128xi32, #tpu.memory_space<hbm>>
        %dma_start3A_233 = tpu.memref_squeeze %dma_start3A_232 : memref<1x1x128xi32, #tpu.memory_space<hbm>> -> memref<128xi32, #tpu.memory_space<hbm>>
        tpu.enqueue_dma source(%dma_start3A_233 : memref<128xi32, #tpu.memory_space<hbm>>) target(%arg12 : memref<128xi32, #tpu.memory_space<vmem>>) target_semaphore(%arg22 : memref<!tpu.dma_semaphore, #tpu.memory_space<semaphore_mem>>)
      } else {
      }
      %lt3A_192 = arith.constant 80 : i32
      %lt3A_193 = arith.cmpi slt, %add3A_186, %lt3A_192 : i32
      %convert_element_type3A_194 = arith.extui %lt3A_193 : i1 to i32
      %cond3A_195 = arith.constant 0 : i32
      %cond3A_196 = arith.cmpi ne, %convert_element_type3A_194, %cond3A_195 : i32
      scf.if %cond3A_196 {
        %dma_wait3A_222 = arith.constant 0 : i32
        %dma_wait3A_223 = tpu.memref_slice %arg2[%add3A, %add3A_186, %dma_wait3A_222] : memref<32x80x128xi32, #tpu.memory_space<hbm>> -> memref<1x1x128xi32, #tpu.memory_space<hbm>>
        %dma_wait3A_224 = tpu.memref_squeeze %dma_wait3A_223 : memref<1x1x128xi32, #tpu.memory_space<hbm>> -> memref<128xi32, #tpu.memory_space<hbm>>
        %dma_wait3A_225 = arith.constant 0 : i32
        %dma_wait3A_226 = tpu.memref_slice %arg2[%add3A, %add3A_186, %dma_wait3A_225] : memref<32x80x128xi32, #tpu.memory_space<hbm>> -> memref<1x1x128xi32, #tpu.memory_space<hbm>>
        %dma_wait3A_227 = tpu.memref_squeeze %dma_wait3A_226 : memref<1x1x128xi32, #tpu.memory_space<hbm>> -> memref<128xi32, #tpu.memory_space<hbm>>
        tpu.wait_dma2 semaphore(%arg20 : memref<!tpu.dma_semaphore, #tpu.memory_space<semaphore_mem>>) src(%dma_wait3A_227 : memref<128xi32, #tpu.memory_space<hbm>>) dst(%arg6 : memref<128xi32, #tpu.memory_space<vmem>>)
        %dma_wait3A_228 = arith.constant 0 : i32
        %dma_wait3A_229 = tpu.memref_slice %arg3[%add3A, %add3A_186, %dma_wait3A_228] : memref<32x80x128xi32, #tpu.memory_space<hbm>> -> memref<1x1x128xi32, #tpu.memory_space<hbm>>
        %dma_wait3A_230 = tpu.memref_squeeze %dma_wait3A_229 : memref<1x1x128xi32, #tpu.memory_space<hbm>> -> memref<128xi32, #tpu.memory_space<hbm>>
        %dma_wait3A_231 = arith.constant 0 : i32
        %dma_wait3A_232 = tpu.memref_slice %arg3[%add3A, %add3A_186, %dma_wait3A_231] : memref<32x80x128xi32, #tpu.memory_space<hbm>> -> memref<1x1x128xi32, #tpu.memory_space<hbm>>
        %dma_wait3A_233 = tpu.memref_squeeze %dma_wait3A_232 : memref<1x1x128xi32, #tpu.memory_space<hbm>> -> memref<128xi32, #tpu.memory_space<hbm>>
        tpu.wait_dma2 semaphore(%arg20 : memref<!tpu.dma_semaphore, #tpu.memory_space<semaphore_mem>>) src(%dma_wait3A_233 : memref<128xi32, #tpu.memory_space<hbm>>) dst(%arg10 : memref<128xi32, #tpu.memory_space<vmem>>)
        %dma_start3A_234 = arith.constant 0 : i32
        %dma_start3A_235 = arith.constant 0 : i32
        %dma_start3A_236 = tpu.memref_slice %arg4[%dma_start3A_234, %dma_start3A_235] : memref<10112x128xf32, #tpu.memory_space<hbm>> -> memref<10112x128xf32, #tpu.memory_space<hbm>>
        tpu.enqueue_indirect_dma source(%dma_start3A_236 : memref<10112x128xf32, #tpu.memory_space<hbm>>) target(%arg14 : memref<128x128xf32, #tpu.memory_space<vmem>>) offsets(%arg6 : memref<128xi32, #tpu.memory_space<vmem>>) semaphore(%arg16 : memref<!tpu.dma_semaphore, #tpu.memory_space<semaphore_mem>>)
      } else {
      }
      %dma_wait3A_197 = arith.constant 0 : i32
      %dma_wait3A_198 = arith.constant 0 : i32
      %dma_wait3A_199 = tpu.memref_slice %arg24[%dma_wait3A_197, %dma_wait3A_198] : memref<10112x128xf32, #tpu.memory_space<vmem_shared>> -> memref<10112x128xf32, #tpu.memory_space<vmem_shared>>
      tpu.wait_indirect_dma semaphore(%arg19 : memref<!tpu.dma_semaphore, #tpu.memory_space<semaphore_mem>>) src(%arg15 : memref<128x128xf32, #tpu.memory_space<vmem>>) dst(%dma_wait3A_199 : memref<10112x128xf32, #tpu.memory_space<vmem_shared>>)
      %add3A_200 = arith.constant 2 : i32
      %add3A_201 = arith.addi %add3A_100, %add3A_200 : i32
      %add3A_202 = arith.constant 1 : i32
      %add3A_203 = arith.addi %add3A_201, %add3A_202 : i32
      %add3A_204 = arith.constant 4 : i32
      %add3A_205 = arith.addi %add3A_203, %add3A_204 : i32
      %add3A_206 = arith.constant 2 : i32
      %add3A_207 = arith.addi %add3A_100, %add3A_206 : i32
      %add3A_208 = arith.constant 1 : i32
      %add3A_209 = arith.addi %add3A_207, %add3A_208 : i32
      %add3A_210 = arith.constant 2 : i32
      %add3A_211 = arith.addi %add3A_209, %add3A_210 : i32
      %lt3A_212 = arith.constant 80 : i32
      %lt3A_213 = arith.cmpi slt, %add3A_205, %lt3A_212 : i32
      %convert_element_type3A_214 = arith.extui %lt3A_213 : i1 to i32
      %cond3A_215 = arith.constant 0 : i32
      %cond3A_216 = arith.cmpi ne, %convert_element_type3A_214, %cond3A_215 : i32
      scf.if %cond3A_216 {
        %dma_start3A_222 = arith.constant 0 : i32
        %dma_start3A_223 = tpu.memref_slice %arg2[%add3A, %add3A_205, %dma_start3A_222] : memref<32x80x128xi32, #tpu.memory_space<hbm>> -> memref<1x1x128xi32, #tpu.memory_space<hbm>>
        %dma_start3A_224 = tpu.memref_squeeze %dma_start3A_223 : memref<1x1x128xi32, #tpu.memory_space<hbm>> -> memref<128xi32, #tpu.memory_space<hbm>>
        %dma_start3A_225 = arith.constant 0 : i32
        %dma_start3A_226 = tpu.memref_slice %arg2[%add3A, %add3A_205, %dma_start3A_225] : memref<32x80x128xi32, #tpu.memory_space<hbm>> -> memref<1x1x128xi32, #tpu.memory_space<hbm>>
        %dma_start3A_227 = tpu.memref_squeeze %dma_start3A_226 : memref<1x1x128xi32, #tpu.memory_space<hbm>> -> memref<128xi32, #tpu.memory_space<hbm>>
        tpu.enqueue_dma source(%dma_start3A_227 : memref<128xi32, #tpu.memory_space<hbm>>) target(%arg9 : memref<128xi32, #tpu.memory_space<vmem>>) target_semaphore(%arg23 : memref<!tpu.dma_semaphore, #tpu.memory_space<semaphore_mem>>)
        %dma_start3A_228 = arith.constant 0 : i32
        %dma_start3A_229 = tpu.memref_slice %arg3[%add3A, %add3A_205, %dma_start3A_228] : memref<32x80x128xi32, #tpu.memory_space<hbm>> -> memref<1x1x128xi32, #tpu.memory_space<hbm>>
        %dma_start3A_230 = tpu.memref_squeeze %dma_start3A_229 : memref<1x1x128xi32, #tpu.memory_space<hbm>> -> memref<128xi32, #tpu.memory_space<hbm>>
        %dma_start3A_231 = arith.constant 0 : i32
        %dma_start3A_232 = tpu.memref_slice %arg3[%add3A, %add3A_205, %dma_start3A_231] : memref<32x80x128xi32, #tpu.memory_space<hbm>> -> memref<1x1x128xi32, #tpu.memory_space<hbm>>
        %dma_start3A_233 = tpu.memref_squeeze %dma_start3A_232 : memref<1x1x128xi32, #tpu.memory_space<hbm>> -> memref<128xi32, #tpu.memory_space<hbm>>
        tpu.enqueue_dma source(%dma_start3A_233 : memref<128xi32, #tpu.memory_space<hbm>>) target(%arg13 : memref<128xi32, #tpu.memory_space<vmem>>) target_semaphore(%arg23 : memref<!tpu.dma_semaphore, #tpu.memory_space<semaphore_mem>>)
      } else {
      }
      %lt3A_217 = arith.constant 80 : i32
      %lt3A_218 = arith.cmpi slt, %add3A_211, %lt3A_217 : i32
      %convert_element_type3A_219 = arith.extui %lt3A_218 : i1 to i32
      %cond3A_220 = arith.constant 0 : i32
      %cond3A_221 = arith.cmpi ne, %convert_element_type3A_219, %cond3A_220 : i32
      scf.if %cond3A_221 {
        %dma_wait3A_222 = arith.constant 0 : i32
        %dma_wait3A_223 = tpu.memref_slice %arg2[%add3A, %add3A_211, %dma_wait3A_222] : memref<32x80x128xi32, #tpu.memory_space<hbm>> -> memref<1x1x128xi32, #tpu.memory_space<hbm>>
        %dma_wait3A_224 = tpu.memref_squeeze %dma_wait3A_223 : memref<1x1x128xi32, #tpu.memory_space<hbm>> -> memref<128xi32, #tpu.memory_space<hbm>>
        %dma_wait3A_225 = arith.constant 0 : i32
        %dma_wait3A_226 = tpu.memref_slice %arg2[%add3A, %add3A_211, %dma_wait3A_225] : memref<32x80x128xi32, #tpu.memory_space<hbm>> -> memref<1x1x128xi32, #tpu.memory_space<hbm>>
        %dma_wait3A_227 = tpu.memref_squeeze %dma_wait3A_226 : memref<1x1x128xi32, #tpu.memory_space<hbm>> -> memref<128xi32, #tpu.memory_space<hbm>>
        tpu.wait_dma2 semaphore(%arg21 : memref<!tpu.dma_semaphore, #tpu.memory_space<semaphore_mem>>) src(%dma_wait3A_227 : memref<128xi32, #tpu.memory_space<hbm>>) dst(%arg7 : memref<128xi32, #tpu.memory_space<vmem>>)
        %dma_wait3A_228 = arith.constant 0 : i32
        %dma_wait3A_229 = tpu.memref_slice %arg3[%add3A, %add3A_211, %dma_wait3A_228] : memref<32x80x128xi32, #tpu.memory_space<hbm>> -> memref<1x1x128xi32, #tpu.memory_space<hbm>>
        %dma_wait3A_230 = tpu.memref_squeeze %dma_wait3A_229 : memref<1x1x128xi32, #tpu.memory_space<hbm>> -> memref<128xi32, #tpu.memory_space<hbm>>
        %dma_wait3A_231 = arith.constant 0 : i32
        %dma_wait3A_232 = tpu.memref_slice %arg3[%add3A, %add3A_211, %dma_wait3A_231] : memref<32x80x128xi32, #tpu.memory_space<hbm>> -> memref<1x1x128xi32, #tpu.memory_space<hbm>>
        %dma_wait3A_233 = tpu.memref_squeeze %dma_wait3A_232 : memref<1x1x128xi32, #tpu.memory_space<hbm>> -> memref<128xi32, #tpu.memory_space<hbm>>
        tpu.wait_dma2 semaphore(%arg21 : memref<!tpu.dma_semaphore, #tpu.memory_space<semaphore_mem>>) src(%dma_wait3A_233 : memref<128xi32, #tpu.memory_space<hbm>>) dst(%arg11 : memref<128xi32, #tpu.memory_space<vmem>>)
        %dma_start3A_234 = arith.constant 0 : i32
        %dma_start3A_235 = arith.constant 0 : i32
        %dma_start3A_236 = tpu.memref_slice %arg4[%dma_start3A_234, %dma_start3A_235] : memref<10112x128xf32, #tpu.memory_space<hbm>> -> memref<10112x128xf32, #tpu.memory_space<hbm>>
        tpu.enqueue_indirect_dma source(%dma_start3A_236 : memref<10112x128xf32, #tpu.memory_space<hbm>>) target(%arg15 : memref<128x128xf32, #tpu.memory_space<vmem>>) offsets(%arg7 : memref<128xi32, #tpu.memory_space<vmem>>) semaphore(%arg17 : memref<!tpu.dma_semaphore, #tpu.memory_space<semaphore_mem>>)
      } else {
      }
    }
    %scan3A_94 = arith.constant 20 : i32
    %barrier3A_95 = arith.constant 0 : index
    tpu.barrier barrier_id(%barrier3A_95)
    "tpu.region"() ({
      %run_scoped3A = tpu.sem_alloc : memref<!tpu.dma_semaphore, #tpu.memory_space<semaphore_mem>>
      %dma_start3A_96 = arith.constant 0 : i32
      %dma_start3A_97 = tpu.memref_slice %arg5[%arg0, %mul3A_2, %dma_start3A_96] : memref<2x10112x128xf32, #tpu.memory_space<hbm>> -> memref<1x632x128xf32, #tpu.memory_space<hbm>>
      %dma_start3A_98 = tpu.memref_squeeze %dma_start3A_97 : memref<1x632x128xf32, #tpu.memory_space<hbm>> -> memref<632x128xf32, #tpu.memory_space<hbm>>
      %dma_start3A_99 = arith.constant 0 : i32
      %dma_start3A_100 = tpu.memref_slice %arg24[%mul3A_2, %dma_start3A_99] : memref<10112x128xf32, #tpu.memory_space<vmem_shared>> -> memref<632x128xf32, #tpu.memory_space<vmem_shared>>
      tpu.enqueue_dma source(%dma_start3A_100 : memref<632x128xf32, #tpu.memory_space<vmem_shared>>) target(%dma_start3A_98 : memref<632x128xf32, #tpu.memory_space<hbm>>) target_semaphore(%run_scoped3A : memref<!tpu.dma_semaphore, #tpu.memory_space<semaphore_mem>>)
      %dma_wait3A_101 = arith.constant 0 : i32
      %dma_wait3A_102 = tpu.memref_slice %arg5[%arg0, %mul3A_2, %dma_wait3A_101] : memref<2x10112x128xf32, #tpu.memory_space<hbm>> -> memref<1x632x128xf32, #tpu.memory_space<hbm>>
      %dma_wait3A_103 = tpu.memref_squeeze %dma_wait3A_102 : memref<1x632x128xf32, #tpu.memory_space<hbm>> -> memref<632x128xf32, #tpu.memory_space<hbm>>
      %dma_wait3A_104 = arith.constant 0 : i32
      %dma_wait3A_105 = tpu.memref_slice %arg24[%mul3A_2, %dma_wait3A_104] : memref<10112x128xf32, #tpu.memory_space<vmem_shared>> -> memref<632x128xf32, #tpu.memory_space<vmem_shared>>
      tpu.wait_dma2 semaphore(%run_scoped3A : memref<!tpu.dma_semaphore, #tpu.memory_space<semaphore_mem>>) src(%dma_wait3A_105 : memref<632x128xf32, #tpu.memory_space<vmem_shared>>) dst(%dma_wait3A_103 : memref<632x128xf32, #tpu.memory_space<hbm>>)
      tpu.yield
    }) : () -> ()
    return
  }
}

module attributes {stable_mosaic.version = 14 : i64} {
  func.func @body(%arg0: i32, %arg1: memref<2000x128xf32, #tpu.memory_space<vmem>>, %arg2: memref<128x128xf32, #tpu.memory_space<vmem>>, %arg3: memref<2000x128xf32, #tpu.memory_space<vmem>>) attributes {dimension_semantics = [#tpu.dimension_semantics<arbitrary>], iteration_bounds = array<i64: 5>, scalar_prefetch = 0 : i64, scratch_operands = 0 : i64, tpu.core_type = #tpu.core_type<tc>, window_params = [{transform_indices = @transform_0, window_bounds = array<i64: 2000, 128>}, {pipeline_mode = #tpu.pipeline_mode<synchronous>, transform_indices = @transform_1, window_bounds = array<i64: 128, 128>}, {transform_indices = @transform_2, window_bounds = array<i64: 2000, 128>}]} {
    %get3A = arith.constant 0 : index
    %get3A_0 = arith.constant 0 : index
    %get3A_1 = vector.load %arg1[%get3A, %get3A_0] : memref<2000x128xf32, #tpu.memory_space<vmem>>, vector<2000x128xf32>
    %get3A_2 = arith.constant 0 : index
    %get3A_3 = arith.constant 0 : index
    %get3A_4 = vector.load %arg2[%get3A_2, %get3A_3] : memref<128x128xf32, #tpu.memory_space<vmem>>, vector<128x128xf32>
    %dot_general3A = arith.constant dense<0.000000e+00> : vector<2000x128xf32>
    %dot_general3A_5 = tpu.matmul %get3A_1, %get3A_4, %dot_general3A {dimension_numbers = #tpu.dot_dimension_numbers<[1], [0], [0], [1], [0, 0, 1, 1], [], []>, transpose_lhs_hint = false} : vector<2000x128xf32>, vector<128x128xf32>, vector<2000x128xf32> -> vector<2000x128xf32>
    %swap3A = arith.constant 0 : index
    %swap3A_6 = arith.constant 0 : index
    %swap3A_7 = vector.load %arg3[%swap3A, %swap3A_6] : memref<2000x128xf32, #tpu.memory_space<vmem>>, vector<2000x128xf32>
    tpu.vector_store %arg3[%swap3A, %swap3A_6], %dot_general3A_5 {strides = array<i32>} : memref<2000x128xf32, #tpu.memory_space<vmem>>, vector<2000x128xf32>,
    return
  }
  func.func @transform_0(%arg0: i32) -> (i32, i32) {
    %c0_i32 = arith.constant 0 : i32
    %c0_i32_0 = arith.constant 0 : i32
    return %arg0, %c0_i32 : i32, i32
  }
  func.func @transform_1(%arg0: i32) -> (i32, i32) {
    %c0_i32 = arith.constant 0 : i32
    %c0_i32_0 = arith.constant 0 : i32
    %c0_i32_1 = arith.constant 0 : i32
    return %c0_i32, %c0_i32_0 : i32, i32
  }
  func.func @transform_2(%arg0: i32) -> (i32, i32) {
    %c0_i32 = arith.constant 0 : i32
    %c0_i32_0 = arith.constant 0 : i32
    return %arg0, %c0_i32 : i32, i32
  }
}

module attributes {stable_mosaic.version = 14 : i64} {
  func.func @body(%arg0: i32, %arg1: memref<2x2000x16xf32, #tpu.memory_space<vmem>>, %arg2: memref<2000x128xf32, #tpu.memory_space<vmem>>, %arg3: memref<2000x128xf32, #tpu.memory_space<vmem>>) attributes {dimension_semantics = [#tpu.dimension_semantics<arbitrary>], iteration_bounds = array<i64: 5>, scalar_prefetch = 0 : i64, scratch_operands = 0 : i64, tpu.core_type = #tpu.core_type<tc>, window_params = [{transform_indices = @transform_0, window_bounds = array<i64: 2, 2000, 16>}, {transform_indices = @transform_1, window_bounds = array<i64: 2000, 128>}, {transform_indices = @transform_2, window_bounds = array<i64: 2000, 128>}]} {
    %get3A = arith.constant 0 : index
    %get3A_0 = arith.constant 0 : index
    %get3A_1 = arith.constant 0 : index
    %get3A_2 = vector.load %arg1[%get3A, %get3A_0, %get3A_1] : memref<2x2000x16xf32, #tpu.memory_space<vmem>>, vector<1x2000x1xf32>
    %get3A_3 = vector.shape_cast %get3A_2 : vector<1x2000x1xf32> to vector<2000xf32>
    %get3A_4 = arith.constant 1 : index
    %get3A_5 = arith.constant 0 : index
    %get3A_6 = arith.constant 0 : index
    %get3A_7 = vector.load %arg1[%get3A_4, %get3A_5, %get3A_6] : memref<2x2000x16xf32, #tpu.memory_space<vmem>>, vector<1x2000x1xf32>
    %get3A_8 = vector.shape_cast %get3A_7 : vector<1x2000x1xf32> to vector<2000xf32>
    %add3A = arith.addf %get3A_3, %get3A_8 : vector<2000xf32>
    %sub3A = arith.constant 1.000000e+00 : f32
    %sub3A_9 = vector.broadcast %sub3A : f32 to vector<2000xf32>
    %sub3A_10 = arith.subf %add3A, %sub3A_9 : vector<2000xf32>
    %rsqrt3A = math.rsqrt %sub3A_10 : vector<2000xf32>
    %broadcast_in_dim3A = vector.shape_cast %rsqrt3A : vector<2000xf32> to vector<2000x1xf32>
    %get3A_11 = arith.constant 0 : index
    %get3A_12 = arith.constant 0 : index
    %get3A_13 = vector.load %arg2[%get3A_11, %get3A_12] : memref<2000x128xf32, #tpu.memory_space<vmem>>, vector<2000x128xf32>
    %mul3A = vector.broadcast %broadcast_in_dim3A : vector<2000x1xf32> to vector<2000x128xf32>
    %mul3A_14 = arith.mulf %mul3A, %get3A_13 : vector<2000x128xf32>
    %swap3A = arith.constant 0 : index
    %swap3A_15 = arith.constant 0 : index
    %swap3A_16 = vector.load %arg3[%swap3A, %swap3A_15] : memref<2000x128xf32, #tpu.memory_space<vmem>>, vector<2000x128xf32>
    tpu.vector_store %arg3[%swap3A, %swap3A_15], %mul3A_14 {strides = array<i32>} : memref<2000x128xf32, #tpu.memory_space<vmem>>, vector<2000x128xf32>,
    return
  }
  func.func @transform_0(%arg0: i32) -> (i32, i32, i32) {
    %c0_i32 = arith.constant 0 : i32
    %c0_i32_0 = arith.constant 0 : i32
    %c0_i32_1 = arith.constant 0 : i32
    return %c0_i32, %arg0, %c0_i32_0 : i32, i32, i32
  }
  func.func @transform_1(%arg0: i32) -> (i32, i32) {
    %c0_i32 = arith.constant 0 : i32
    %c0_i32_0 = arith.constant 0 : i32
    return %arg0, %c0_i32 : i32, i32
  }
  func.func @transform_2(%arg0: i32) -> (i32, i32) {
    %c0_i32 = arith.constant 0 : i32
    %c0_i32_0 = arith.constant 0 : i32
    return %arg0, %c0_i32 : i32, i32
  }
}

module attributes {stable_mosaic.version = 14 : i64} {
  func.func @body(%arg0: i32, %arg1: memref<2x2000x16xf32, #tpu.memory_space<vmem>>, %arg2: memref<2x2000x128xf32, #tpu.memory_space<vmem>>, %arg3: memref<2000x128xf32, #tpu.memory_space<vmem>>, %arg4: memref<1x128xf32, #tpu.memory_space<vmem>>, %arg5: memref<128x128xf32, #tpu.memory_space<vmem>>, %arg6: memref<2000x128xf32, #tpu.memory_space<vmem>>) attributes {dimension_semantics = [#tpu.dimension_semantics<arbitrary>], iteration_bounds = array<i64: 5>, scalar_prefetch = 0 : i64, scratch_operands = 0 : i64, tpu.core_type = #tpu.core_type<tc>, window_params = [{transform_indices = @transform_0, window_bounds = array<i64: 2, 2000, 16>}, {transform_indices = @transform_1, window_bounds = array<i64: 2, 2000, 128>}, {transform_indices = @transform_2, window_bounds = array<i64: 2000, 128>}, {pipeline_mode = #tpu.pipeline_mode<synchronous>, transform_indices = @transform_3, window_bounds = array<i64: 1, 128>}, {pipeline_mode = #tpu.pipeline_mode<synchronous>, transform_indices = @transform_4, window_bounds = array<i64: 128, 128>}, {transform_indices = @transform_5, window_bounds = array<i64: 2000, 128>}]} {
    %get3A = arith.constant 0 : index
    %get3A_0 = arith.constant 0 : index
    %get3A_1 = arith.constant 0 : index
    %get3A_2 = vector.load %arg1[%get3A, %get3A_0, %get3A_1] : memref<2x2000x16xf32, #tpu.memory_space<vmem>>, vector<1x2000x1xf32>
    %get3A_3 = vector.shape_cast %get3A_2 : vector<1x2000x1xf32> to vector<2000xf32>
    %get3A_4 = arith.constant 1 : index
    %get3A_5 = arith.constant 0 : index
    %get3A_6 = arith.constant 0 : index
    %get3A_7 = vector.load %arg1[%get3A_4, %get3A_5, %get3A_6] : memref<2x2000x16xf32, #tpu.memory_space<vmem>>, vector<1x2000x1xf32>
    %get3A_8 = vector.shape_cast %get3A_7 : vector<1x2000x1xf32> to vector<2000xf32>
    %add3A = arith.addf %get3A_3, %get3A_8 : vector<2000xf32>
    %sub3A = arith.constant 1.000000e+00 : f32
    %sub3A_9 = vector.broadcast %sub3A : f32 to vector<2000xf32>
    %sub3A_10 = arith.subf %add3A, %sub3A_9 : vector<2000xf32>
    %rsqrt3A = math.rsqrt %sub3A_10 : vector<2000xf32>
    %broadcast_in_dim3A = vector.shape_cast %rsqrt3A : vector<2000xf32> to vector<2000x1xf32>
    %get3A_11 = arith.constant 0 : index
    %get3A_12 = arith.constant 0 : index
    %get3A_13 = arith.constant 0 : index
    %get3A_14 = vector.load %arg2[%get3A_11, %get3A_12, %get3A_13] : memref<2x2000x128xf32, #tpu.memory_space<vmem>>, vector<1x2000x128xf32>
    %get3A_15 = vector.shape_cast %get3A_14 : vector<1x2000x128xf32> to vector<2000x128xf32>
    %get3A_16 = arith.constant 1 : index
    %get3A_17 = arith.constant 0 : index
    %get3A_18 = arith.constant 0 : index
    %get3A_19 = vector.load %arg2[%get3A_16, %get3A_17, %get3A_18] : memref<2x2000x128xf32, #tpu.memory_space<vmem>>, vector<1x2000x128xf32>
    %get3A_20 = vector.shape_cast %get3A_19 : vector<1x2000x128xf32> to vector<2000x128xf32>
    %add3A_21 = arith.addf %get3A_15, %get3A_20 : vector<2000x128xf32>
    %get3A_22 = arith.constant 0 : index
    %get3A_23 = arith.constant 0 : index
    %get3A_24 = vector.load %arg3[%get3A_22, %get3A_23] : memref<2000x128xf32, #tpu.memory_space<vmem>>, vector<2000x128xf32>
    %sub3A_25 = arith.subf %add3A_21, %get3A_24 : vector<2000x128xf32>
    %mul3A = vector.broadcast %broadcast_in_dim3A : vector<2000x1xf32> to vector<2000x128xf32>
    %mul3A_26 = arith.mulf %mul3A, %sub3A_25 : vector<2000x128xf32>
    %get3A_27 = arith.constant 0 : index
    %get3A_28 = arith.constant 0 : index
    %get3A_29 = vector.load %arg4[%get3A_27, %get3A_28] : memref<1x128xf32, #tpu.memory_space<vmem>>, vector<1x128xf32>
    %add3A_30 = vector.broadcast %get3A_29 : vector<1x128xf32> to vector<2000x128xf32>
    %add3A_31 = arith.addf %mul3A_26, %add3A_30 : vector<2000x128xf32>
    %max3A = arith.constant 0.000000e+00 : f32
    %max3A_32 = vector.broadcast %max3A : f32 to vector<2000x128xf32>
    %max3A_33 = arith.maximumf %add3A_31, %max3A_32 : vector<2000x128xf32>
    %get3A_34 = arith.constant 0 : index
    %get3A_35 = arith.constant 0 : index
    %get3A_36 = vector.load %arg5[%get3A_34, %get3A_35] : memref<128x128xf32, #tpu.memory_space<vmem>>, vector<128x128xf32>
    %dot_general3A = arith.constant dense<0.000000e+00> : vector<2000x128xf32>
    %dot_general3A_37 = tpu.matmul %max3A_33, %get3A_36, %dot_general3A {dimension_numbers = #tpu.dot_dimension_numbers<[1], [0], [0], [1], [0, 0, 1, 1], [], []>, transpose_lhs_hint = false} : vector<2000x128xf32>, vector<128x128xf32>, vector<2000x128xf32> -> vector<2000x128xf32>
    %mul3A_38 = vector.broadcast %broadcast_in_dim3A : vector<2000x1xf32> to vector<2000x128xf32>
    %mul3A_39 = arith.mulf %mul3A_38, %dot_general3A_37 : vector<2000x128xf32>
    %swap3A = arith.constant 0 : index
    %swap3A_40 = arith.constant 0 : index
    %swap3A_41 = vector.load %arg6[%swap3A, %swap3A_40] : memref<2000x128xf32, #tpu.memory_space<vmem>>, vector<2000x128xf32>
    tpu.vector_store %arg6[%swap3A, %swap3A_40], %mul3A_39 {strides = array<i32>} : memref<2000x128xf32, #tpu.memory_space<vmem>>, vector<2000x128xf32>,
    return
  }
  func.func @transform_0(%arg0: i32) -> (i32, i32, i32) {
    %c0_i32 = arith.constant 0 : i32
    %c0_i32_0 = arith.constant 0 : i32
    %c0_i32_1 = arith.constant 0 : i32
    return %c0_i32, %arg0, %c0_i32_0 : i32, i32, i32
  }
  func.func @transform_1(%arg0: i32) -> (i32, i32, i32) {
    %c0_i32 = arith.constant 0 : i32
    %c0_i32_0 = arith.constant 0 : i32
    %c0_i32_1 = arith.constant 0 : i32
    return %c0_i32, %arg0, %c0_i32_0 : i32, i32, i32
  }
  func.func @transform_2(%arg0: i32) -> (i32, i32) {
    %c0_i32 = arith.constant 0 : i32
    %c0_i32_0 = arith.constant 0 : i32
    return %arg0, %c0_i32 : i32, i32
  }
  func.func @transform_3(%arg0: i32) -> (i32, i32) {
    %c0_i32 = arith.constant 0 : i32
    %c0_i32_0 = arith.constant 0 : i32
    %c0_i32_1 = arith.constant 0 : i32
    return %c0_i32, %c0_i32_0 : i32, i32
  }
  func.func @transform_4(%arg0: i32) -> (i32, i32) {
    %c0_i32 = arith.constant 0 : i32
    %c0_i32_0 = arith.constant 0 : i32
    %c0_i32_1 = arith.constant 0 : i32
    return %c0_i32, %c0_i32_0 : i32, i32
  }
  func.func @transform_5(%arg0: i32) -> (i32, i32) {
    %c0_i32 = arith.constant 0 : i32
    %c0_i32_0 = arith.constant 0 : i32
    return %arg0, %c0_i32 : i32, i32
  }
}

module attributes {stable_mosaic.version = 14 : i64} {
  func.func @body(%arg0: i32, %arg1: memref<2x2000x16xf32, #tpu.memory_space<vmem>>, %arg2: memref<2x2000x128xf32, #tpu.memory_space<vmem>>, %arg3: memref<2000x128xf32, #tpu.memory_space<vmem>>, %arg4: memref<1x128xf32, #tpu.memory_space<vmem>>, %arg5: memref<128x40xf32, #tpu.memory_space<vmem>>, %arg6: memref<1x40xf32, #tpu.memory_space<vmem>>, %arg7: memref<2000x40xf32, #tpu.memory_space<vmem>>) attributes {dimension_semantics = [#tpu.dimension_semantics<arbitrary>], iteration_bounds = array<i64: 5>, scalar_prefetch = 0 : i64, scratch_operands = 0 : i64, tpu.core_type = #tpu.core_type<tc>, window_params = [{transform_indices = @transform_0, window_bounds = array<i64: 2, 2000, 16>}, {transform_indices = @transform_1, window_bounds = array<i64: 2, 2000, 128>}, {transform_indices = @transform_2, window_bounds = array<i64: 2000, 128>}, {pipeline_mode = #tpu.pipeline_mode<synchronous>, transform_indices = @transform_3, window_bounds = array<i64: 1, 128>}, {pipeline_mode = #tpu.pipeline_mode<synchronous>, transform_indices = @transform_4, window_bounds = array<i64: 128, 40>}, {pipeline_mode = #tpu.pipeline_mode<synchronous>, transform_indices = @transform_5, window_bounds = array<i64: 1, 40>}, {transform_indices = @transform_6, window_bounds = array<i64: 2000, 40>}]} {
    %get3A = arith.constant 0 : index
    %get3A_0 = arith.constant 0 : index
    %get3A_1 = arith.constant 0 : index
    %get3A_2 = vector.load %arg1[%get3A, %get3A_0, %get3A_1] : memref<2x2000x16xf32, #tpu.memory_space<vmem>>, vector<1x2000x1xf32>
    %get3A_3 = vector.shape_cast %get3A_2 : vector<1x2000x1xf32> to vector<2000xf32>
    %get3A_4 = arith.constant 1 : index
    %get3A_5 = arith.constant 0 : index
    %get3A_6 = arith.constant 0 : index
    %get3A_7 = vector.load %arg1[%get3A_4, %get3A_5, %get3A_6] : memref<2x2000x16xf32, #tpu.memory_space<vmem>>, vector<1x2000x1xf32>
    %get3A_8 = vector.shape_cast %get3A_7 : vector<1x2000x1xf32> to vector<2000xf32>
    %add3A = arith.addf %get3A_3, %get3A_8 : vector<2000xf32>
    %sub3A = arith.constant 1.000000e+00 : f32
    %sub3A_9 = vector.broadcast %sub3A : f32 to vector<2000xf32>
    %sub3A_10 = arith.subf %add3A, %sub3A_9 : vector<2000xf32>
    %rsqrt3A = math.rsqrt %sub3A_10 : vector<2000xf32>
    %broadcast_in_dim3A = vector.shape_cast %rsqrt3A : vector<2000xf32> to vector<2000x1xf32>
    %get3A_11 = arith.constant 0 : index
    %get3A_12 = arith.constant 0 : index
    %get3A_13 = arith.constant 0 : index
    %get3A_14 = vector.load %arg2[%get3A_11, %get3A_12, %get3A_13] : memref<2x2000x128xf32, #tpu.memory_space<vmem>>, vector<1x2000x128xf32>
    %get3A_15 = vector.shape_cast %get3A_14 : vector<1x2000x128xf32> to vector<2000x128xf32>
    %get3A_16 = arith.constant 1 : index
    %get3A_17 = arith.constant 0 : index
    %get3A_18 = arith.constant 0 : index
    %get3A_19 = vector.load %arg2[%get3A_16, %get3A_17, %get3A_18] : memref<2x2000x128xf32, #tpu.memory_space<vmem>>, vector<1x2000x128xf32>
    %get3A_20 = vector.shape_cast %get3A_19 : vector<1x2000x128xf32> to vector<2000x128xf32>
    %add3A_21 = arith.addf %get3A_15, %get3A_20 : vector<2000x128xf32>
    %get3A_22 = arith.constant 0 : index
    %get3A_23 = arith.constant 0 : index
    %get3A_24 = vector.load %arg3[%get3A_22, %get3A_23] : memref<2000x128xf32, #tpu.memory_space<vmem>>, vector<2000x128xf32>
    %sub3A_25 = arith.subf %add3A_21, %get3A_24 : vector<2000x128xf32>
    %mul3A = vector.broadcast %broadcast_in_dim3A : vector<2000x1xf32> to vector<2000x128xf32>
    %mul3A_26 = arith.mulf %mul3A, %sub3A_25 : vector<2000x128xf32>
    %get3A_27 = arith.constant 0 : index
    %get3A_28 = arith.constant 0 : index
    %get3A_29 = vector.load %arg4[%get3A_27, %get3A_28] : memref<1x128xf32, #tpu.memory_space<vmem>>, vector<1x128xf32>
    %add3A_30 = vector.broadcast %get3A_29 : vector<1x128xf32> to vector<2000x128xf32>
    %add3A_31 = arith.addf %mul3A_26, %add3A_30 : vector<2000x128xf32>
    %max3A = arith.constant 0.000000e+00 : f32
    %max3A_32 = vector.broadcast %max3A : f32 to vector<2000x128xf32>
    %max3A_33 = arith.maximumf %add3A_31, %max3A_32 : vector<2000x128xf32>
    %get3A_34 = arith.constant 0 : index
    %get3A_35 = arith.constant 0 : index
    %get3A_36 = vector.load %arg5[%get3A_34, %get3A_35] : memref<128x40xf32, #tpu.memory_space<vmem>>, vector<128x40xf32>
    %dot_general3A = arith.constant dense<0.000000e+00> : vector<2000x40xf32>
    %dot_general3A_37 = tpu.matmul %max3A_33, %get3A_36, %dot_general3A {dimension_numbers = #tpu.dot_dimension_numbers<[1], [0], [0], [1], [0, 0, 1, 1], [], []>, transpose_lhs_hint = false} : vector<2000x128xf32>, vector<128x40xf32>, vector<2000x40xf32> -> vector<2000x40xf32>
    %get3A_38 = arith.constant 0 : index
    %get3A_39 = arith.constant 0 : index
    %get3A_40 = vector.load %arg6[%get3A_38, %get3A_39] : memref<1x40xf32, #tpu.memory_space<vmem>>, vector<1x40xf32>
    %add3A_41 = vector.broadcast %get3A_40 : vector<1x40xf32> to vector<2000x40xf32>
    %add3A_42 = arith.addf %dot_general3A_37, %add3A_41 : vector<2000x40xf32>
    %reduce_max3A = arith.constant dense<0xFF800000> : vector<2000xf32>
    %reduce_max3A_43 = vector.multi_reduction <maximumf>, %add3A_42, %reduce_max3A [1] : vector<2000x40xf32> to vector<2000xf32>
    %broadcast_in_dim3A_44 = vector.shape_cast %reduce_max3A_43 : vector<2000xf32> to vector<2000x1xf32>
    %sub3A_45 = vector.broadcast %broadcast_in_dim3A_44 : vector<2000x1xf32> to vector<2000x40xf32>
    %sub3A_46 = arith.subf %add3A_42, %sub3A_45 : vector<2000x40xf32>
    %exp3A = math.exp %sub3A_46 : vector<2000x40xf32>
    %reduce_sum3A = arith.constant dense<0.000000e+00> : vector<2000xf32>
    %reduce_sum3A_47 = vector.multi_reduction <add>, %exp3A, %reduce_sum3A [1] : vector<2000x40xf32> to vector<2000xf32>
    %broadcast_in_dim3A_48 = vector.shape_cast %reduce_sum3A_47 : vector<2000xf32> to vector<2000x1xf32>
    %log3A = math.log %broadcast_in_dim3A_48 : vector<2000x1xf32>
    %add3A_49 = arith.addf %log3A, %broadcast_in_dim3A_44 : vector<2000x1xf32>
    %sub3A_50 = vector.broadcast %add3A_49 : vector<2000x1xf32> to vector<2000x40xf32>
    %sub3A_51 = arith.subf %add3A_42, %sub3A_50 : vector<2000x40xf32>
    %swap3A = arith.constant 0 : index
    %swap3A_52 = arith.constant 0 : index
    %swap3A_53 = vector.load %arg7[%swap3A, %swap3A_52] : memref<2000x40xf32, #tpu.memory_space<vmem>>, vector<2000x40xf32>
    tpu.vector_store %arg7[%swap3A, %swap3A_52], %sub3A_51 {strides = array<i32>} : memref<2000x40xf32, #tpu.memory_space<vmem>>, vector<2000x40xf32>,
    return
  }
  func.func @transform_0(%arg0: i32) -> (i32, i32, i32) {
    %c0_i32 = arith.constant 0 : i32
    %c0_i32_0 = arith.constant 0 : i32
    %c0_i32_1 = arith.constant 0 : i32
    return %c0_i32, %arg0, %c0_i32_0 : i32, i32, i32
  }
  func.func @transform_1(%arg0: i32) -> (i32, i32, i32) {
    %c0_i32 = arith.constant 0 : i32
    %c0_i32_0 = arith.constant 0 : i32
    %c0_i32_1 = arith.constant 0 : i32
    return %c0_i32, %arg0, %c0_i32_0 : i32, i32, i32
  }
  func.func @transform_2(%arg0: i32) -> (i32, i32) {
    %c0_i32 = arith.constant 0 : i32
    %c0_i32_0 = arith.constant 0 : i32
    return %arg0, %c0_i32 : i32, i32
  }
  func.func @transform_3(%arg0: i32) -> (i32, i32) {
    %c0_i32 = arith.constant 0 : i32
    %c0_i32_0 = arith.constant 0 : i32
    %c0_i32_1 = arith.constant 0 : i32
    return %c0_i32, %c0_i32_0 : i32, i32
  }
  func.func @transform_4(%arg0: i32) -> (i32, i32) {
    %c0_i32 = arith.constant 0 : i32
    %c0_i32_0 = arith.constant 0 : i32
    %c0_i32_1 = arith.constant 0 : i32
    return %c0_i32, %c0_i32_0 : i32, i32
  }
  func.func @transform_5(%arg0: i32) -> (i32, i32) {
    %c0_i32 = arith.constant 0 : i32
    %c0_i32_0 = arith.constant 0 : i32
    %c0_i32_1 = arith.constant 0 : i32
    return %c0_i32, %c0_i32_0 : i32, i32
  }
  func.func @transform_6(%arg0: i32) -> (i32, i32) {
    %c0_i32 = arith.constant 0 : i32
    %c0_i32_0 = arith.constant 0 : i32
    return %arg0, %c0_i32 : i32, i32
  }
}

</mosaic_0001>

<sc_bundles>
// kernel: kernel.12.cloned.1.call-start
scs
__scs_entry_jumppad:
0x0: {  	(pc) =	sbr.rel $0x88, $3  }
0x1: {  	(tag) =	ssettag $0x0;
	lr =	simm.s32 $0x1  }
0x2: {  	[smem:$0x3F99] =	sst lr;
	_ =	strace $0xD0000000  }
0x3: {  	_ = 	snop  }
0x4: {  	_ = 	snop  }
0x5: {  	_ = 	snop  }
0x6: {  	_ = 	snop  }
0x7: {  	_ = 	snop  }
__scs_overlays_trampoline_lowered:
0x8: {  	[smem:$0x3FA8] =	sst s0  }
0x9: {  	[smem:$0x3FA9] =	sst s1  }
0xa: {  	[smem:$0x3FAA] =	sst s2  }
0xb: {  	[smem:$0x3FAB] =	sst s3  }
0xc: {  	[smem:$0x3FAC] =	sst s4  }
0xd: {  	[smem:$0x3FAD] =	sst s5  }
0xe: {  	[smem:$0x3FAE] =	sst s6  }
0xf: {  	[smem:$0x3FAF] =	sst s7  }
0x10: {  	[smem:$0x3FB0] =	sst s8  }
0x11: {  	[smem:$0x3FB1] =	sst s9;
	s0 =	simm.s32 @!p0 $0x0  }
0x12: {  	s1 =	sld [smem:$0x3F97];
	s0 =	simm.s32 @p0 $0x1  }
0x13: {  	[smem:$0x3FB2] =	sst s0;
	s0 =	simm.s32 @!p1 $0x0  }
0x14: {  	s2 =	sld [smem:$0x3F96];
	s0 =	simm.s32 @p1 $0x1  }
0x15: {  	[smem:$0x3FB3] =	sst s0;
	s0 =	simm.s32 @!p2 $0x0  }
0x16: {  	s3 =	sld [smem:$0x3FDB];
	s0 =	simm.s32 @p2 $0x1  }
0x17: {  	s4 =	simm.s32 $0x1BF5;
	[smem:$0x3FB5] =	sst s0  }
0x18: {  	s0 =	sld [smem:$0x3F98];
	_ =	swait.ge [sflag:s4], $0x0  }
0x19: {  	s7 =	sld [smem:$0x3F99]  }
0x1a: {  	s8 =	sadd.s32 $0xFFFFE003, lr  }
0x1b: {  	s9 =	sadd.s32 $0xFFFFFEF7, lr;
	s5 =	simm.s32 $0xFFFFFFFF;
	p2 =	slt.u32 s8, $0xFFFFF086  }
0x1c: {  	p1 =	slt.u32 s9, $0xF7A;
	s5 =	simm.s32 @!p2 $0x0  }
0x1d: {  	s5 =	simm.s32 @p1 $0x1;
	p0 =	seq.s32 s7, s2  }
0x1e: {  	s7 =	smul.u32 @!p0 $0xF7A, s2;
	p2 =	seq.s32 @!p0 s5, $0x0  }
0x1f: {  	s9 =	smul.u32 $0xF7A, s1;
	s8 =	simm.s32 @!p0 $0x1BF5;
	p2 =	por !p2, p0  }
0x20: {  	[sflag:s8] =	ssyncset.s32 @!p0 $0xFFFFF086;
	s6 =	sadd.s32 @!p0 s3, s7;
	s7 =	simm.s32 @!p0 $0x108  }
0x21: {  	s3 =	sadd.s32 s3, s9;
	s6 =	sadd.s32 @!p0 $0x88, s6;
	s7 =	simm.s32 @p2 $0x1082  }
0x22: {  	[simem:s7], [sflag:s8] =	dma.local @!p0 [hbm:s6], $0xF7A  }
0x23: {  	s9 =	sor.u32 $0xD0000000, s2;
	s6 =	simm.s32 $0x108;
	_ =	swait.ge @!p0 [sflag:s8], $0x0  }
0x24: {  	s3 =	sadd.s32 $0x88, s3;
	s6 =	simm.s32 @!p1 $0x1082;
	[sflag:s4] =	ssyncset.s32 $0xFFFFF086  }
0x25: {  	[simem:s6], [sflag:s4] =	dma.local [hbm:s3], $0xF7A  }
0x26: {  	[smem:$0x3F99] =	sst s1;
	(tag) =	ssettag s2;
	_ =	strace s9  }
0x27: {  	s1 =	sld [smem:$0x3FA9]  }
0x28: {  	s2 =	sld [smem:$0x3FAA]  }
0x29: {  	s4 =	sld [smem:$0x3FAC]  }
0x2a: {  	p0 =	seq.s32 s5, $0x0;
	s5 =	sld [smem:$0x3FAD]  }
0x2b: {  	s6 =	sld [smem:$0x3FAE]  }
0x2c: {  	s7 =	sld [smem:$0x3FAF]  }
0x2d: {  	s3 =	simm.s32 $0x108;
	s8 =	sld [smem:$0x3FB0]  }
0x2e: {  	s3 =	simm.s32 @!p0 $0x1082;
	s9 =	sld [smem:$0x3FB1]  }
0x2f: {  	lr =	sadd.s32 s0, s3;
	s0 =	sld [smem:$0x3FA8]  }
0x30: {  	s3 =	sld [smem:$0x3FAB]  }
0x31: {  	[smem:$0x3FB4] =	sst s10  }
0x32: {  	s10 =	sld [smem:$0x3FB2];
	_ =	sdelay $0x3  }
0x33: {  	p0 =	seq.s32 s10, $0x1;
	s10 =	sld [smem:$0x3FB4];
	_ =	sdelay $0x3  }
0x34: {  	[smem:$0x3FB4] =	sst s10  }
0x35: {  	s10 =	sld [smem:$0x3FB3];
	_ =	sdelay $0x3  }
0x36: {  	p1 =	seq.s32 s10, $0x1;
	s10 =	sld [smem:$0x3FB4];
	_ =	sdelay $0x3  }
0x37: {  	[smem:$0x3FB4] =	sst s10  }
0x38: {  	s10 =	sld [smem:$0x3FB5]  }
0x39: {  	_ = 	snop;
	(pc) =	sbr.ind lr, $3  }
0x3a: {  	_ = 	snop  }
0x3b: {  	_ = 	snop  }
0x3c: {  	p2 =	seq.s32 s10, $0x1;
	s10 =	sld [smem:$0x3FB4]  }
0x3d: {  	_ =	shalt  }
0x3e: {  	_ =	shalt  }
0x3f: {  	_ =	shalt  }
0x40: {  	_ =	shalt  }
0x41: {  	_ =	shalt  }
0x42: {  	_ =	shalt  }
0x43: {  	_ =	shalt  }
0x44: {  	_ =	shalt  }
0x45: {  	_ =	shalt  }
0x46: {  	_ =	shalt  }
0x47: {  	_ =	shalt  }
0x48: {  	_ =	shalt  }
0x49: {  	_ =	shalt  }
0x4a: {  	_ =	shalt  }
0x4b: {  	_ =	shalt  }
0x4c: {  	_ =	shalt  }
0x4d: {  	_ =	shalt  }
0x4e: {  	_ =	shalt  }
0x4f: {  	_ =	shalt  }
0x50: {  	_ =	shalt  }
0x51: {  	_ =	shalt  }
0x52: {  	_ =	shalt  }
0x53: {  	_ =	shalt  }
0x54: {  	_ =	shalt  }
0x55: {  	_ =	shalt  }
0x56: {  	_ =	shalt  }
0x57: {  	_ =	shalt  }
0x58: {  	_ =	shalt  }
0x59: {  	_ =	shalt  }
0x5a: {  	_ =	shalt  }
0x5b: {  	_ =	shalt  }
0x5c: {  	_ =	shalt  }
0x5d: {  	_ =	shalt  }
0x5e: {  	_ =	shalt  }
0x5f: {  	_ =	shalt  }
0x60: {  	_ =	shalt  }
0x61: {  	_ =	shalt  }
0x62: {  	_ =	shalt  }
0x63: {  	_ =	shalt  }
0x64: {  	_ =	shalt  }
0x65: {  	_ =	shalt  }
0x66: {  	_ =	shalt  }
0x67: {  	_ =	shalt  }
0x68: {  	_ =	shalt  }
0x69: {  	_ =	shalt  }
0x6a: {  	_ =	shalt  }
0x6b: {  	_ =	shalt  }
0x6c: {  	_ =	shalt  }
0x6d: {  	_ =	shalt  }
0x6e: {  	_ =	shalt  }
0x6f: {  	_ =	shalt  }
0x70: {  	_ =	shalt  }
0x71: {  	_ =	shalt  }
0x72: {  	_ =	shalt  }
0x73: {  	_ =	shalt  }
0x74: {  	_ =	shalt  }
0x75: {  	_ =	shalt  }
0x76: {  	_ =	shalt  }
0x77: {  	_ =	shalt  }
0x78: {  	_ =	shalt  }
0x79: {  	_ =	shalt  }
0x7a: {  	_ =	shalt  }
0x7b: {  	_ =	shalt  }
0x7c: {  	_ =	shalt  }
0x7d: {  	_ =	shalt  }
0x7e: {  	_ =	shalt  }
0x7f: {  	_ =	shalt  }
0x80: {  	_ =	shalt  }
0x81: {  	_ =	shalt  }
0x82: {  	_ =	shalt  }
0x83: {  	_ =	shalt  }
0x84: {  	_ =	shalt  }
0x85: {  	_ =	shalt  }
0x86: {  	_ =	shalt  }
0x87: {  	_ =	shalt  }
.Lfunc_end0:
.L_simem_size_0:
called_computation.1_lowered:
.L_overlay_start_0:
0x88: {  	s2 =	sld [smem:$0x3FD9]  }
0x89: {  	s3 =	sld [smem:$0x3FFE];
	_ =	sdelay $0x1  }
0x8a: {  	s1 =	srdreg.scid  }
0x8b: {  	s0 =	sand.u32 $0x1, s1  }
0x8c: {  	s17 =	sshll.u32 s0, $0xA;
	s2 =	sadd.s32 s3, s2  }
0x8d: {  	s2 =	sadd.s32 s2, s17  }
0x8e: {  	[smem:$0x3FC0] =	sst s2  }
0x8f: {  	_ = 	snop  }
0x90: {  	s2 =	sld [smem:$0x3FD0];
	(tm) =	ssettm $0x1  }
0x91: {  	s18 =	sld [smem:$0x3FFB];
	_ =	sdelay $0x3  }
0x92: {  	_ =	strace s18  }
0x93: {  	s3 =	sld [smem:$0x3FFC];
	_ =	sdelay $0x3  }
0x94: {  	_ =	strace s3  }
0x95: {  	s3 =	sld [smem:$0x3FFD];
	_ =	sdelay $0x3  }
0x96: {  	_ =	strace s3  }
0x97: {  	_ =	strace $0x8FFFFFFF  }
0x98: {  	s19 =	sld [smem:$0x3FDB];
	_ =	sdelay $0x1  }
0x99: {  	s4 =	simm.s32 $_scs_section_size  }
0x9a: {  	s5 =	simm.s32 $_size__tile_overlayer_lowered;
	s6 =	simm.s32 $_tile_overlayer_lowered  }
0x9b: {  	s22 =	simm.s32 $0x1BFF;
	s21 =	sshll.u32 s6, $0x1;
	s3 =	sadd.s32 s4, s19  }
0x9c: {  	s7 =	simm.s32 $0x0;
	s20 =	sshll.u32 s5, $0x1;
	s5 =	sadd.s32 s21, s3  }
0x9d: {  	[timem:s7], [sflag:s22] =	dma.local [hbm:s5], s20  }
0x9e: {  	_ =	swait.ge [sflag:s22], s20  }
0x9f: {  	s4 =	ssub.s32 $0x0, s20;
	[sflag:s22] =	ssyncset.done $0x0  }
0xa0: {  	[sflag:s22] =	ssyncadd.s32 s4;
	_ =	sdelay $0x1  }
0xa1: {  	s23 =	simm.s32 $0x1B8B  }
0xa2: {  	_ =	swait.ge [sflag:s23], $0x1  }
0xa3: {  	[sflag:s23] =	ssyncset.done $0x0  }
0xa4: {  	s25 =	simm.s32 $0x1B8E;
	s24 =	sld [smem:$0x3FFE];
	[sflag:s23] =	ssyncadd.s32 $0xFFFFFFFF  }
0xa5: {  	s26 =	simm.s32 $execute0_lowered;
	[smem:$0x3FD2] =	sst s25  }
0xa6: {  	s5 =	sshll.u32 s26, $0x1;
	_ =	strace $0x80000049;
	[dreg:$0x1] =	wrdreg $0xFFFFFFFF  }
0xa7: {  	s28 =	simm.s32 $_size_execute0_lowered;
	s3 =	sadd.s32 s3, s5;
	[dreg:$0x0] =	wrdreg $0x0  }
0xa8: {  	s5 =	sshll.u32 s28, $0x1;
	[dreg:$0x2] =	wrdreg s3  }
0xa9: {  	[dreg:$0x3] =	wrdreg s5  }
0xaa: {  	[dreg:$0x4] =	wrdreg $0xC0  }
0xab: {  	_ =	task [dreg:s7], $0x5FFFF  }
0xac: {  	[dreg:$0x1] =	wrdreg $0xFFFFFFFF  }
0xad: {  	[dreg:$0x0] =	wrdreg $0x60  }
0xae: {  	[dreg:$0x2] =	wrdreg s24  }
0xaf: {  	[dreg:$0x3] =	wrdreg s2  }
0xb0: {  	[dreg:$0x4] =	wrdreg $0x84000  }
0xb1: {  	[dreg:$0x5] =	wrdreg $0x9  }
0xb2: {  	_ =	task.clear_ibuf [dreg:s7], $0x6FFFF;
	_ =	strace $0x90000049  }
0xb3: {  	s29 =	simm.s32 $0x9;
	_ =	strace $0x8000004B  }
0xb4: {  	_ =	swait.ge [sflag:s29], $0x1  }
0xb5: {  	[sflag:s29] =	ssyncadd.s32 $0xFFFFFFFF  }
0xb6: {  	_ =	strace $0x9000004B  }
0xb7: {  	_ =	sfence  }
0xb8: {  	s30 =	sld [smem:$0x0];
	_ =	sdelay $0x2  }
0xb9: {  	s31 =	sshll.u32 s1, $0xD;
	s1 =	sshrl.u32 s1, $0x2  }
0xba: {  	s3 =	sand.u32 $0x4000, s31;
	s1 =	sadd.s32 s1, s30  }
0xbb: {  	s0 =	sor.u32 s3, s0;
	s1 =	sshll.u32 s1, $0x11  }
0xbc: {  	s0 =	sor.u32 s1, s0  }
0xbd: {  	s0 =	sadd.s32 $0x8F2B, s0  }
0xbe: {  	[sflag:s0] =	ssyncadd.remote.s32 $0x1  }
0xbf: {  	_ =	sfence.sel $0xFFFF  }
0xc0: {  	[dreg:$0x0] =	wrdreg $0xFFFFFFFF;
	(pc) =	sbr.abs _section_cstart, $3  }
0xc1: {  	[dreg:$0x1] =	wrdreg $0xFFFFFFFF  }
0xc2: {  	_ =	task.clear_ibuf [dreg:s7], $0x2FFFF;
	_ =	strace $0x9FFFFFFF  }
0xc3: {  	(tm) =	ssettm $0x7FFFFFFF  }
tec
execute0_lowered:
.L_overlay_start_1:
0x0: {  	(tag) =	ssettag $0x1  }
0x1: {  	s0 =	rddreg [dreg:$0x0]  }
0x2: {  	s2 =	rddreg [dreg:$0x1]  }
0x3: {  	s3 =	rddreg [dreg:$0x2]  }
0x4: {  	s1 =	srdreg.scid;
	s12 =	stileid.u32;
	s4 =	simm.s32 $0x0  }
0x5: {  	s28 =	simm.s32 $0x9;
	s29 =	simm.s32 $0x5;
	s30 =	simm.s32 $0x400  }
0x6: {  	s31 =	simm.s32 $0x6;
	s1 =	sand.u32 $0x1, s1;
	s8 =	smul.u32 $0x13C00, s12  }
0x7: {  	[smem:$0x7FF] =	sst s4;
	s21 =	smul.u32 $0x4F000, s12;
	s25 =	sshll.u32 s12, $0x6  }
0x8: {  	s6 =	smul.u32 $0x13C000, s1;
	s5 =	sshll.u32 s1, $0x4;
	_ =	strace $0x8000004A  }
0x9: {  	s1 =	ssub.s32 $0x2, s1;
	s7 =	sor.u32 s12, s5;
	s5 =	sadd.s32 $0x79200, s0  }
0xa: {  	s16 =	sshrl.u32 s1, $0x1;
	s24 =	sshrl.u32 s21, $0x2;
	s21 =	simm.s32 $0x200  }
0xb: {  	s12 =	simm.s32 $0x4;
	s9 =	sadd.s32 s8, s6;
	s6 =	smul.u32 $0x2800, s7  }
0xc: {  	s7 =	sadd.s32 $0x2A00, s0;
	s1 =	ssub.s32 s1, s16;
	s8 =	sshrl.u32 s8, $0x3  }
0xd: {  	s16 =	sor.u32 $0x1C09, s25;
	s25 =	simm.s32 $0x300;
	s9 =	sshrl.u32 s9, $0x3  }
0xe: {  	s8 =	sadd.s32 s7, s8;
	s26 =	smax.u32 s1, $0x1;
	[dreg:$0xe] =	wrdreg s16  }
0xf: {  	s1 =	simm.s32 $0x1;
	s0 =	sadd.s32 s9, s0;
	[dreg:$0xd] =	wrdreg s8  }
0x10: {  	s10 =	sshrl.u32 s6, $0x3;
	[dreg:$0x10] =	wrdreg s26;
	s26 =	simm.s32 $0x180  }
0x11: {  	s8 =	simm.s32 $0x2;
	s17 =	sadd.s32 s5, s10;
	s18 =	sor.u32 $0x10, s10  }
0x12: {  	s11 =	sadd.s32 s2, s10;
	s20 =	sor.u32 $0x20, s10;
	[dreg:$0x4] =	wrdreg s17  }
0x13: {  	s10 =	sor.u32 $0x30, s10;
	s0 =	sadd.s32 $0x2A200, s0;
	[dreg:$0x5] =	wrdreg s11  }
0x14: {  	s19 =	sadd.s32 s5, s18;
	s9 =	sadd.s32 s2, s18;
	[dreg:$0xf] =	wrdreg s0  }
0x15: {  	s13 =	sadd.s32 s5, s20;
	s22 =	sadd.s32 s5, s10;
	[dreg:$0x6] =	wrdreg s19  }
0x16: {  	s23 =	sadd.s32 s2, s10;
	s0 =	simm.s32 $0x4400;
	[dreg:$0x7] =	wrdreg s9  }
.Ltmp0:
0x17: {  	s10 =	simm.s32 $0x8;
	[dreg:$0x8] =	wrdreg s13;
	(pc) =	sbr.rel .LBB2_1-.Ltmp0, $4  }
0x18: {  	s11 =	simm.s32 $0x380;
	s9 =	sadd.s32 s2, s20;
	[dreg:$0xa] =	wrdreg s22  }
0x19: {  	[dreg:$0xb] =	wrdreg s23;
	s22 =	simm.s32 $0x80;
	s23 =	simm.s32 $0x280  }
0x1a: {  	s13 =	simm.s32 $0x0;
	[dreg:$0x9] =	wrdreg s9;
	s9 =	sadd.s32 s24, s3  }
0x1b: {  	s24 =	simm.s32 $0x100;
	[dreg:$0xc] =	wrdreg s9;
	s9 =	simm.s32 $0x3  }
.LBB2_4:
0x1c: {  	_ =	swait.ge [sflag:s12], $0x4000  }
0x1d: {  	[sflag:s12] =	ssyncset.done $0x0  }
0x1e: {  	[sflag:s12] =	ssyncadd.s32 $0xFFFFC000  }
0x1f: {  	[bflag:$0x0] =	sbarrier.arrive $0xFFFF  }
0x20: {  	s16 =	rddreg [dreg:$0xe]  }
0x21: {  	s15 =	rddreg [dreg:$0xf]  }
0x22: {  	[hbm:s15], [sflag:s16] =	dma.local [spmem:s14], $0x2780  }
0x23: {  	_ =	swait.ge [sflag:s28], $0x2780  }
0x24: {  	s13 =	sadd.s32 $0x1, s13;
	s20 =	rddreg [dreg:$0x10]  }
0x25: {  	p0 =	sne.s32 s13, s20  }
.Ltmp1:
0x26: {  	_ = 	snop;
	(pc) =	sbr.rel @!p0 .LBB2_5-.Ltmp1, $3  }
0x27: {  	_ =	sdelay $0x1  }
0x28: {  	[sflag:s28] =	ssyncset.done $0x0  }
0x29: {  	[sflag:s28] =	ssyncadd.s32 $0xFFFFD880  }
.LBB2_1:
0x2a: {  	s14 =	rddreg [dreg:$0x4]  }
0x2b: {  	s18 =	rddreg [dreg:$0x5]  }
0x2c: {  	s19 =	rddreg [dreg:$0x6]  }
0x2d: {  	[tilespmem:s4], [sflag:$0x5] =	stream.linear.gather [hbm4b:s14+s4], $0x80, $0x38;
	[tilespmem:$0x1C000] =	vst v63  }
0x2e: {  	s20 =	rddreg [dreg:$0x7]  }
0x2f: {  	[tilespmem:s21], [sflag:$0x5] =	stream.linear.gather [hbm4b:s18+s4], $0x80, $0x38;
	[tilespmem:$0x1C000] =	vst v63  }
0x30: {  	s15 =	rddreg [dreg:$0x8]  }
0x31: {  	[tilespmem:s22], [sflag:$0x6] =	stream.linear.gather [hbm4b:s19+s4], $0x80, $0x38;
	[tilespmem:$0x1C000] =	vst v63  }
0x32: {  	s17 =	rddreg [dreg:$0x9]  }
0x33: {  	[tilespmem:s23], [sflag:$0x6] =	stream.linear.gather [hbm4b:s20+s4], $0x80, $0x38;
	[tilespmem:$0x1C000] =	vst v63  }
0x34: {  	s18 =	rddreg [dreg:$0xa]  }
0x35: {  	[tilespmem:s24], [sflag:$0x7] =	stream.linear.gather [hbm4b:s15+s4], $0x80, $0x38;
	[tilespmem:$0x1C000] =	vst v63  }
0x36: {  	s19 =	rddreg [dreg:$0xb]  }
0x37: {  	[tilespmem:s25], [sflag:$0x7] =	stream.linear.gather [hbm4b:s17+s4], $0x80, $0x38;
	[tilespmem:$0x1C000] =	vst v63  }
0x38: {  	s20 =	rddreg [dreg:$0xc]  }
0x39: {  	[tilespmem:s26], [sflag:$0x8] =	stream.linear.gather [hbm4b:s18+s4], $0x80, $0x38;
	[tilespmem:$0x1C000] =	vst v63  }
0x3a: {  	s14 =	sshrl.u32 s20, $0x3;
	s15 =	rddreg [dreg:$0xd]  }
0x3b: {  	[tilespmem:s11], [sflag:$0x8] =	stream.linear.gather [hbm4b:s19+s4], $0x80, $0x38;
	[tilespmem:$0x1C000] =	vst v63  }
0x3c: {  	[spmem:s14], [sflag:s16] =	dma.local [hbm:s15], $0x2780  }
0x3d: {  	_ =	swait.ge [sflag:s28], $0x2780  }
0x3e: {  	[sflag:s28] =	ssyncset.done $0x0  }
0x3f: {  	[sflag:s28] =	ssyncadd.s32 $0xFFFFD880  }
0x40: {  	[bflag:$0x0] =	sbarrier.arrive $0xFFFF  }
0x41: {  	_ =	swait.ge [sflag:s29], $0x80  }
0x42: {  	[sflag:s29] =	ssyncset.done $0x0  }
0x43: {  	[sflag:s29] =	ssyncadd.s32 $0xFFFFFF80  }
0x44: {  	_ =	swait.ge [sflag:s29], $0x80  }
0x45: {  	[sflag:s29] =	ssyncset.done $0x0  }
0x46: {  	[sflag:s29] =	ssyncadd.s32 $0xFFFFFF80  }
0x47: {  	[tilespmem:s30], [sflag:$0x1] =	stream.indirect.gather [hbm4b:s7+s22], $0x80, s4, s22, $0xb8;
	[tilespmem:$0x1C000] =	vst v63  }
0x48: {  	_ =	swait.ge [sflag:s31], $0x80  }
0x49: {  	[sflag:s31] =	ssyncset.done $0x0  }
0x4a: {  	[sflag:s31] =	ssyncadd.s32 $0xFFFFFF80  }
0x4b: {  	_ =	swait.ge [sflag:s31], $0x80  }
0x4c: {  	[sflag:s31] =	ssyncset.done $0x0  }
0x4d: {  	s15 =	simm.s32 $0x380;
	[sflag:s31] =	ssyncadd.s32 $0xFFFFFF80  }
0x4e: {  	[tilespmem:s0], [sflag:$0x2] =	stream.indirect.gather [hbm4b:s7+s22], $0x80, s22, s22, $0xb8;
	[tilespmem:$0x1C000] =	vst v63  }
.LBB2_2:
0x4f: {  	_ =	swait.ge [sflag:s1], $0x4000  }
0x50: {  	[sflag:s1] =	ssyncset.done $0x0  }
0x51: {  	[sflag:s1] =	ssyncadd.s32 $0xFFFFC000  }
0x52: {  	[spmem:s3] =	stream.indirect.scatter.add.f32 [tilespmem:s30], [sflag:$0x3], $0x80, s21, s22, $0xb8;
	[tilespmem:$0x1C000] =	vst v63  }
0x53: {  	_ =	swait.ge [sflag:s8], $0x4000  }
0x54: {  	[sflag:s8] =	ssyncset.done $0x0  }
0x55: {  	[sflag:s8] =	ssyncadd.s32 $0xFFFFC000  }
0x56: {  	[spmem:s3] =	stream.indirect.scatter.add.f32 [tilespmem:s0], [sflag:$0x4], $0x80, s23, s22, $0xb8;
	[tilespmem:$0x1C000] =	vst v63  }
0x57: {  	_ =	swait.ge [sflag:s9], $0x4000  }
0x58: {  	p0 =	seq.s32 s15, $0x2980;
	[sflag:s9] =	ssyncset.done $0x0  }
0x59: {  	s16 =	simm.s32 @p0 $0x7;
	[sflag:s9] =	ssyncadd.s32 $0xFFFFC000  }
0x5a: {  	_ =	swait.ge @p0 [sflag:s16], $0x80  }
0x5b: {  	[sflag:s16] =	ssyncset.done @p0 $0x0  }
0x5c: {  	[sflag:s16] =	ssyncadd.s32 @p0 $0xFFFFFF80  }
0x5d: {  	_ =	swait.ge @p0 [sflag:s16], $0x80  }
0x5e: {  	s17 =	simm.s32 @p0 $0x100;
	[sflag:s16] =	ssyncset.done @p0 $0x0  }
0x5f: {  	s19 =	simm.s32 @p0 $0x400;
	[sflag:s16] =	ssyncadd.s32 @p0 $0xFFFFFF80;
	s16 =	simm.s32 @p0 $0x80  }
0x60: {  	[tilespmem:s19], [sflag:$0x1] =	stream.indirect.gather @p0 [hbm4b:s7+s16], $0x80, s17, s16, $0xb8;
	[tilespmem:$0x1C000] =	vst v63  }
0x61: {  	s16 =	sadd.s32 @!p0 $0xFFFFFE80, s15  }
0x62: {  	s17 =	sand.u32 @!p0 $0x7C00, s16  }
0x63: {  	s19 =	simm.s32 @p0 $0x4;
	s16 =	sand.u32 @!p0 $0x200, s16;
	s17 =	sadd.s32 @!p0 s6, s17  }
0x64: {  	_ =	swait.ge @p0 [sflag:s19], $0x4000;
	s16 =	sor.u32 @!p0 s16, s17  }
0x65: {  	[sflag:s19] =	ssyncset.done @p0 $0x0;
	s16 =	sshrl.u32 @!p0 s16, $0x3  }
0x66: {  	[sflag:s19] =	ssyncadd.s32 @p0 $0xFFFFC000;
	s19 =	simm.s32 @!p0 $0x0;
	s17 =	sadd.s32 @!p0 s5, s16  }
0x67: {  	[tilespmem:s19], [sflag:$0x5] =	stream.linear.gather @!p0 [hbm4b:s17+s19], $0x80, $0x38;
	[tilespmem:$0x1C000] =	vst v63  }
0x68: {  	s16 =	sadd.s32 @!p0 s2, s16;
	s17 =	simm.s32 @!p0 $0x200  }
0x69: {  	[tilespmem:s17], [sflag:$0x5] =	stream.linear.gather @!p0 [hbm4b:s16+s19], $0x80, $0x38;
	[tilespmem:$0x1C000] =	vst v63  }
0x6a: {  	s16 =	simm.s32 @!p0 $0x7  }
0x6b: {  	_ =	swait.ge @!p0 [sflag:s16], $0x80  }
0x6c: {  	[sflag:s16] =	ssyncset.done @!p0 $0x0  }
0x6d: {  	[sflag:s16] =	ssyncadd.s32 @!p0 $0xFFFFFF80  }
0x6e: {  	_ =	swait.ge @!p0 [sflag:s16], $0x80  }
0x6f: {  	s20 =	simm.s32 @!p0 $0x400;
	[sflag:s16] =	ssyncset.done @!p0 $0x0  }
0x70: {  	s17 =	simm.s32 @!p0 $0x100;
	[sflag:s16] =	ssyncadd.s32 @!p0 $0xFFFFFF80;
	s16 =	simm.s32 @!p0 $0x80  }
0x71: {  	[tilespmem:s20], [sflag:$0x1] =	stream.indirect.gather @!p0 [hbm4b:s7+s16], $0x80, s17, s16, $0xb8;
	[tilespmem:$0x1C000] =	vst v63  }
0x72: {  	s17 =	sadd.s32 @!p0 $0xFFFFFF00, s15  }
0x73: {  	s20 =	sand.u32 @!p0 $0x7C00, s17  }
0x74: {  	s18 =	simm.s32 @!p0 $0x4;
	s17 =	sand.u32 @!p0 $0x280, s17;
	s20 =	sadd.s32 @!p0 s6, s20  }
0x75: {  	_ =	swait.ge @!p0 [sflag:s18], $0x4000;
	s17 =	sor.u32 @!p0 s17, s20  }
0x76: {  	[sflag:s18] =	ssyncset.done @!p0 $0x0;
	s17 =	sshrl.u32 @!p0 s17, $0x3  }
0x77: {  	[sflag:s18] =	ssyncadd.s32 @!p0 $0xFFFFC000;
	s18 =	sadd.s32 @!p0 s5, s17  }
0x78: {  	[tilespmem:s16], [sflag:$0x6] =	stream.linear.gather @!p0 [hbm4b:s18+s19], $0x80, $0x38;
	[tilespmem:$0x1C000] =	vst v63  }
0x79: {  	s16 =	sadd.s32 @!p0 s2, s17;
	s17 =	simm.s32 @!p0 $0x280  }
0x7a: {  	[tilespmem:s17], [sflag:$0x6] =	stream.linear.gather @!p0 [hbm4b:s16+s19], $0x80, $0x38;
	[tilespmem:$0x1C000] =	vst v63  }
0x7b: {  	_ =	swait.ge [sflag:s10], $0x80  }
0x7c: {  	[sflag:s10] =	ssyncset.done $0x0  }
0x7d: {  	[sflag:s10] =	ssyncadd.s32 $0xFFFFFF80  }
0x7e: {  	_ =	swait.ge [sflag:s10], $0x80  }
0x7f: {  	[sflag:s10] =	ssyncset.done $0x0  }
0x80: {  	[sflag:s10] =	ssyncadd.s32 $0xFFFFFF80  }
0x81: {  	[tilespmem:s0], [sflag:$0x2] =	stream.indirect.gather [hbm4b:s7+s22], $0x80, s26, s22, $0xb8;
	[tilespmem:$0x1C000] =	vst v63  }
0x82: {  	_ =	swait.ge [sflag:s1], $0x4000  }
0x83: {  	[sflag:s1] =	ssyncset.done $0x0  }
0x84: {  	[sflag:s1] =	ssyncadd.s32 $0xFFFFC000  }
0x85: {  	[spmem:s3] =	stream.indirect.scatter.add.f32 [tilespmem:s30], [sflag:$0x3], $0x80, s25, s22, $0xb8;
	[tilespmem:$0x1C000] =	vst v63  }
0x86: {  	_ =	swait.ge [sflag:s8], $0x4000  }
0x87: {  	[sflag:s8] =	ssyncset.done $0x0  }
.Ltmp2:
0x88: {  	[sflag:s8] =	ssyncadd.s32 $0xFFFFC000;
	(pc) =	sbr.rel @p0 .LBB2_4-.Ltmp2, $4  }
0x89: {  	[spmem:s3] =	stream.indirect.scatter.add.f32 [tilespmem:s0], [sflag:$0x4], $0x80, s11, s22, $0xb8;
	[tilespmem:$0x1C000] =	vst v63  }
0x8a: {  	_ =	swait.ge [sflag:s9], $0x4000  }
0x8b: {  	[sflag:s9] =	ssyncset.done $0x0  }
0x8c: {  	[sflag:s9] =	ssyncadd.s32 $0xFFFFC000  }
0x8d: {  	s16 =	sadd.s32 $0xFFFFFF80, s15  }
0x8e: {  	s17 =	sand.u32 $0x7C00, s16  }
0x8f: {  	s16 =	sand.u32 $0x300, s16;
	s17 =	sadd.s32 s6, s17  }
0x90: {  	s16 =	sor.u32 s16, s17  }
0x91: {  	s16 =	sshrl.u32 s16, $0x3  }
0x92: {  	s20 =	sadd.s32 s5, s16  }
0x93: {  	[tilespmem:s24], [sflag:$0x7] =	stream.linear.gather [hbm4b:s20+s4], $0x80, $0x38;
	[tilespmem:$0x1C000] =	vst v63  }
0x94: {  	s16 =	sadd.s32 s2, s16  }
0x95: {  	[tilespmem:s25], [sflag:$0x7] =	stream.linear.gather [hbm4b:s16+s4], $0x80, $0x38;
	[tilespmem:$0x1C000] =	vst v63  }
0x96: {  	_ =	swait.ge [sflag:s29], $0x80  }
0x97: {  	[sflag:s29] =	ssyncset.done $0x0  }
0x98: {  	[sflag:s29] =	ssyncadd.s32 $0xFFFFFF80  }
0x99: {  	_ =	swait.ge [sflag:s29], $0x80  }
0x9a: {  	s18 =	sand.u32 $0x7C00, s15;
	[sflag:s29] =	ssyncset.done $0x0  }
0x9b: {  	s19 =	sand.u32 $0x380, s15;
	s16 =	sadd.s32 s6, s18;
	[sflag:s29] =	ssyncadd.s32 $0xFFFFFF80  }
0x9c: {  	[tilespmem:s30], [sflag:$0x1] =	stream.indirect.gather [hbm4b:s7+s22], $0x80, s4, s22, $0xb8;
	[tilespmem:$0x1C000] =	vst v63  }
0x9d: {  	s16 =	sor.u32 s19, s16;
	_ =	swait.ge [sflag:s12], $0x4000  }
0x9e: {  	s16 =	sshrl.u32 s16, $0x3;
	[sflag:s12] =	ssyncset.done $0x0  }
0x9f: {  	s20 =	sadd.s32 s5, s16;
	[sflag:s12] =	ssyncadd.s32 $0xFFFFC000  }
0xa0: {  	[tilespmem:s26], [sflag:$0x8] =	stream.linear.gather [hbm4b:s20+s4], $0x80, $0x38;
	[tilespmem:$0x1C000] =	vst v63  }
0xa1: {  	s16 =	sadd.s32 s2, s16  }
0xa2: {  	[tilespmem:s11], [sflag:$0x8] =	stream.linear.gather [hbm4b:s16+s4], $0x80, $0x38;
	[tilespmem:$0x1C000] =	vst v63  }
0xa3: {  	_ =	swait.ge [sflag:s31], $0x80  }
0xa4: {  	[sflag:s31] =	ssyncset.done $0x0  }
.Ltmp3:
0xa5: {  	[sflag:s31] =	ssyncadd.s32 $0xFFFFFF80;
	(pc) =	sbr.rel .LBB2_2-.Ltmp3, $4  }
0xa6: {  	_ =	swait.ge [sflag:s31], $0x80  }
0xa7: {  	[sflag:s31] =	ssyncset.done $0x0  }
0xa8: {  	s15 =	sadd.s32 $0x200, s15;
	[sflag:s31] =	ssyncadd.s32 $0xFFFFFF80  }
0xa9: {  	[tilespmem:s0], [sflag:$0x2] =	stream.indirect.gather [hbm4b:s7+s22], $0x80, s22, s22, $0xb8;
	[tilespmem:$0x1C000] =	vst v63  }
.LBB2_5:
0xaa: {  	_ =	sfence.sel $0x180000  }
0xab: {  	[bflag:$0x0] =	sbarrier.arrive $0xFFFF  }
0xac: {  	_ =	strace $0x9000004A  }
0xad: {  	s0 =	stileid.u32;
	[bflag:$0x2] =	sbarrier.arrive $0xFFFF  }
0xae: {  	p0 =	sne.s32 s0, $0x0;
	s0 =	rddreg [dreg:$0x3]  }
0xaf: {  	s0 =	sadd.s32 @!p0 $0x100000, s0  }
0xb0: {  	[sflag:s0] =	ssyncadd.tile.s32 @!p0 $0x1;
	_ =	shalt  }
.Lfunc_end2:
_tile_overlayer_lowered:
.L_overlay_start_2:
0xb1: {  	(tag) =	ssettag $0x2  }
0xb2: {  	s0 =	rddreg [dreg:$0x0];
	s2 =	stileid.u32  }
0xb3: {  	s1 =	rddreg [dreg:$0x1];
	p0 =	sne.s32 s2, $0x0  }
0xb4: {  	s3 =	rddreg [dreg:$0x2];
	[bflag:$0x3] =	sbarrier.arrive $0xFFFF;
	s2 =	simm.s32 @!p0 $0x1C09  }
0xb5: {  	[timem:s3], [sflag:s2] =	dma.local @!p0 [hbm:s0], s1  }
0xb6: {  	s0 =	simm.s32 @!p0 $0x9  }
0xb7: {  	_ =	swait.ge @!p0 [sflag:s0], s1  }
0xb8: {  	s1 =	ssub.s32 @!p0 $0x0, s1;
	[sflag:s0] =	ssyncset.done @!p0 $0x0  }
0xb9: {  	[sflag:s0] =	ssyncadd.s32 @!p0 s1  }
0xba: {  	[bflag:$0x3] =	sbarrier.arrive $0xFFFF  }
0xbb: {  	_ =	shalt  }

// kernel: kernel.15.cloned.1.call-start
scs
__scs_entry_jumppad:
0x0: {  	(pc) =	sbr.rel $0x88, $3  }
0x1: {  	(tag) =	ssettag $0x0;
	lr =	simm.s32 $0x1  }
0x2: {  	[smem:$0x3F99] =	sst lr;
	_ =	strace $0xD0000000  }
0x3: {  	_ = 	snop  }
0x4: {  	_ = 	snop  }
0x5: {  	_ = 	snop  }
0x6: {  	_ = 	snop  }
0x7: {  	_ = 	snop  }
__scs_overlays_trampoline_lowered:
0x8: {  	[smem:$0x3FA8] =	sst s0  }
0x9: {  	[smem:$0x3FA9] =	sst s1  }
0xa: {  	[smem:$0x3FAA] =	sst s2  }
0xb: {  	[smem:$0x3FAB] =	sst s3  }
0xc: {  	[smem:$0x3FAC] =	sst s4  }
0xd: {  	[smem:$0x3FAD] =	sst s5  }
0xe: {  	[smem:$0x3FAE] =	sst s6  }
0xf: {  	[smem:$0x3FAF] =	sst s7  }
0x10: {  	[smem:$0x3FB0] =	sst s8  }
0x11: {  	[smem:$0x3FB1] =	sst s9;
	s0 =	simm.s32 @!p0 $0x0  }
0x12: {  	s1 =	sld [smem:$0x3F97];
	s0 =	simm.s32 @p0 $0x1  }
0x13: {  	[smem:$0x3FB2] =	sst s0;
	s0 =	simm.s32 @!p1 $0x0  }
0x14: {  	s2 =	sld [smem:$0x3F96];
	s0 =	simm.s32 @p1 $0x1  }
0x15: {  	[smem:$0x3FB3] =	sst s0;
	s0 =	simm.s32 @!p2 $0x0  }
0x16: {  	s3 =	sld [smem:$0x3FDB];
	s0 =	simm.s32 @p2 $0x1  }
0x17: {  	s4 =	simm.s32 $0x1BF5;
	[smem:$0x3FB5] =	sst s0  }
0x18: {  	s0 =	sld [smem:$0x3F98];
	_ =	swait.ge [sflag:s4], $0x0  }
0x19: {  	s7 =	sld [smem:$0x3F99]  }
0x1a: {  	s8 =	sadd.s32 $0xFFFFE003, lr  }
0x1b: {  	s9 =	sadd.s32 $0xFFFFFEF7, lr;
	s5 =	simm.s32 $0xFFFFFFFF;
	p2 =	slt.u32 s8, $0xFFFFF086  }
0x1c: {  	p1 =	slt.u32 s9, $0xF7A;
	s5 =	simm.s32 @!p2 $0x0  }
0x1d: {  	s5 =	simm.s32 @p1 $0x1;
	p0 =	seq.s32 s7, s2  }
0x1e: {  	s7 =	smul.u32 @!p0 $0xF7A, s2;
	p2 =	seq.s32 @!p0 s5, $0x0  }
0x1f: {  	s9 =	smul.u32 $0xF7A, s1;
	s8 =	simm.s32 @!p0 $0x1BF5;
	p2 =	por !p2, p0  }
0x20: {  	[sflag:s8] =	ssyncset.s32 @!p0 $0xFFFFF086;
	s6 =	sadd.s32 @!p0 s3, s7;
	s7 =	simm.s32 @!p0 $0x108  }
0x21: {  	s3 =	sadd.s32 s3, s9;
	s6 =	sadd.s32 @!p0 $0x88, s6;
	s7 =	simm.s32 @p2 $0x1082  }
0x22: {  	[simem:s7], [sflag:s8] =	dma.local @!p0 [hbm:s6], $0xF7A  }
0x23: {  	s9 =	sor.u32 $0xD0000000, s2;
	s6 =	simm.s32 $0x108;
	_ =	swait.ge @!p0 [sflag:s8], $0x0  }
0x24: {  	s3 =	sadd.s32 $0x88, s3;
	s6 =	simm.s32 @!p1 $0x1082;
	[sflag:s4] =	ssyncset.s32 $0xFFFFF086  }
0x25: {  	[simem:s6], [sflag:s4] =	dma.local [hbm:s3], $0xF7A  }
0x26: {  	[smem:$0x3F99] =	sst s1;
	(tag) =	ssettag s2;
	_ =	strace s9  }
0x27: {  	s1 =	sld [smem:$0x3FA9]  }
0x28: {  	s2 =	sld [smem:$0x3FAA]  }
0x29: {  	s4 =	sld [smem:$0x3FAC]  }
0x2a: {  	p0 =	seq.s32 s5, $0x0;
	s5 =	sld [smem:$0x3FAD]  }
0x2b: {  	s6 =	sld [smem:$0x3FAE]  }
0x2c: {  	s7 =	sld [smem:$0x3FAF]  }
0x2d: {  	s3 =	simm.s32 $0x108;
	s8 =	sld [smem:$0x3FB0]  }
0x2e: {  	s3 =	simm.s32 @!p0 $0x1082;
	s9 =	sld [smem:$0x3FB1]  }
0x2f: {  	lr =	sadd.s32 s0, s3;
	s0 =	sld [smem:$0x3FA8]  }
0x30: {  	s3 =	sld [smem:$0x3FAB]  }
0x31: {  	[smem:$0x3FB4] =	sst s10  }
0x32: {  	s10 =	sld [smem:$0x3FB2];
	_ =	sdelay $0x3  }
0x33: {  	p0 =	seq.s32 s10, $0x1;
	s10 =	sld [smem:$0x3FB4];
	_ =	sdelay $0x3  }
0x34: {  	[smem:$0x3FB4] =	sst s10  }
0x35: {  	s10 =	sld [smem:$0x3FB3];
	_ =	sdelay $0x3  }
0x36: {  	p1 =	seq.s32 s10, $0x1;
	s10 =	sld [smem:$0x3FB4];
	_ =	sdelay $0x3  }
0x37: {  	[smem:$0x3FB4] =	sst s10  }
0x38: {  	s10 =	sld [smem:$0x3FB5]  }
0x39: {  	_ = 	snop;
	(pc) =	sbr.ind lr, $3  }
0x3a: {  	_ = 	snop  }
0x3b: {  	_ = 	snop  }
0x3c: {  	p2 =	seq.s32 s10, $0x1;
	s10 =	sld [smem:$0x3FB4]  }
0x3d: {  	_ =	shalt  }
0x3e: {  	_ =	shalt  }
0x3f: {  	_ =	shalt  }
0x40: {  	_ =	shalt  }
0x41: {  	_ =	shalt  }
0x42: {  	_ =	shalt  }
0x43: {  	_ =	shalt  }
0x44: {  	_ =	shalt  }
0x45: {  	_ =	shalt  }
0x46: {  	_ =	shalt  }
0x47: {  	_ =	shalt  }
0x48: {  	_ =	shalt  }
0x49: {  	_ =	shalt  }
0x4a: {  	_ =	shalt  }
0x4b: {  	_ =	shalt  }
0x4c: {  	_ =	shalt  }
0x4d: {  	_ =	shalt  }
0x4e: {  	_ =	shalt  }
0x4f: {  	_ =	shalt  }
0x50: {  	_ =	shalt  }
0x51: {  	_ =	shalt  }
0x52: {  	_ =	shalt  }
0x53: {  	_ =	shalt  }
0x54: {  	_ =	shalt  }
0x55: {  	_ =	shalt  }
0x56: {  	_ =	shalt  }
0x57: {  	_ =	shalt  }
0x58: {  	_ =	shalt  }
0x59: {  	_ =	shalt  }
0x5a: {  	_ =	shalt  }
0x5b: {  	_ =	shalt  }
0x5c: {  	_ =	shalt  }
0x5d: {  	_ =	shalt  }
0x5e: {  	_ =	shalt  }
0x5f: {  	_ =	shalt  }
0x60: {  	_ =	shalt  }
0x61: {  	_ =	shalt  }
0x62: {  	_ =	shalt  }
0x63: {  	_ =	shalt  }
0x64: {  	_ =	shalt  }
0x65: {  	_ =	shalt  }
0x66: {  	_ =	shalt  }
0x67: {  	_ =	shalt  }
0x68: {  	_ =	shalt  }
0x69: {  	_ =	shalt  }
0x6a: {  	_ =	shalt  }
0x6b: {  	_ =	shalt  }
0x6c: {  	_ =	shalt  }
0x6d: {  	_ =	shalt  }
0x6e: {  	_ =	shalt  }
0x6f: {  	_ =	shalt  }
0x70: {  	_ =	shalt  }
0x71: {  	_ =	shalt  }
0x72: {  	_ =	shalt  }
0x73: {  	_ =	shalt  }
0x74: {  	_ =	shalt  }
0x75: {  	_ =	shalt  }
0x76: {  	_ =	shalt  }
0x77: {  	_ =	shalt  }
0x78: {  	_ =	shalt  }
0x79: {  	_ =	shalt  }
0x7a: {  	_ =	shalt  }
0x7b: {  	_ =	shalt  }
0x7c: {  	_ =	shalt  }
0x7d: {  	_ =	shalt  }
0x7e: {  	_ =	shalt  }
0x7f: {  	_ =	shalt  }
0x80: {  	_ =	shalt  }
0x81: {  	_ =	shalt  }
0x82: {  	_ =	shalt  }
0x83: {  	_ =	shalt  }
0x84: {  	_ =	shalt  }
0x85: {  	_ =	shalt  }
0x86: {  	_ =	shalt  }
0x87: {  	_ =	shalt  }
.Lfunc_end0:
.L_simem_size_0:
called_computation.2_lowered:
.L_overlay_start_0:
0x88: {  	s2 =	sld [smem:$0x3FD9]  }
0x89: {  	s3 =	sld [smem:$0x3FFE];
	_ =	sdelay $0x1  }
0x8a: {  	s1 =	srdreg.scid  }
0x8b: {  	s0 =	sand.u32 $0x1, s1  }
0x8c: {  	s17 =	sshll.u32 s0, $0xA;
	s2 =	sadd.s32 s3, s2  }
0x8d: {  	s2 =	sadd.s32 s2, s17  }
0x8e: {  	[smem:$0x3FC0] =	sst s2  }
0x8f: {  	_ = 	snop  }
0x90: {  	s2 =	sld [smem:$0x3FD0];
	(tm) =	ssettm $0x1  }
0x91: {  	s18 =	sld [smem:$0x3FFB];
	_ =	sdelay $0x3  }
0x92: {  	_ =	strace s18  }
0x93: {  	s3 =	sld [smem:$0x3FFC];
	_ =	sdelay $0x3  }
0x94: {  	_ =	strace s3  }
0x95: {  	s3 =	sld [smem:$0x3FFD];
	_ =	sdelay $0x3  }
0x96: {  	_ =	strace s3  }
0x97: {  	_ =	strace $0x8FFFFFFF  }
0x98: {  	s19 =	sld [smem:$0x3FDB];
	_ =	sdelay $0x1  }
0x99: {  	s4 =	simm.s32 $_scs_section_size  }
0x9a: {  	s5 =	simm.s32 $_size__tile_overlayer_lowered;
	s6 =	simm.s32 $_tile_overlayer_lowered  }
0x9b: {  	s22 =	simm.s32 $0x1BFF;
	s21 =	sshll.u32 s6, $0x1;
	s3 =	sadd.s32 s4, s19  }
0x9c: {  	s7 =	simm.s32 $0x0;
	s20 =	sshll.u32 s5, $0x1;
	s5 =	sadd.s32 s21, s3  }
0x9d: {  	[timem:s7], [sflag:s22] =	dma.local [hbm:s5], s20  }
0x9e: {  	_ =	swait.ge [sflag:s22], s20  }
0x9f: {  	s4 =	ssub.s32 $0x0, s20;
	[sflag:s22] =	ssyncset.done $0x0  }
0xa0: {  	[sflag:s22] =	ssyncadd.s32 s4;
	_ =	sdelay $0x1  }
0xa1: {  	s23 =	simm.s32 $0x1B8B  }
0xa2: {  	_ =	swait.ge [sflag:s23], $0x1  }
0xa3: {  	[sflag:s23] =	ssyncset.done $0x0  }
0xa4: {  	s25 =	simm.s32 $0x1B8E;
	s24 =	sld [smem:$0x3FFE];
	[sflag:s23] =	ssyncadd.s32 $0xFFFFFFFF  }
0xa5: {  	s26 =	simm.s32 $execute0_lowered;
	[smem:$0x3FD2] =	sst s25  }
0xa6: {  	s5 =	sshll.u32 s26, $0x1;
	_ =	strace $0x8000004C;
	[dreg:$0x1] =	wrdreg $0xFFFFFFFF  }
0xa7: {  	s28 =	simm.s32 $_size_execute0_lowered;
	s3 =	sadd.s32 s3, s5;
	[dreg:$0x0] =	wrdreg $0x0  }
0xa8: {  	s5 =	sshll.u32 s28, $0x1;
	[dreg:$0x2] =	wrdreg s3  }
0xa9: {  	[dreg:$0x3] =	wrdreg s5  }
0xaa: {  	[dreg:$0x4] =	wrdreg $0xC0  }
0xab: {  	_ =	task [dreg:s7], $0x5FFFF  }
0xac: {  	[dreg:$0x1] =	wrdreg $0xFFFFFFFF  }
0xad: {  	[dreg:$0x0] =	wrdreg $0x60  }
0xae: {  	[dreg:$0x2] =	wrdreg s24  }
0xaf: {  	[dreg:$0x3] =	wrdreg s2  }
0xb0: {  	[dreg:$0x4] =	wrdreg $0x84000  }
0xb1: {  	[dreg:$0x5] =	wrdreg $0x9  }
0xb2: {  	_ =	task.clear_ibuf [dreg:s7], $0x6FFFF;
	_ =	strace $0x9000004C  }
0xb3: {  	s29 =	simm.s32 $0x9;
	_ =	strace $0x8000004E  }
0xb4: {  	_ =	swait.ge [sflag:s29], $0x1  }
0xb5: {  	[sflag:s29] =	ssyncadd.s32 $0xFFFFFFFF  }
0xb6: {  	_ =	strace $0x9000004E  }
0xb7: {  	_ =	sfence  }
0xb8: {  	s30 =	sld [smem:$0x0];
	_ =	sdelay $0x2  }
0xb9: {  	s31 =	sshll.u32 s1, $0xD;
	s1 =	sshrl.u32 s1, $0x2  }
0xba: {  	s3 =	sand.u32 $0x4000, s31;
	s1 =	sadd.s32 s1, s30  }
0xbb: {  	s0 =	sor.u32 s3, s0;
	s1 =	sshll.u32 s1, $0x11  }
0xbc: {  	s0 =	sor.u32 s1, s0  }
0xbd: {  	s0 =	sadd.s32 $0x8F2B, s0  }
0xbe: {  	[sflag:s0] =	ssyncadd.remote.s32 $0x1  }
0xbf: {  	_ =	sfence.sel $0xFFFF  }
0xc0: {  	[dreg:$0x0] =	wrdreg $0xFFFFFFFF;
	(pc) =	sbr.abs _section_cstart, $3  }
0xc1: {  	[dreg:$0x1] =	wrdreg $0xFFFFFFFF  }
0xc2: {  	_ =	task.clear_ibuf [dreg:s7], $0x2FFFF;
	_ =	strace $0x9FFFFFFF  }
0xc3: {  	(tm) =	ssettm $0x7FFFFFFF  }
tec
execute0_lowered:
.L_overlay_start_1:
0x0: {  	(tag) =	ssettag $0x1  }
0x1: {  	s0 =	rddreg [dreg:$0x0]  }
0x2: {  	s2 =	rddreg [dreg:$0x1]  }
0x3: {  	s3 =	rddreg [dreg:$0x2]  }
0x4: {  	s1 =	srdreg.scid;
	s12 =	stileid.u32;
	s4 =	simm.s32 $0x0  }
0x5: {  	s28 =	simm.s32 $0x9;
	s29 =	simm.s32 $0x5;
	s30 =	simm.s32 $0x400  }
0x6: {  	s31 =	simm.s32 $0x6;
	s1 =	sand.u32 $0x1, s1;
	s8 =	smul.u32 $0x13C00, s12  }
0x7: {  	[smem:$0x7FF] =	sst s4;
	s21 =	smul.u32 $0x4F000, s12;
	s25 =	sshll.u32 s12, $0x6  }
0x8: {  	s6 =	smul.u32 $0x13C000, s1;
	s5 =	sshll.u32 s1, $0x4;
	_ =	strace $0x8000004D  }
0x9: {  	s1 =	ssub.s32 $0x2, s1;
	s7 =	sor.u32 s12, s5;
	s5 =	sadd.s32 $0x79200, s0  }
0xa: {  	s16 =	sshrl.u32 s1, $0x1;
	s24 =	sshrl.u32 s21, $0x2;
	s21 =	simm.s32 $0x200  }
0xb: {  	s12 =	simm.s32 $0x4;
	s9 =	sadd.s32 s8, s6;
	s6 =	smul.u32 $0x2800, s7  }
0xc: {  	s7 =	sadd.s32 $0x2A00, s0;
	s1 =	ssub.s32 s1, s16;
	s8 =	sshrl.u32 s8, $0x3  }
0xd: {  	s16 =	sor.u32 $0x1C09, s25;
	s25 =	simm.s32 $0x300;
	s9 =	sshrl.u32 s9, $0x3  }
0xe: {  	s8 =	sadd.s32 s7, s8;
	s26 =	smax.u32 s1, $0x1;
	[dreg:$0xe] =	wrdreg s16  }
0xf: {  	s1 =	simm.s32 $0x1;
	s0 =	sadd.s32 s9, s0;
	[dreg:$0xd] =	wrdreg s8  }
0x10: {  	s10 =	sshrl.u32 s6, $0x3;
	[dreg:$0x10] =	wrdreg s26;
	s26 =	simm.s32 $0x180  }
0x11: {  	s8 =	simm.s32 $0x2;
	s17 =	sadd.s32 s5, s10;
	s18 =	sor.u32 $0x10, s10  }
0x12: {  	s11 =	sadd.s32 s2, s10;
	s20 =	sor.u32 $0x20, s10;
	[dreg:$0x4] =	wrdreg s17  }
0x13: {  	s10 =	sor.u32 $0x30, s10;
	s0 =	sadd.s32 $0x2A200, s0;
	[dreg:$0x5] =	wrdreg s11  }
0x14: {  	s19 =	sadd.s32 s5, s18;
	s9 =	sadd.s32 s2, s18;
	[dreg:$0xf] =	wrdreg s0  }
0x15: {  	s13 =	sadd.s32 s5, s20;
	s22 =	sadd.s32 s5, s10;
	[dreg:$0x6] =	wrdreg s19  }
0x16: {  	s23 =	sadd.s32 s2, s10;
	s0 =	simm.s32 $0x4400;
	[dreg:$0x7] =	wrdreg s9  }
.Ltmp0:
0x17: {  	s10 =	simm.s32 $0x8;
	[dreg:$0x8] =	wrdreg s13;
	(pc) =	sbr.rel .LBB2_1-.Ltmp0, $4  }
0x18: {  	s11 =	simm.s32 $0x380;
	s9 =	sadd.s32 s2, s20;
	[dreg:$0xa] =	wrdreg s22  }
0x19: {  	[dreg:$0xb] =	wrdreg s23;
	s22 =	simm.s32 $0x80;
	s23 =	simm.s32 $0x280  }
0x1a: {  	s13 =	simm.s32 $0x0;
	[dreg:$0x9] =	wrdreg s9;
	s9 =	sadd.s32 s24, s3  }
0x1b: {  	s24 =	simm.s32 $0x100;
	[dreg:$0xc] =	wrdreg s9;
	s9 =	simm.s32 $0x3  }
.LBB2_4:
0x1c: {  	_ =	swait.ge [sflag:s12], $0x4000  }
0x1d: {  	[sflag:s12] =	ssyncset.done $0x0  }
0x1e: {  	[sflag:s12] =	ssyncadd.s32 $0xFFFFC000  }
0x1f: {  	[bflag:$0x0] =	sbarrier.arrive $0xFFFF  }
0x20: {  	s16 =	rddreg [dreg:$0xe]  }
0x21: {  	s15 =	rddreg [dreg:$0xf]  }
0x22: {  	[hbm:s15], [sflag:s16] =	dma.local [spmem:s14], $0x2780  }
0x23: {  	_ =	swait.ge [sflag:s28], $0x2780  }
0x24: {  	s13 =	sadd.s32 $0x1, s13;
	s20 =	rddreg [dreg:$0x10]  }
0x25: {  	p0 =	sne.s32 s13, s20  }
.Ltmp1:
0x26: {  	_ = 	snop;
	(pc) =	sbr.rel @!p0 .LBB2_5-.Ltmp1, $3  }
0x27: {  	_ =	sdelay $0x1  }
0x28: {  	[sflag:s28] =	ssyncset.done $0x0  }
0x29: {  	[sflag:s28] =	ssyncadd.s32 $0xFFFFD880  }
.LBB2_1:
0x2a: {  	s14 =	rddreg [dreg:$0x4]  }
0x2b: {  	s18 =	rddreg [dreg:$0x5]  }
0x2c: {  	s19 =	rddreg [dreg:$0x6]  }
0x2d: {  	[tilespmem:s4], [sflag:$0x5] =	stream.linear.gather [hbm4b:s14+s4], $0x80, $0x38;
	[tilespmem:$0x1C000] =	vst v63  }
0x2e: {  	s20 =	rddreg [dreg:$0x7]  }
0x2f: {  	[tilespmem:s21], [sflag:$0x5] =	stream.linear.gather [hbm4b:s18+s4], $0x80, $0x38;
	[tilespmem:$0x1C000] =	vst v63  }
0x30: {  	s15 =	rddreg [dreg:$0x8]  }
0x31: {  	[tilespmem:s22], [sflag:$0x6] =	stream.linear.gather [hbm4b:s19+s4], $0x80, $0x38;
	[tilespmem:$0x1C000] =	vst v63  }
0x32: {  	s17 =	rddreg [dreg:$0x9]  }
0x33: {  	[tilespmem:s23], [sflag:$0x6] =	stream.linear.gather [hbm4b:s20+s4], $0x80, $0x38;
	[tilespmem:$0x1C000] =	vst v63  }
0x34: {  	s18 =	rddreg [dreg:$0xa]  }
0x35: {  	[tilespmem:s24], [sflag:$0x7] =	stream.linear.gather [hbm4b:s15+s4], $0x80, $0x38;
	[tilespmem:$0x1C000] =	vst v63  }
0x36: {  	s19 =	rddreg [dreg:$0xb]  }
0x37: {  	[tilespmem:s25], [sflag:$0x7] =	stream.linear.gather [hbm4b:s17+s4], $0x80, $0x38;
	[tilespmem:$0x1C000] =	vst v63  }
0x38: {  	s20 =	rddreg [dreg:$0xc]  }
0x39: {  	[tilespmem:s26], [sflag:$0x8] =	stream.linear.gather [hbm4b:s18+s4], $0x80, $0x38;
	[tilespmem:$0x1C000] =	vst v63  }
0x3a: {  	s14 =	sshrl.u32 s20, $0x3;
	s15 =	rddreg [dreg:$0xd]  }
0x3b: {  	[tilespmem:s11], [sflag:$0x8] =	stream.linear.gather [hbm4b:s19+s4], $0x80, $0x38;
	[tilespmem:$0x1C000] =	vst v63  }
0x3c: {  	[spmem:s14], [sflag:s16] =	dma.local [hbm:s15], $0x2780  }
0x3d: {  	_ =	swait.ge [sflag:s28], $0x2780  }
0x3e: {  	[sflag:s28] =	ssyncset.done $0x0  }
0x3f: {  	[sflag:s28] =	ssyncadd.s32 $0xFFFFD880  }
0x40: {  	[bflag:$0x0] =	sbarrier.arrive $0xFFFF  }
0x41: {  	_ =	swait.ge [sflag:s29], $0x80  }
0x42: {  	[sflag:s29] =	ssyncset.done $0x0  }
0x43: {  	[sflag:s29] =	ssyncadd.s32 $0xFFFFFF80  }
0x44: {  	_ =	swait.ge [sflag:s29], $0x80  }
0x45: {  	[sflag:s29] =	ssyncset.done $0x0  }
0x46: {  	[sflag:s29] =	ssyncadd.s32 $0xFFFFFF80  }
0x47: {  	[tilespmem:s30], [sflag:$0x1] =	stream.indirect.gather [hbm4b:s7+s22], $0x80, s4, s22, $0xb8;
	[tilespmem:$0x1C000] =	vst v63  }
0x48: {  	_ =	swait.ge [sflag:s31], $0x80  }
0x49: {  	[sflag:s31] =	ssyncset.done $0x0  }
0x4a: {  	[sflag:s31] =	ssyncadd.s32 $0xFFFFFF80  }
0x4b: {  	_ =	swait.ge [sflag:s31], $0x80  }
0x4c: {  	[sflag:s31] =	ssyncset.done $0x0  }
0x4d: {  	s15 =	simm.s32 $0x380;
	[sflag:s31] =	ssyncadd.s32 $0xFFFFFF80  }
0x4e: {  	[tilespmem:s0], [sflag:$0x2] =	stream.indirect.gather [hbm4b:s7+s22], $0x80, s22, s22, $0xb8;
	[tilespmem:$0x1C000] =	vst v63  }
.LBB2_2:
0x4f: {  	_ =	swait.ge [sflag:s1], $0x4000  }
0x50: {  	[sflag:s1] =	ssyncset.done $0x0  }
0x51: {  	[sflag:s1] =	ssyncadd.s32 $0xFFFFC000  }
0x52: {  	[spmem:s3] =	stream.indirect.scatter.add.f32 [tilespmem:s30], [sflag:$0x3], $0x80, s21, s22, $0xb8;
	[tilespmem:$0x1C000] =	vst v63  }
0x53: {  	_ =	swait.ge [sflag:s8], $0x4000  }
0x54: {  	[sflag:s8] =	ssyncset.done $0x0  }
0x55: {  	[sflag:s8] =	ssyncadd.s32 $0xFFFFC000  }
0x56: {  	[spmem:s3] =	stream.indirect.scatter.add.f32 [tilespmem:s0], [sflag:$0x4], $0x80, s23, s22, $0xb8;
	[tilespmem:$0x1C000] =	vst v63  }
0x57: {  	_ =	swait.ge [sflag:s9], $0x4000  }
0x58: {  	p0 =	seq.s32 s15, $0x2980;
	[sflag:s9] =	ssyncset.done $0x0  }
0x59: {  	s16 =	simm.s32 @p0 $0x7;
	[sflag:s9] =	ssyncadd.s32 $0xFFFFC000  }
0x5a: {  	_ =	swait.ge @p0 [sflag:s16], $0x80  }
0x5b: {  	[sflag:s16] =	ssyncset.done @p0 $0x0  }
0x5c: {  	[sflag:s16] =	ssyncadd.s32 @p0 $0xFFFFFF80  }
0x5d: {  	_ =	swait.ge @p0 [sflag:s16], $0x80  }
0x5e: {  	s17 =	simm.s32 @p0 $0x100;
	[sflag:s16] =	ssyncset.done @p0 $0x0  }
0x5f: {  	s19 =	simm.s32 @p0 $0x400;
	[sflag:s16] =	ssyncadd.s32 @p0 $0xFFFFFF80;
	s16 =	simm.s32 @p0 $0x80  }
0x60: {  	[tilespmem:s19], [sflag:$0x1] =	stream.indirect.gather @p0 [hbm4b:s7+s16], $0x80, s17, s16, $0xb8;
	[tilespmem:$0x1C000] =	vst v63  }
0x61: {  	s16 =	sadd.s32 @!p0 $0xFFFFFE80, s15  }
0x62: {  	s17 =	sand.u32 @!p0 $0x7C00, s16  }
0x63: {  	s19 =	simm.s32 @p0 $0x4;
	s16 =	sand.u32 @!p0 $0x200, s16;
	s17 =	sadd.s32 @!p0 s6, s17  }
0x64: {  	_ =	swait.ge @p0 [sflag:s19], $0x4000;
	s16 =	sor.u32 @!p0 s16, s17  }
0x65: {  	[sflag:s19] =	ssyncset.done @p0 $0x0;
	s16 =	sshrl.u32 @!p0 s16, $0x3  }
0x66: {  	[sflag:s19] =	ssyncadd.s32 @p0 $0xFFFFC000;
	s19 =	simm.s32 @!p0 $0x0;
	s17 =	sadd.s32 @!p0 s5, s16  }
0x67: {  	[tilespmem:s19], [sflag:$0x5] =	stream.linear.gather @!p0 [hbm4b:s17+s19], $0x80, $0x38;
	[tilespmem:$0x1C000] =	vst v63  }
0x68: {  	s16 =	sadd.s32 @!p0 s2, s16;
	s17 =	simm.s32 @!p0 $0x200  }
0x69: {  	[tilespmem:s17], [sflag:$0x5] =	stream.linear.gather @!p0 [hbm4b:s16+s19], $0x80, $0x38;
	[tilespmem:$0x1C000] =	vst v63  }
0x6a: {  	s16 =	simm.s32 @!p0 $0x7  }
0x6b: {  	_ =	swait.ge @!p0 [sflag:s16], $0x80  }
0x6c: {  	[sflag:s16] =	ssyncset.done @!p0 $0x0  }
0x6d: {  	[sflag:s16] =	ssyncadd.s32 @!p0 $0xFFFFFF80  }
0x6e: {  	_ =	swait.ge @!p0 [sflag:s16], $0x80  }
0x6f: {  	s20 =	simm.s32 @!p0 $0x400;
	[sflag:s16] =	ssyncset.done @!p0 $0x0  }
0x70: {  	s17 =	simm.s32 @!p0 $0x100;
	[sflag:s16] =	ssyncadd.s32 @!p0 $0xFFFFFF80;
	s16 =	simm.s32 @!p0 $0x80  }
0x71: {  	[tilespmem:s20], [sflag:$0x1] =	stream.indirect.gather @!p0 [hbm4b:s7+s16], $0x80, s17, s16, $0xb8;
	[tilespmem:$0x1C000] =	vst v63  }
0x72: {  	s17 =	sadd.s32 @!p0 $0xFFFFFF00, s15  }
0x73: {  	s20 =	sand.u32 @!p0 $0x7C00, s17  }
0x74: {  	s18 =	simm.s32 @!p0 $0x4;
	s17 =	sand.u32 @!p0 $0x280, s17;
	s20 =	sadd.s32 @!p0 s6, s20  }
0x75: {  	_ =	swait.ge @!p0 [sflag:s18], $0x4000;
	s17 =	sor.u32 @!p0 s17, s20  }
0x76: {  	[sflag:s18] =	ssyncset.done @!p0 $0x0;
	s17 =	sshrl.u32 @!p0 s17, $0x3  }
0x77: {  	[sflag:s18] =	ssyncadd.s32 @!p0 $0xFFFFC000;
	s18 =	sadd.s32 @!p0 s5, s17  }
0x78: {  	[tilespmem:s16], [sflag:$0x6] =	stream.linear.gather @!p0 [hbm4b:s18+s19], $0x80, $0x38;
	[tilespmem:$0x1C000] =	vst v63  }
0x79: {  	s16 =	sadd.s32 @!p0 s2, s17;
	s17 =	simm.s32 @!p0 $0x280  }
0x7a: {  	[tilespmem:s17], [sflag:$0x6] =	stream.linear.gather @!p0 [hbm4b:s16+s19], $0x80, $0x38;
	[tilespmem:$0x1C000] =	vst v63  }
0x7b: {  	_ =	swait.ge [sflag:s10], $0x80  }
0x7c: {  	[sflag:s10] =	ssyncset.done $0x0  }
0x7d: {  	[sflag:s10] =	ssyncadd.s32 $0xFFFFFF80  }
0x7e: {  	_ =	swait.ge [sflag:s10], $0x80  }
0x7f: {  	[sflag:s10] =	ssyncset.done $0x0  }
0x80: {  	[sflag:s10] =	ssyncadd.s32 $0xFFFFFF80  }
0x81: {  	[tilespmem:s0], [sflag:$0x2] =	stream.indirect.gather [hbm4b:s7+s22], $0x80, s26, s22, $0xb8;
	[tilespmem:$0x1C000] =	vst v63  }
0x82: {  	_ =	swait.ge [sflag:s1], $0x4000  }
0x83: {  	[sflag:s1] =	ssyncset.done $0x0  }
0x84: {  	[sflag:s1] =	ssyncadd.s32 $0xFFFFC000  }
0x85: {  	[spmem:s3] =	stream.indirect.scatter.add.f32 [tilespmem:s30], [sflag:$0x3], $0x80, s25, s22, $0xb8;
	[tilespmem:$0x1C000] =	vst v63  }
0x86: {  	_ =	swait.ge [sflag:s8], $0x4000  }
0x87: {  	[sflag:s8] =	ssyncset.done $0x0  }
.Ltmp2:
0x88: {  	[sflag:s8] =	ssyncadd.s32 $0xFFFFC000;
	(pc) =	sbr.rel @p0 .LBB2_4-.Ltmp2, $4  }
0x89: {  	[spmem:s3] =	stream.indirect.scatter.add.f32 [tilespmem:s0], [sflag:$0x4], $0x80, s11, s22, $0xb8;
	[tilespmem:$0x1C000] =	vst v63  }
0x8a: {  	_ =	swait.ge [sflag:s9], $0x4000  }
0x8b: {  	[sflag:s9] =	ssyncset.done $0x0  }
0x8c: {  	[sflag:s9] =	ssyncadd.s32 $0xFFFFC000  }
0x8d: {  	s16 =	sadd.s32 $0xFFFFFF80, s15  }
0x8e: {  	s17 =	sand.u32 $0x7C00, s16  }
0x8f: {  	s16 =	sand.u32 $0x300, s16;
	s17 =	sadd.s32 s6, s17  }
0x90: {  	s16 =	sor.u32 s16, s17  }
0x91: {  	s16 =	sshrl.u32 s16, $0x3  }
0x92: {  	s20 =	sadd.s32 s5, s16  }
0x93: {  	[tilespmem:s24], [sflag:$0x7] =	stream.linear.gather [hbm4b:s20+s4], $0x80, $0x38;
	[tilespmem:$0x1C000] =	vst v63  }
0x94: {  	s16 =	sadd.s32 s2, s16  }
0x95: {  	[tilespmem:s25], [sflag:$0x7] =	stream.linear.gather [hbm4b:s16+s4], $0x80, $0x38;
	[tilespmem:$0x1C000] =	vst v63  }
0x96: {  	_ =	swait.ge [sflag:s29], $0x80  }
0x97: {  	[sflag:s29] =	ssyncset.done $0x0  }
0x98: {  	[sflag:s29] =	ssyncadd.s32 $0xFFFFFF80  }
0x99: {  	_ =	swait.ge [sflag:s29], $0x80  }
0x9a: {  	s18 =	sand.u32 $0x7C00, s15;
	[sflag:s29] =	ssyncset.done $0x0  }
0x9b: {  	s19 =	sand.u32 $0x380, s15;
	s16 =	sadd.s32 s6, s18;
	[sflag:s29] =	ssyncadd.s32 $0xFFFFFF80  }
0x9c: {  	[tilespmem:s30], [sflag:$0x1] =	stream.indirect.gather [hbm4b:s7+s22], $0x80, s4, s22, $0xb8;
	[tilespmem:$0x1C000] =	vst v63  }
0x9d: {  	s16 =	sor.u32 s19, s16;
	_ =	swait.ge [sflag:s12], $0x4000  }
0x9e: {  	s16 =	sshrl.u32 s16, $0x3;
	[sflag:s12] =	ssyncset.done $0x0  }
0x9f: {  	s20 =	sadd.s32 s5, s16;
	[sflag:s12] =	ssyncadd.s32 $0xFFFFC000  }
0xa0: {  	[tilespmem:s26], [sflag:$0x8] =	stream.linear.gather [hbm4b:s20+s4], $0x80, $0x38;
	[tilespmem:$0x1C000] =	vst v63  }
0xa1: {  	s16 =	sadd.s32 s2, s16  }
0xa2: {  	[tilespmem:s11], [sflag:$0x8] =	stream.linear.gather [hbm4b:s16+s4], $0x80, $0x38;
	[tilespmem:$0x1C000] =	vst v63  }
0xa3: {  	_ =	swait.ge [sflag:s31], $0x80  }
0xa4: {  	[sflag:s31] =	ssyncset.done $0x0  }
.Ltmp3:
0xa5: {  	[sflag:s31] =	ssyncadd.s32 $0xFFFFFF80;
	(pc) =	sbr.rel .LBB2_2-.Ltmp3, $4  }
0xa6: {  	_ =	swait.ge [sflag:s31], $0x80  }
0xa7: {  	[sflag:s31] =	ssyncset.done $0x0  }
0xa8: {  	s15 =	sadd.s32 $0x200, s15;
	[sflag:s31] =	ssyncadd.s32 $0xFFFFFF80  }
0xa9: {  	[tilespmem:s0], [sflag:$0x2] =	stream.indirect.gather [hbm4b:s7+s22], $0x80, s22, s22, $0xb8;
	[tilespmem:$0x1C000] =	vst v63  }
.LBB2_5:
0xaa: {  	_ =	sfence.sel $0x180000  }
0xab: {  	[bflag:$0x0] =	sbarrier.arrive $0xFFFF  }
0xac: {  	_ =	strace $0x9000004D  }
0xad: {  	s0 =	stileid.u32;
	[bflag:$0x2] =	sbarrier.arrive $0xFFFF  }
0xae: {  	p0 =	sne.s32 s0, $0x0;
	s0 =	rddreg [dreg:$0x3]  }
0xaf: {  	s0 =	sadd.s32 @!p0 $0x100000, s0  }
0xb0: {  	[sflag:s0] =	ssyncadd.tile.s32 @!p0 $0x1;
	_ =	shalt  }
.Lfunc_end2:
_tile_overlayer_lowered:
.L_overlay_start_2:
0xb1: {  	(tag) =	ssettag $0x2  }
0xb2: {  	s0 =	rddreg [dreg:$0x0];
	s2 =	stileid.u32  }
0xb3: {  	s1 =	rddreg [dreg:$0x1];
	p0 =	sne.s32 s2, $0x0  }
0xb4: {  	s3 =	rddreg [dreg:$0x2];
	[bflag:$0x3] =	sbarrier.arrive $0xFFFF;
	s2 =	simm.s32 @!p0 $0x1C09  }
0xb5: {  	[timem:s3], [sflag:s2] =	dma.local @!p0 [hbm:s0], s1  }
0xb6: {  	s0 =	simm.s32 @!p0 $0x9  }
0xb7: {  	_ =	swait.ge @!p0 [sflag:s0], s1  }
0xb8: {  	s1 =	ssub.s32 @!p0 $0x0, s1;
	[sflag:s0] =	ssyncset.done @!p0 $0x0  }
0xb9: {  	[sflag:s0] =	ssyncadd.s32 @!p0 s1  }
0xba: {  	[bflag:$0x3] =	sbarrier.arrive $0xFFFF  }
0xbb: {  	_ =	shalt  }

// kernel: kernel.9.cloned.1.call-start
scs
__scs_entry_jumppad:
0x0: {  	(pc) =	sbr.rel $0x88, $3  }
0x1: {  	(tag) =	ssettag $0x0;
	lr =	simm.s32 $0x1  }
0x2: {  	[smem:$0x3F99] =	sst lr;
	_ =	strace $0xD0000000  }
0x3: {  	_ = 	snop  }
0x4: {  	_ = 	snop  }
0x5: {  	_ = 	snop  }
0x6: {  	_ = 	snop  }
0x7: {  	_ = 	snop  }
__scs_overlays_trampoline_lowered:
0x8: {  	[smem:$0x3FA8] =	sst s0  }
0x9: {  	[smem:$0x3FA9] =	sst s1  }
0xa: {  	[smem:$0x3FAA] =	sst s2  }
0xb: {  	[smem:$0x3FAB] =	sst s3  }
0xc: {  	[smem:$0x3FAC] =	sst s4  }
0xd: {  	[smem:$0x3FAD] =	sst s5  }
0xe: {  	[smem:$0x3FAE] =	sst s6  }
0xf: {  	[smem:$0x3FAF] =	sst s7  }
0x10: {  	[smem:$0x3FB0] =	sst s8  }
0x11: {  	[smem:$0x3FB1] =	sst s9;
	s0 =	simm.s32 @!p0 $0x0  }
0x12: {  	s1 =	sld [smem:$0x3F97];
	s0 =	simm.s32 @p0 $0x1  }
0x13: {  	[smem:$0x3FB2] =	sst s0;
	s0 =	simm.s32 @!p1 $0x0  }
0x14: {  	s2 =	sld [smem:$0x3F96];
	s0 =	simm.s32 @p1 $0x1  }
0x15: {  	[smem:$0x3FB3] =	sst s0;
	s0 =	simm.s32 @!p2 $0x0  }
0x16: {  	s3 =	sld [smem:$0x3FDB];
	s0 =	simm.s32 @p2 $0x1  }
0x17: {  	s4 =	simm.s32 $0x1BF5;
	[smem:$0x3FB5] =	sst s0  }
0x18: {  	s0 =	sld [smem:$0x3F98];
	_ =	swait.ge [sflag:s4], $0x0  }
0x19: {  	s7 =	sld [smem:$0x3F99]  }
0x1a: {  	s8 =	sadd.s32 $0xFFFFE003, lr  }
0x1b: {  	s9 =	sadd.s32 $0xFFFFFEF7, lr;
	s5 =	simm.s32 $0xFFFFFFFF;
	p2 =	slt.u32 s8, $0xFFFFF086  }
0x1c: {  	p1 =	slt.u32 s9, $0xF7A;
	s5 =	simm.s32 @!p2 $0x0  }
0x1d: {  	s5 =	simm.s32 @p1 $0x1;
	p0 =	seq.s32 s7, s2  }
0x1e: {  	s7 =	smul.u32 @!p0 $0xF7A, s2;
	p2 =	seq.s32 @!p0 s5, $0x0  }
0x1f: {  	s9 =	smul.u32 $0xF7A, s1;
	s8 =	simm.s32 @!p0 $0x1BF5;
	p2 =	por !p2, p0  }
0x20: {  	[sflag:s8] =	ssyncset.s32 @!p0 $0xFFFFF086;
	s6 =	sadd.s32 @!p0 s3, s7;
	s7 =	simm.s32 @!p0 $0x108  }
0x21: {  	s3 =	sadd.s32 s3, s9;
	s6 =	sadd.s32 @!p0 $0x88, s6;
	s7 =	simm.s32 @p2 $0x1082  }
0x22: {  	[simem:s7], [sflag:s8] =	dma.local @!p0 [hbm:s6], $0xF7A  }
0x23: {  	s9 =	sor.u32 $0xD0000000, s2;
	s6 =	simm.s32 $0x108;
	_ =	swait.ge @!p0 [sflag:s8], $0x0  }
0x24: {  	s3 =	sadd.s32 $0x88, s3;
	s6 =	simm.s32 @!p1 $0x1082;
	[sflag:s4] =	ssyncset.s32 $0xFFFFF086  }
0x25: {  	[simem:s6], [sflag:s4] =	dma.local [hbm:s3], $0xF7A  }
0x26: {  	[smem:$0x3F99] =	sst s1;
	(tag) =	ssettag s2;
	_ =	strace s9  }
0x27: {  	s1 =	sld [smem:$0x3FA9]  }
0x28: {  	s2 =	sld [smem:$0x3FAA]  }
0x29: {  	s4 =	sld [smem:$0x3FAC]  }
0x2a: {  	p0 =	seq.s32 s5, $0x0;
	s5 =	sld [smem:$0x3FAD]  }
0x2b: {  	s6 =	sld [smem:$0x3FAE]  }
0x2c: {  	s7 =	sld [smem:$0x3FAF]  }
0x2d: {  	s3 =	simm.s32 $0x108;
	s8 =	sld [smem:$0x3FB0]  }
0x2e: {  	s3 =	simm.s32 @!p0 $0x1082;
	s9 =	sld [smem:$0x3FB1]  }
0x2f: {  	lr =	sadd.s32 s0, s3;
	s0 =	sld [smem:$0x3FA8]  }
0x30: {  	s3 =	sld [smem:$0x3FAB]  }
0x31: {  	[smem:$0x3FB4] =	sst s10  }
0x32: {  	s10 =	sld [smem:$0x3FB2];
	_ =	sdelay $0x3  }
0x33: {  	p0 =	seq.s32 s10, $0x1;
	s10 =	sld [smem:$0x3FB4];
	_ =	sdelay $0x3  }
0x34: {  	[smem:$0x3FB4] =	sst s10  }
0x35: {  	s10 =	sld [smem:$0x3FB3];
	_ =	sdelay $0x3  }
0x36: {  	p1 =	seq.s32 s10, $0x1;
	s10 =	sld [smem:$0x3FB4];
	_ =	sdelay $0x3  }
0x37: {  	[smem:$0x3FB4] =	sst s10  }
0x38: {  	s10 =	sld [smem:$0x3FB5]  }
0x39: {  	_ = 	snop;
	(pc) =	sbr.ind lr, $3  }
0x3a: {  	_ = 	snop  }
0x3b: {  	_ = 	snop  }
0x3c: {  	p2 =	seq.s32 s10, $0x1;
	s10 =	sld [smem:$0x3FB4]  }
0x3d: {  	_ =	shalt  }
0x3e: {  	_ =	shalt  }
0x3f: {  	_ =	shalt  }
0x40: {  	_ =	shalt  }
0x41: {  	_ =	shalt  }
0x42: {  	_ =	shalt  }
0x43: {  	_ =	shalt  }
0x44: {  	_ =	shalt  }
0x45: {  	_ =	shalt  }
0x46: {  	_ =	shalt  }
0x47: {  	_ =	shalt  }
0x48: {  	_ =	shalt  }
0x49: {  	_ =	shalt  }
0x4a: {  	_ =	shalt  }
0x4b: {  	_ =	shalt  }
0x4c: {  	_ =	shalt  }
0x4d: {  	_ =	shalt  }
0x4e: {  	_ =	shalt  }
0x4f: {  	_ =	shalt  }
0x50: {  	_ =	shalt  }
0x51: {  	_ =	shalt  }
0x52: {  	_ =	shalt  }
0x53: {  	_ =	shalt  }
0x54: {  	_ =	shalt  }
0x55: {  	_ =	shalt  }
0x56: {  	_ =	shalt  }
0x57: {  	_ =	shalt  }
0x58: {  	_ =	shalt  }
0x59: {  	_ =	shalt  }
0x5a: {  	_ =	shalt  }
0x5b: {  	_ =	shalt  }
0x5c: {  	_ =	shalt  }
0x5d: {  	_ =	shalt  }
0x5e: {  	_ =	shalt  }
0x5f: {  	_ =	shalt  }
0x60: {  	_ =	shalt  }
0x61: {  	_ =	shalt  }
0x62: {  	_ =	shalt  }
0x63: {  	_ =	shalt  }
0x64: {  	_ =	shalt  }
0x65: {  	_ =	shalt  }
0x66: {  	_ =	shalt  }
0x67: {  	_ =	shalt  }
0x68: {  	_ =	shalt  }
0x69: {  	_ =	shalt  }
0x6a: {  	_ =	shalt  }
0x6b: {  	_ =	shalt  }
0x6c: {  	_ =	shalt  }
0x6d: {  	_ =	shalt  }
0x6e: {  	_ =	shalt  }
0x6f: {  	_ =	shalt  }
0x70: {  	_ =	shalt  }
0x71: {  	_ =	shalt  }
0x72: {  	_ =	shalt  }
0x73: {  	_ =	shalt  }
0x74: {  	_ =	shalt  }
0x75: {  	_ =	shalt  }
0x76: {  	_ =	shalt  }
0x77: {  	_ =	shalt  }
0x78: {  	_ =	shalt  }
0x79: {  	_ =	shalt  }
0x7a: {  	_ =	shalt  }
0x7b: {  	_ =	shalt  }
0x7c: {  	_ =	shalt  }
0x7d: {  	_ =	shalt  }
0x7e: {  	_ =	shalt  }
0x7f: {  	_ =	shalt  }
0x80: {  	_ =	shalt  }
0x81: {  	_ =	shalt  }
0x82: {  	_ =	shalt  }
0x83: {  	_ =	shalt  }
0x84: {  	_ =	shalt  }
0x85: {  	_ =	shalt  }
0x86: {  	_ =	shalt  }
0x87: {  	_ =	shalt  }
.Lfunc_end0:
.L_simem_size_0:
called_computation_lowered:
.L_overlay_start_0:
0x88: {  	s2 =	sld [smem:$0x3FD9]  }
0x89: {  	s3 =	sld [smem:$0x3FFE];
	_ =	sdelay $0x1  }
0x8a: {  	s1 =	srdreg.scid  }
0x8b: {  	s0 =	sand.u32 $0x1, s1  }
0x8c: {  	s17 =	sshll.u32 s0, $0xA;
	s2 =	sadd.s32 s3, s2  }
0x8d: {  	s2 =	sadd.s32 s2, s17  }
0x8e: {  	[smem:$0x3FC0] =	sst s2  }
0x8f: {  	_ = 	snop  }
0x90: {  	s2 =	sld [smem:$0x3FD0];
	(tm) =	ssettm $0x1  }
0x91: {  	s18 =	sld [smem:$0x3FFB];
	_ =	sdelay $0x3  }
0x92: {  	_ =	strace s18  }
0x93: {  	s3 =	sld [smem:$0x3FFC];
	_ =	sdelay $0x3  }
0x94: {  	_ =	strace s3  }
0x95: {  	s3 =	sld [smem:$0x3FFD];
	_ =	sdelay $0x3  }
0x96: {  	_ =	strace s3  }
0x97: {  	_ =	strace $0x8FFFFFFF  }
0x98: {  	s19 =	sld [smem:$0x3FDB];
	_ =	sdelay $0x1  }
0x99: {  	s4 =	simm.s32 $_scs_section_size  }
0x9a: {  	s5 =	simm.s32 $_size__tile_overlayer_lowered;
	s6 =	simm.s32 $_tile_overlayer_lowered  }
0x9b: {  	s22 =	simm.s32 $0x1BFF;
	s21 =	sshll.u32 s6, $0x1;
	s3 =	sadd.s32 s4, s19  }
0x9c: {  	s7 =	simm.s32 $0x0;
	s20 =	sshll.u32 s5, $0x1;
	s5 =	sadd.s32 s21, s3  }
0x9d: {  	[timem:s7], [sflag:s22] =	dma.local [hbm:s5], s20  }
0x9e: {  	_ =	swait.ge [sflag:s22], s20  }
0x9f: {  	s4 =	ssub.s32 $0x0, s20;
	[sflag:s22] =	ssyncset.done $0x0  }
0xa0: {  	[sflag:s22] =	ssyncadd.s32 s4;
	_ =	sdelay $0x1  }
0xa1: {  	s23 =	simm.s32 $0x1B8B  }
0xa2: {  	_ =	swait.ge [sflag:s23], $0x1  }
0xa3: {  	[sflag:s23] =	ssyncset.done $0x0  }
0xa4: {  	s25 =	simm.s32 $0x1B8E;
	s24 =	sld [smem:$0x3FFE];
	[sflag:s23] =	ssyncadd.s32 $0xFFFFFFFF  }
0xa5: {  	s26 =	simm.s32 $execute0_lowered;
	[smem:$0x3FD2] =	sst s25  }
0xa6: {  	s5 =	sshll.u32 s26, $0x1;
	_ =	strace $0x80000046;
	[dreg:$0x1] =	wrdreg $0xFFFFFFFF  }
0xa7: {  	s28 =	simm.s32 $_size_execute0_lowered;
	s3 =	sadd.s32 s3, s5;
	[dreg:$0x0] =	wrdreg $0x0  }
0xa8: {  	s5 =	sshll.u32 s28, $0x1;
	[dreg:$0x2] =	wrdreg s3  }
0xa9: {  	[dreg:$0x3] =	wrdreg s5  }
0xaa: {  	[dreg:$0x4] =	wrdreg $0xC0  }
0xab: {  	_ =	task [dreg:s7], $0x5FFFF  }
0xac: {  	[dreg:$0x1] =	wrdreg $0xFFFFFFFF  }
0xad: {  	[dreg:$0x0] =	wrdreg $0x60  }
0xae: {  	[dreg:$0x2] =	wrdreg s2  }
0xaf: {  	[dreg:$0x3] =	wrdreg s24  }
0xb0: {  	[dreg:$0x4] =	wrdreg $0x42000  }
0xb1: {  	[dreg:$0x5] =	wrdreg $0x9  }
0xb2: {  	_ =	task.clear_ibuf [dreg:s7], $0x6FFFF;
	_ =	strace $0x90000046  }
0xb3: {  	s29 =	simm.s32 $0x9;
	_ =	strace $0x80000048  }
0xb4: {  	_ =	swait.ge [sflag:s29], $0x1  }
0xb5: {  	[sflag:s29] =	ssyncadd.s32 $0xFFFFFFFF  }
0xb6: {  	_ =	strace $0x90000048  }
0xb7: {  	_ =	sfence  }
0xb8: {  	s30 =	sld [smem:$0x0];
	_ =	sdelay $0x2  }
0xb9: {  	s31 =	sshll.u32 s1, $0xD;
	s1 =	sshrl.u32 s1, $0x2  }
0xba: {  	s3 =	sand.u32 $0x4000, s31;
	s1 =	sadd.s32 s1, s30  }
0xbb: {  	s0 =	sor.u32 s3, s0;
	s1 =	sshll.u32 s1, $0x11  }
0xbc: {  	s0 =	sor.u32 s1, s0  }
0xbd: {  	s0 =	sadd.s32 $0x8F2B, s0  }
0xbe: {  	[sflag:s0] =	ssyncadd.remote.s32 $0x1  }
0xbf: {  	_ =	sfence.sel $0xFFFF  }
0xc0: {  	[dreg:$0x0] =	wrdreg $0xFFFFFFFF;
	(pc) =	sbr.abs _section_cstart, $3  }
0xc1: {  	[dreg:$0x1] =	wrdreg $0xFFFFFFFF  }
0xc2: {  	_ =	task.clear_ibuf [dreg:s7], $0x2FFFF;
	_ =	strace $0x9FFFFFFF  }
0xc3: {  	(tm) =	ssettm $0x7FFFFFFF  }
tec
execute0_lowered:
.L_overlay_start_1:
0x0: {  	(tag) =	ssettag $0x1  }
0x1: {  	s2 =	rddreg [dreg:$0x0]  }
0x2: {  	s7 =	rddreg [dreg:$0x1];
	s0 =	srdreg.scid  }
0x3: {  	s3 =	rddreg [dreg:$0x2];
	s1 =	stileid.u32;
	s4 =	simm.s32 $0x0  }
0x4: {  	s15 =	simm.s32 $0x100;
	s16 =	simm.s32 $0x180;
	s18 =	simm.s32 $0x9  }
0x5: {  	s19 =	simm.s32 $0x5;
	s20 =	simm.s32 $0x200;
	s21 =	simm.s32 $0x6  }
0x6: {  	s22 =	simm.s32 $0x7;
	s23 =	simm.s32 $0x8;
	s24 =	simm.s32 $0x1  }
0x7: {  	s28 =	simm.s32 $0x4;
	s29 =	simm.s32 $0x0;
	s8 =	smul.u32 $0x13C00, s1  }
0x8: {  	s6 =	sand.u32 $0x1, s0;
	[smem:$0x7FF] =	sst s4;
	s12 =	smul.u32 $0x4F000, s1  }
0x9: {  	s31 =	sshll.u32 s1, $0x6;
	s5 =	sshll.u32 s6, $0x4;
	s9 =	smul.u32 $0x13C000, s6  }
0xa: {  	_ =	strace $0x80000047;
	s25 =	ssub.s32 $0x2, s6;
	s5 =	sor.u32 s1, s5  }
0xb: {  	s10 =	sshrl.u32 s8, $0x3;
	s11 =	sshrl.u32 s25, $0x1;
	s30 =	sshrl.u32 s12, $0x2  }
0xc: {  	s5 =	smul.u32 $0x2800, s5;
	s10 =	sadd.s32 s10, s7;
	s8 =	sadd.s32 s8, s9  }
0xd: {  	s14 =	ssub.s32 s25, s11;
	s17 =	sadd.s32 s30, s3;
	s11 =	sor.u32 $0x1C09, s31  }
.Ltmp0:
0xe: {  	s25 =	simm.s32 $0x2;
	s8 =	sshrl.u32 s8, $0x3;
	(pc) =	sbr.rel .LBB2_1-.Ltmp0, $4  }
0xf: {  	s10 =	sadd.s32 $0x2A00, s10;
	s26 =	sshrl.u32 s5, $0x3;
	s13 =	sadd.s32 s8, s7  }
0x10: {  	s17 =	sshrl.u32 s17, $0x3;
	s6 =	sadd.s32 s2, s26;
	s12 =	sadd.s32 $0x2A200, s13  }
0x11: {  	s13 =	smax.u32 s14, $0x1;
	s14 =	simm.s32 $0x80;
	s26 =	simm.s32 $0x3  }
0x12: {  	v0 =	vimm.f32 $1.000000000e+00;
	s7 =	sadd.s32 $0x10, s6;
	s8 =	sadd.s32 $0x20, s6;
	s9 =	sadd.s32 $0x30, s6  }
.LBB2_6:
0x13: {  	_ =	swait.ge [sflag:s25], $0x800  }
0x14: {  	[sflag:s25] =	ssyncset.done $0x0  }
0x15: {  	[sflag:s25] =	ssyncadd.s32 $0xFFFFF800  }
0x16: {  	_ =	swait.ge [sflag:s26], $0x800  }
0x17: {  	[sflag:s26] =	ssyncset.done $0x0  }
0x18: {  	[sflag:s26] =	ssyncadd.s32 $0xFFFFF800  }
0x19: {  	_ =	swait.ge [sflag:s28], $0x800  }
0x1a: {  	s29 =	sadd.s32 $0x1, s29;
	[sflag:s28] =	ssyncset.done $0x0  }
0x1b: {  	p0 =	sne.s32 s29, s13;
	[sflag:s28] =	ssyncadd.s32 $0xFFFFF800  }
.Ltmp1:
0x1c: {  	[bflag:$0x0] =	sbarrier.arrive $0xFFFF;
	(pc) =	sbr.rel @!p0 .LBB2_7-.Ltmp1, $4  }
0x1d: {  	[hbm:s12], [sflag:s11] =	dma.local [spmem:s17], $0x2780  }
0x1e: {  	_ =	swait.ge [sflag:s18], $0x2780  }
0x1f: {  	[sflag:s18] =	ssyncset.done $0x0  }
0x20: {  	[sflag:s18] =	ssyncadd.s32 $0xFFFFD880  }
.LBB2_1:
0x21: {  	s30 =	simm.s32 $0x200;
	s31 =	simm.s32 $0x0  }
.LBB2_2:
0x22: {  	p0 =	sne.s32 s30, $0xFE00;
	[tilespmem:s31+$0x200] =	vst v0;
	s31 =	smov.u32 s30;
	s30 =	sadd.s32 $0x200, s30  }
.Ltmp2:
0x23: {  	(pc) =	sbr.rel @p0 .LBB2_2-.Ltmp2, $2  }
0x24: {  	_ =	sdelay $0x2  }
0x25: {  	s31 =	sshra.s32 s31, $0x2  }
0x26: {  	[tilespmem:s31+$0x200] =	vst v0  }
0x27: {  	[tilespmem:s4], [sflag:$0x5] =	stream.linear.gather [hbm4b:s6+s4], $0x80, $0x38;
	[tilespmem:$0x6980] =	vst v63  }
0x28: {  	_ = 	snop  }
0x29: {  	[tilespmem:s14], [sflag:$0x6] =	stream.linear.gather [hbm4b:s7+s4], $0x80, $0x38;
	[tilespmem:$0x6980] =	vst v63  }
0x2a: {  	_ = 	snop  }
0x2b: {  	[tilespmem:s15], [sflag:$0x7] =	stream.linear.gather [hbm4b:s8+s4], $0x80, $0x38;
	[tilespmem:$0x6980] =	vst v63  }
0x2c: {  	_ = 	snop  }
0x2d: {  	[tilespmem:s16], [sflag:$0x8] =	stream.linear.gather [hbm4b:s9+s4], $0x80, $0x38;
	[tilespmem:$0x6980] =	vst v63  }
0x2e: {  	[spmem:s17], [sflag:s11] =	dma.local [hbm:s10], $0x2780  }
0x2f: {  	_ =	swait.ge [sflag:s18], $0x2780  }
0x30: {  	[sflag:s18] =	ssyncset.done $0x0  }
0x31: {  	[sflag:s18] =	ssyncadd.s32 $0xFFFFD880  }
0x32: {  	s30 =	simm.s32 $0x380;
	[bflag:$0x0] =	sbarrier.arrive $0xFFFF  }
.LBB2_4:
0x33: {  	_ =	swait.ge [sflag:s19], $0x80  }
0x34: {  	[sflag:s19] =	ssyncset.done $0x0  }
0x35: {  	[sflag:s19] =	ssyncadd.s32 $0xFFFFFF80  }
0x36: {  	[spmem:s3] =	stream.indirect.scatter.add.f32 [tilespmem:s20], [sflag:$0x1], $0x10, s4, s14, $0xb8;
	[tilespmem:$0x6980] =	vst v63  }
0x37: {  	_ =	swait.ge [sflag:s21], $0x80  }
0x38: {  	[sflag:s21] =	ssyncset.done $0x0  }
0x39: {  	[sflag:s21] =	ssyncadd.s32 $0xFFFFFF80  }
0x3a: {  	[spmem:s3] =	stream.indirect.scatter.add.f32 [tilespmem:s20], [sflag:$0x2], $0x10, s14, s14, $0xb8;
	[tilespmem:$0x6980] =	vst v63  }
0x3b: {  	_ =	swait.ge [sflag:s22], $0x80  }
0x3c: {  	[sflag:s22] =	ssyncset.done $0x0  }
0x3d: {  	[sflag:s22] =	ssyncadd.s32 $0xFFFFFF80  }
0x3e: {  	[spmem:s3] =	stream.indirect.scatter.add.f32 [tilespmem:s20], [sflag:$0x3], $0x10, s15, s14, $0xb8;
	[tilespmem:$0x6980] =	vst v63  }
0x3f: {  	_ =	swait.ge [sflag:s23], $0x80  }
0x40: {  	p0 =	seq.s32 s30, $0x2980;
	[sflag:s23] =	ssyncset.done $0x0  }
.Ltmp3:
0x41: {  	[sflag:s23] =	ssyncadd.s32 $0xFFFFFF80;
	(pc) =	sbr.rel @p0 .LBB2_6-.Ltmp3, $4  }
0x42: {  	[spmem:s3] =	stream.indirect.scatter.add.f32 [tilespmem:s20], [sflag:$0x4], $0x10, s16, s14, $0xb8;
	[tilespmem:$0x6980] =	vst v63  }
0x43: {  	_ =	swait.ge [sflag:s24], $0x800  }
0x44: {  	[sflag:s24] =	ssyncset.done $0x0  }
0x45: {  	[sflag:s24] =	ssyncadd.s32 $0xFFFFF800  }
0x46: {  	s31 =	sadd.s32 $0xFFFFFE80, s30  }
0x47: {  	s0 =	sand.u32 $0x7C00, s31  }
0x48: {  	s31 =	sand.u32 $0x200, s31;
	s0 =	sadd.s32 s5, s0  }
0x49: {  	s0 =	sor.u32 s31, s0  }
0x4a: {  	s0 =	sshrl.u32 s0, $0x3  }
0x4b: {  	s0 =	sadd.s32 s2, s0  }
0x4c: {  	[tilespmem:s4], [sflag:$0x5] =	stream.linear.gather [hbm4b:s0+s4], $0x80, $0x38;
	[tilespmem:$0x6980] =	vst v63  }
0x4d: {  	s0 =	sadd.s32 $0xFFFFFF00, s30  }
0x4e: {  	s31 =	sand.u32 $0x7C00, s0  }
0x4f: {  	s0 =	sand.u32 $0x280, s0;
	s31 =	sadd.s32 s5, s31  }
0x50: {  	_ =	swait.ge [sflag:s25], $0x800;
	s0 =	sor.u32 s0, s31  }
0x51: {  	[sflag:s25] =	ssyncset.done $0x0;
	s0 =	sshrl.u32 s0, $0x3  }
0x52: {  	[sflag:s25] =	ssyncadd.s32 $0xFFFFF800;
	s0 =	sadd.s32 s2, s0  }
0x53: {  	[tilespmem:s14], [sflag:$0x6] =	stream.linear.gather [hbm4b:s0+s4], $0x80, $0x38;
	[tilespmem:$0x6980] =	vst v63  }
0x54: {  	s0 =	sadd.s32 $0xFFFFFF80, s30  }
0x55: {  	s31 =	sand.u32 $0x7C00, s0  }
0x56: {  	s0 =	sand.u32 $0x300, s0;
	s31 =	sadd.s32 s5, s31  }
0x57: {  	_ =	swait.ge [sflag:s26], $0x800;
	s0 =	sor.u32 s0, s31  }
0x58: {  	[sflag:s26] =	ssyncset.done $0x0;
	s0 =	sshrl.u32 s0, $0x3  }
0x59: {  	[sflag:s26] =	ssyncadd.s32 $0xFFFFF800;
	s31 =	sand.u32 $0x7C00, s30;
	s0 =	sadd.s32 s2, s0  }
0x5a: {  	[tilespmem:s15], [sflag:$0x7] =	stream.linear.gather [hbm4b:s0+s4], $0x80, $0x38;
	[tilespmem:$0x6980] =	vst v63  }
.Ltmp4:
0x5b: {  	s0 =	sadd.s32 s5, s31;
	s31 =	sand.u32 $0x380, s30;
	(pc) =	sbr.rel .LBB2_4-.Ltmp4, $4  }
0x5c: {  	_ =	swait.ge [sflag:s28], $0x800;
	s0 =	sor.u32 s31, s0  }
0x5d: {  	[sflag:s28] =	ssyncset.done $0x0;
	s0 =	sshrl.u32 s0, $0x3  }
0x5e: {  	s30 =	sadd.s32 $0x200, s30;
	[sflag:s28] =	ssyncadd.s32 $0xFFFFF800;
	s0 =	sadd.s32 s2, s0  }
0x5f: {  	[tilespmem:s16], [sflag:$0x8] =	stream.linear.gather [hbm4b:s0+s4], $0x80, $0x38;
	[tilespmem:$0x6980] =	vst v63  }
.LBB2_7:
0x60: {  	_ =	sfence.sel $0x180000  }
0x61: {  	[bflag:$0x0] =	sbarrier.arrive $0xFFFF  }
0x62: {  	_ =	strace $0x90000047  }
0x63: {  	[bflag:$0x2] =	sbarrier.arrive $0xFFFF  }
0x64: {  	p0 =	sne.s32 s1, $0x0;
	s0 =	rddreg [dreg:$0x3]  }
0x65: {  	s0 =	sadd.s32 @!p0 $0x100000, s0  }
0x66: {  	[sflag:s0] =	ssyncadd.tile.s32 @!p0 $0x1;
	_ =	shalt  }
.Lfunc_end2:
_tile_overlayer_lowered:
.L_overlay_start_2:
0x67: {  	(tag) =	ssettag $0x2  }
0x68: {  	s0 =	rddreg [dreg:$0x0];
	s2 =	stileid.u32  }
0x69: {  	s1 =	rddreg [dreg:$0x1];
	p0 =	sne.s32 s2, $0x0  }
0x6a: {  	s3 =	rddreg [dreg:$0x2];
	[bflag:$0x3] =	sbarrier.arrive $0xFFFF;
	s2 =	simm.s32 @!p0 $0x1C09  }
0x6b: {  	[timem:s3], [sflag:s2] =	dma.local @!p0 [hbm:s0], s1  }
0x6c: {  	s0 =	simm.s32 @!p0 $0x9  }
0x6d: {  	_ =	swait.ge @!p0 [sflag:s0], s1  }
0x6e: {  	s1 =	ssub.s32 @!p0 $0x0, s1;
	[sflag:s0] =	ssyncset.done @!p0 $0x0  }
0x6f: {  	[sflag:s0] =	ssyncadd.s32 @!p0 s1  }
0x70: {  	[bflag:$0x3] =	sbarrier.arrive $0xFFFF  }
0x71: {  	_ =	shalt  }

</sc_bundles>
